<compile_context>
chip_gen: v7x
topology: tpu7x:2x2x1
jax: 0.10.2.dev20260603
libtpu: 0.0.44.dev20260713+nightly
codegen_flags: <defaults>
</compile_context>

<pallas_src>
import jax
import jax.numpy as jnp
from jax import lax
from jax.experimental import pallas as pl
from jax.experimental.pallas import tpu as pltpu
from jax.experimental.pallas import tpu_sc as plsc

NC = 2
NS = 16
NW = NC * NS
L = 16

B = 16384
J = 20
EMB = 64

B_W = B // NW
CB = 16
NCH = B_W // CB
NEG_ROWS = CB * J
G = 64
NG = NEG_ROWS // G
NB_W = B_W * J
PAD = L

V = 1000000
CPB = 32768
UPB = CPB // 2
NFB = V // CPB
VU = (NFB + 1) * UPB
CPB_LOG2 = CPB.bit_length() - 1
UPB_LOG2 = UPB.bit_length() - 1


def _tx_body(t_ref, out_ref):
    eye = jnp.eye(EMB, dtype=jnp.float32)
    x = t_ref[...]
    out_ref[:, 0:EMB] = jax.lax.dot_general(
        x[:, 0:UPB], eye, (((0,), (0,)), ((), ())),
        preferred_element_type=jnp.float32)
    out_ref[:, EMB:2 * EMB] = jax.lax.dot_general(
        x[:, UPB:CPB], eye, (((0,), (0,)), ((), ())),
        preferred_element_type=jnp.float32)


def _transpose_pack(table):
    return pl.pallas_call(
        _tx_body,
        grid=(NFB + 1,),
        in_specs=[pl.BlockSpec((EMB, CPB), lambda j: (0, j))],
        out_specs=pl.BlockSpec((UPB, 2 * EMB), lambda j: (j, 0)),
        out_shape=jax.ShapeDtypeStruct((VU, 2 * EMB), jnp.float32),
    )(table.T)


def _sgns_body(c_h, o_h, n_h, vemb, uemb, pos_h, negout_h,
               cidx, oidx, nidx, cg, og, ng, vrows0, orows0, nrows0,
               vrows1, orows1, nrows1, posb, negb, sem0, sem1):
    w = lax.axis_index("s") * NC + lax.axis_index("c")

    pltpu.sync_copy(c_h.at[w], cidx.at[pl.ds(0, B_W)])
    pltpu.sync_copy(o_h.at[w], oidx.at[pl.ds(0, B_W)])
    pltpu.sync_copy(n_h.at[w], nidx.at[pl.ds(0, NB_W)])

    lane = lax.iota(jnp.int32, L)
    last = lane == (L - 1)

    def unit_of(x):
        return lax.shift_left(lax.shift_right_logical(x, CPB_LOG2),
                              UPB_LOG2) | (x & (UPB - 1))

    def shift_co(i, carry):
        cg[pl.ds(i * L, L)] = unit_of(cidx[pl.ds(i * L, L)])
        og[pl.ds(i * L, L)] = unit_of(oidx[pl.ds(i * L, L)])
        return carry

    def shift_n(i, carry):
        ng[pl.ds(i * L, L)] = unit_of(nidx[pl.ds(i * L, L)])
        return carry

    lax.fori_loop(0, B_W // L, shift_co, 0)
    lax.fori_loop(0, NB_W // L, shift_n, 0)

    bufs = ((vrows0, orows0, nrows0, sem0), (vrows1, orows1, nrows1, sem1))

    def gather_ops(ch, vrows, orows, nrows, sem):
        ops = [
            pltpu.make_async_copy(vemb.at[cg.at[pl.ds(ch * CB, CB)]],
                                  vrows, sem),
            pltpu.make_async_copy(uemb.at[og.at[pl.ds(ch * CB, CB)]],
                                  orows, sem),
        ]
        for k in range(NG):
            ops.append(pltpu.make_async_copy(
                uemb.at[ng.at[pl.ds((ch * NG + k) * G, G)]],
                nrows.at[pl.ds(k * G, G)], sem))
        return ops

    for op in gather_ops(0, *bufs[0]):
        op.start()

    def compute_chunk(ch, vrows, orows, nrows):
        def bbody(bl, c2):
            fb = ch * CB + bl
            co_vec = cidx[pl.ds(fb, L)]
            oo_vec = oidx[pl.ds(fb, L)]
            voff = jnp.where((co_vec[0] & UPB) != 0, EMB, 0)
            v0 = vrows[bl, pl.ds(voff, L)]
            v1 = vrows[bl, pl.ds(voff + L, L)]
            v2 = vrows[bl, pl.ds(voff + 2 * L, L)]
            v3 = vrows[bl, pl.ds(voff + 3 * L, L)]

            def dot_store(rref, row, off, pos):
                acc = rref[row, pl.ds(off, L)] * v0
                acc = acc + rref[row, pl.ds(off + L, L)] * v1
                acc = acc + rref[row, pl.ds(off + 2 * L, L)] * v2
                acc = acc + rref[row, pl.ds(off + 3 * L, L)] * v3
                s = plsc.cumsum(acc)
                idx = jnp.full((L,), pos, dtype=jnp.int32)
                plsc.store_scatter(negb, [idx], s, mask=last)

            po = jnp.where((oo_vec[0] & UPB) != 0, EMB, 0)
            acc = orows[bl, pl.ds(po, L)] * v0
            acc = acc + orows[bl, pl.ds(po + L, L)] * v1
            acc = acc + orows[bl, pl.ds(po + 2 * L, L)] * v2
            acc = acc + orows[bl, pl.ds(po + 3 * L, L)] * v3
            s = plsc.cumsum(acc)
            idx = jnp.full((L,), fb, dtype=jnp.int32)
            plsc.store_scatter(posb, [idx], s, mask=last)

            fnb = fb * J
            pv0 = nidx[pl.ds(fnb, L)]
            pv1 = nidx[pl.ds(fnb + 4, L)]
            for j in range(J):
                n_orig = pv0[j] if j < L else pv1[j - 4]
                dot_store(nrows, bl * J + j,
                          jnp.where((n_orig & UPB) != 0, EMB, 0), fnb + j)
            return c2

        lax.fori_loop(0, CB, bbody, 0)

    def chunk2(i, carry):
        for par in (0, 1):
            ch = i * 2 + par

            @pl.when(ch + 1 < NCH)
            def _prefetch(par=par, ch=ch):
                for op in gather_ops(ch + 1, *bufs[1 - par]):
                    op.start()

            vrows, orows, nrows, sem = bufs[par]
            for op in gather_ops(ch, vrows, orows, nrows, sem):
                op.wait()
            compute_chunk(ch, vrows, orows, nrows)
        return carry

    lax.fori_loop(0, NCH // 2, chunk2, 0)

    def sig_pos(i, c2):
        x = posb[pl.ds(i * L, L)]
        posb[pl.ds(i * L, L)] = 1.0 / (1.0 + jnp.exp(-x))
        return c2

    def sig_neg(i, c2):
        x = negb[pl.ds(i * L, L)]
        negb[pl.ds(i * L, L)] = 1.0 / (1.0 + jnp.exp(x))
        return c2

    lax.fori_loop(0, B_W // L, sig_pos, 0)
    lax.fori_loop(0, NB_W // L, sig_neg, 0)

    pltpu.sync_copy(posb, pos_h.at[w])
    pltpu.sync_copy(negb, negout_h.at[w])


@jax.jit
def _sgns(c_h, o_h, n_h, vemb, uemb):
    mesh = plsc.VectorSubcoreMesh(core_axis_name="c", subcore_axis_name="s",
                                  num_cores=NC, num_subcores=NS)
    f = pl.kernel(
        _sgns_body,
        out_type=(
            jax.ShapeDtypeStruct((NW, B_W), jnp.float32),
            jax.ShapeDtypeStruct((NW, NB_W), jnp.float32),
        ),
        mesh=mesh,
        scratch_types=[
            pltpu.VMEM((B_W + PAD,), jnp.int32),
            pltpu.VMEM((B_W + PAD,), jnp.int32),
            pltpu.VMEM((NB_W + PAD,), jnp.int32),
            pltpu.VMEM((B_W,), jnp.int32),
            pltpu.VMEM((B_W,), jnp.int32),
            pltpu.VMEM((NB_W,), jnp.int32),
            pltpu.VMEM((CB, 2 * EMB), jnp.float32),
            pltpu.VMEM((CB, 2 * EMB), jnp.float32),
            pltpu.VMEM((NEG_ROWS, 2 * EMB), jnp.float32),
            pltpu.VMEM((CB, 2 * EMB), jnp.float32),
            pltpu.VMEM((CB, 2 * EMB), jnp.float32),
            pltpu.VMEM((NEG_ROWS, 2 * EMB), jnp.float32),
            pltpu.VMEM((B_W,), jnp.float32),
            pltpu.VMEM((NB_W,), jnp.float32),
            pltpu.SemaphoreType.DMA,
            pltpu.SemaphoreType.DMA,
        ],
        compiler_params=pltpu.CompilerParams(needs_layout_passes=False,
                                             use_tc_tiling_on_sc=True),
    )
    return f(c_h, o_h, n_h, vemb, uemb)


def kernel(c, o, neg, vEmbedding, uEmbedding):
    c_h = c.reshape(NW, B_W).astype(jnp.int32)
    o_h = o.reshape(NW, B_W).astype(jnp.int32)
    n_h = neg.reshape(NW, NB_W).astype(jnp.int32)
    v2 = _transpose_pack(vEmbedding)
    u2 = _transpose_pack(uEmbedding)
    pos, negout = _sgns(c_h, o_h, n_h, v2, u2)
    return pos.reshape(B, 1), negout.reshape(B, J, 1)

# --- scband reference (transcript-rebuilt; emitter-appended) ---
"""Pipeline reference for scband-sgns-68865505624087 (READ-ONLY COPY).

The authoritative reference and input builder live on the scoring server;
editing this copy changes nothing except your own understanding.
"""

import jax, jax.numpy as jnp
import numpy as np

VOCAB = 1000000
EMB = 64
B = 16384
K = 1
J = 20

def setup_inputs(seed: int = 0) -> dict:
    key = jax.random.key(seed)
    k1, k2, k3, k4, k5 = jax.random.split(key, 5)
    c = jax.random.randint(k1, (B, K), 0, VOCAB, dtype=jnp.int64) if jax.config.jax_enable_x64 else jax.random.randint(k1, (B, K), 0, VOCAB).astype(jnp.int32)
    o = jax.random.randint(k2, (B, K), 0, VOCAB).astype(c.dtype)
    neg = jax.random.randint(k3, (B, J, K), 0, VOCAB).astype(c.dtype)
    vEmbedding = jax.random.normal(k4, (VOCAB, EMB), dtype=jnp.float32)
    uEmbedding = jax.random.normal(k5, (VOCAB, EMB), dtype=jnp.float32)
    return {"c": c, "o": o, "neg": neg, "vEmbedding": vEmbedding, "uEmbedding": uEmbedding}

def reference(c, o, neg, vEmbedding, uEmbedding):
    # vv = vEmbedding(c): [B, K, EMB]
    vv = jnp.take(vEmbedding, c, axis=0)
    # uu = uEmbedding(o): [B, K, EMB]
    uu = jnp.take(uEmbedding, o, axis=0)
    # ng = uEmbedding(neg): [B, J, K, EMB]
    ng = jnp.take(uEmbedding, neg, axis=0)
    # pos = sigmoid(einsum('bki,bik->bk', uu, vv.mT)) == sigmoid(sum_i uu[b,k,i]*vv[b,k,i])
    pos = jax.nn.sigmoid(jnp.einsum('bki,bki->bk', uu, vv))
    # neg = sigmoid(-einsum('bjkl,blk->bjk', ng, vv.mT)) == sigmoid(-sum_l ng[b,j,k,l]*vv[b,k,l])
    neg_out = jax.nn.sigmoid(-jnp.einsum('bjkl,bkl->bjk', ng, vv))
    return (pos, neg_out)

if __name__ == "__main__":
    import jax
    _d = setup_inputs()
    print(jax.jit(kernel)(*tuple(_d.values())))

</pallas_src>

<mosaic_0001>
#map = affine_map<(d0, d1) -> (0, 0)>
module attributes {stable_mosaic.version = 14 : i64} {
  func.func @_sgns_body(%arg0: i32, %arg1: i32, %arg2: memref<32x512xi32, #tpu.memory_space<hbm>>, %arg3: memref<32x512xi32, #tpu.memory_space<hbm>>, %arg4: memref<32x10240xi32, #tpu.memory_space<hbm>>, %arg5: memref<507904x128xf32, #tpu.memory_space<hbm>>, %arg6: memref<507904x128xf32, #tpu.memory_space<hbm>>, %arg7: memref<32x512xf32, #tpu.memory_space<hbm>>, %arg8: memref<32x10240xf32, #tpu.memory_space<hbm>>, %arg9: memref<528xi32, #tpu.memory_space<vmem>>, %arg10: memref<528xi32, #tpu.memory_space<vmem>>, %arg11: memref<10256xi32, #tpu.memory_space<vmem>>, %arg12: memref<512xi32, #tpu.memory_space<vmem>>, %arg13: memref<512xi32, #tpu.memory_space<vmem>>, %arg14: memref<10240xi32, #tpu.memory_space<vmem>>, %arg15: memref<16x128xf32, #tpu.memory_space<vmem>>, %arg16: memref<16x128xf32, #tpu.memory_space<vmem>>, %arg17: memref<320x128xf32, #tpu.memory_space<vmem>>, %arg18: memref<16x128xf32, #tpu.memory_space<vmem>>, %arg19: memref<16x128xf32, #tpu.memory_space<vmem>>, %arg20: memref<320x128xf32, #tpu.memory_space<vmem>>, %arg21: memref<512xf32, #tpu.memory_space<vmem>>, %arg22: memref<10240xf32, #tpu.memory_space<vmem>>, %arg23: memref<!tpu.dma_semaphore, #tpu.memory_space<semaphore_mem>>, %arg24: memref<!tpu.dma_semaphore, #tpu.memory_space<semaphore_mem>>) attributes {dimension_semantics = [#tpu.dimension_semantics<core_parallel>, #tpu.dimension_semantics<subcore_parallel>], iteration_bounds = array<i64: 2, 16>, scalar_prefetch = 0 : i64, scratch_operands = 16 : i64, tpu.core_type = #tpu.core_type<sc_vector_subcore>, window_params = [{transform_indices = #map}, {transform_indices = #map}, {transform_indices = #map}, {transform_indices = #map}, {transform_indices = #map}, {transform_indices = #map}, {transform_indices = #map}]} {
    %mul3A = arith.constant 2 : i32
    %mul3A_0 = arith.muli %arg1, %mul3A : i32
    %add3A = arith.addi %mul3A_0, %arg0 : i32
    "tpu.region"() ({
      %run_scoped3A = tpu.sem_alloc : memref<!tpu.dma_semaphore, #tpu.memory_space<semaphore_mem>>
      %dma_start3A_81 = arith.constant 0 : i32
      %dma_start3A_82 = tpu.memref_slice %arg9[%dma_start3A_81] : memref<528xi32, #tpu.memory_space<vmem>> -> memref<512xi32, #tpu.memory_space<vmem>>
      %dma_start3A_83 = arith.constant 0 : i32
      %dma_start3A_84 = tpu.memref_slice %arg2[%add3A, %dma_start3A_83] : memref<32x512xi32, #tpu.memory_space<hbm>> -> memref<1x512xi32, #tpu.memory_space<hbm>>
      %dma_start3A_85 = tpu.memref_squeeze %dma_start3A_84 : memref<1x512xi32, #tpu.memory_space<hbm>> -> memref<512xi32, #tpu.memory_space<hbm>>
      %dma_start3A_86 = arith.constant 0 : i32
      %dma_start3A_87 = tpu.memref_slice %arg9[%dma_start3A_86] : memref<528xi32, #tpu.memory_space<vmem>> -> memref<512xi32, #tpu.memory_space<vmem>>
      %dma_start3A_88 = arith.constant 0 : i32
      %dma_start3A_89 = tpu.memref_slice %arg2[%add3A, %dma_start3A_88] : memref<32x512xi32, #tpu.memory_space<hbm>> -> memref<1x512xi32, #tpu.memory_space<hbm>>
      %dma_start3A_90 = tpu.memref_squeeze %dma_start3A_89 : memref<1x512xi32, #tpu.memory_space<hbm>> -> memref<512xi32, #tpu.memory_space<hbm>>
      tpu.enqueue_dma source(%dma_start3A_90 : memref<512xi32, #tpu.memory_space<hbm>>) target(%dma_start3A_87 : memref<512xi32, #tpu.memory_space<vmem>>) target_semaphore(%run_scoped3A : memref<!tpu.dma_semaphore, #tpu.memory_space<semaphore_mem>>)
      %dma_wait3A = arith.constant 0 : i32
      %dma_wait3A_91 = tpu.memref_slice %arg9[%dma_wait3A] : memref<528xi32, #tpu.memory_space<vmem>> -> memref<512xi32, #tpu.memory_space<vmem>>
      %dma_wait3A_92 = arith.constant 0 : i32
      %dma_wait3A_93 = tpu.memref_slice %arg2[%add3A, %dma_wait3A_92] : memref<32x512xi32, #tpu.memory_space<hbm>> -> memref<1x512xi32, #tpu.memory_space<hbm>>
      %dma_wait3A_94 = tpu.memref_squeeze %dma_wait3A_93 : memref<1x512xi32, #tpu.memory_space<hbm>> -> memref<512xi32, #tpu.memory_space<hbm>>
      %dma_wait3A_95 = arith.constant 0 : i32
      %dma_wait3A_96 = tpu.memref_slice %arg9[%dma_wait3A_95] : memref<528xi32, #tpu.memory_space<vmem>> -> memref<512xi32, #tpu.memory_space<vmem>>
      %dma_wait3A_97 = arith.constant 0 : i32
      %dma_wait3A_98 = tpu.memref_slice %arg2[%add3A, %dma_wait3A_97] : memref<32x512xi32, #tpu.memory_space<hbm>> -> memref<1x512xi32, #tpu.memory_space<hbm>>
      %dma_wait3A_99 = tpu.memref_squeeze %dma_wait3A_98 : memref<1x512xi32, #tpu.memory_space<hbm>> -> memref<512xi32, #tpu.memory_space<hbm>>
      tpu.wait_dma2 semaphore(%run_scoped3A : memref<!tpu.dma_semaphore, #tpu.memory_space<semaphore_mem>>) src(%dma_wait3A_99 : memref<512xi32, #tpu.memory_space<hbm>>) dst(%dma_wait3A_96 : memref<512xi32, #tpu.memory_space<vmem>>)
      tpu.yield
    }) : () -> ()
    "tpu.region"() ({
      %run_scoped3A = tpu.sem_alloc : memref<!tpu.dma_semaphore, #tpu.memory_space<semaphore_mem>>
      %dma_start3A_81 = arith.constant 0 : i32
      %dma_start3A_82 = tpu.memref_slice %arg10[%dma_start3A_81] : memref<528xi32, #tpu.memory_space<vmem>> -> memref<512xi32, #tpu.memory_space<vmem>>
      %dma_start3A_83 = arith.constant 0 : i32
      %dma_start3A_84 = tpu.memref_slice %arg3[%add3A, %dma_start3A_83] : memref<32x512xi32, #tpu.memory_space<hbm>> -> memref<1x512xi32, #tpu.memory_space<hbm>>
      %dma_start3A_85 = tpu.memref_squeeze %dma_start3A_84 : memref<1x512xi32, #tpu.memory_space<hbm>> -> memref<512xi32, #tpu.memory_space<hbm>>
      %dma_start3A_86 = arith.constant 0 : i32
      %dma_start3A_87 = tpu.memref_slice %arg10[%dma_start3A_86] : memref<528xi32, #tpu.memory_space<vmem>> -> memref<512xi32, #tpu.memory_space<vmem>>
      %dma_start3A_88 = arith.constant 0 : i32
      %dma_start3A_89 = tpu.memref_slice %arg3[%add3A, %dma_start3A_88] : memref<32x512xi32, #tpu.memory_space<hbm>> -> memref<1x512xi32, #tpu.memory_space<hbm>>
      %dma_start3A_90 = tpu.memref_squeeze %dma_start3A_89 : memref<1x512xi32, #tpu.memory_space<hbm>> -> memref<512xi32, #tpu.memory_space<hbm>>
      tpu.enqueue_dma source(%dma_start3A_90 : memref<512xi32, #tpu.memory_space<hbm>>) target(%dma_start3A_87 : memref<512xi32, #tpu.memory_space<vmem>>) target_semaphore(%run_scoped3A : memref<!tpu.dma_semaphore, #tpu.memory_space<semaphore_mem>>)
      %dma_wait3A = arith.constant 0 : i32
      %dma_wait3A_91 = tpu.memref_slice %arg10[%dma_wait3A] : memref<528xi32, #tpu.memory_space<vmem>> -> memref<512xi32, #tpu.memory_space<vmem>>
      %dma_wait3A_92 = arith.constant 0 : i32
      %dma_wait3A_93 = tpu.memref_slice %arg3[%add3A, %dma_wait3A_92] : memref<32x512xi32, #tpu.memory_space<hbm>> -> memref<1x512xi32, #tpu.memory_space<hbm>>
      %dma_wait3A_94 = tpu.memref_squeeze %dma_wait3A_93 : memref<1x512xi32, #tpu.memory_space<hbm>> -> memref<512xi32, #tpu.memory_space<hbm>>
      %dma_wait3A_95 = arith.constant 0 : i32
      %dma_wait3A_96 = tpu.memref_slice %arg10[%dma_wait3A_95] : memref<528xi32, #tpu.memory_space<vmem>> -> memref<512xi32, #tpu.memory_space<vmem>>
      %dma_wait3A_97 = arith.constant 0 : i32
      %dma_wait3A_98 = tpu.memref_slice %arg3[%add3A, %dma_wait3A_97] : memref<32x512xi32, #tpu.memory_space<hbm>> -> memref<1x512xi32, #tpu.memory_space<hbm>>
      %dma_wait3A_99 = tpu.memref_squeeze %dma_wait3A_98 : memref<1x512xi32, #tpu.memory_space<hbm>> -> memref<512xi32, #tpu.memory_space<hbm>>
      tpu.wait_dma2 semaphore(%run_scoped3A : memref<!tpu.dma_semaphore, #tpu.memory_space<semaphore_mem>>) src(%dma_wait3A_99 : memref<512xi32, #tpu.memory_space<hbm>>) dst(%dma_wait3A_96 : memref<512xi32, #tpu.memory_space<vmem>>)
      tpu.yield
    }) : () -> ()
    "tpu.region"() ({
      %run_scoped3A = tpu.sem_alloc : memref<!tpu.dma_semaphore, #tpu.memory_space<semaphore_mem>>
      %dma_start3A_81 = arith.constant 0 : i32
      %dma_start3A_82 = tpu.memref_slice %arg11[%dma_start3A_81] : memref<10256xi32, #tpu.memory_space<vmem>> -> memref<10240xi32, #tpu.memory_space<vmem>>
      %dma_start3A_83 = arith.constant 0 : i32
      %dma_start3A_84 = tpu.memref_slice %arg4[%add3A, %dma_start3A_83] : memref<32x10240xi32, #tpu.memory_space<hbm>> -> memref<1x10240xi32, #tpu.memory_space<hbm>>
      %dma_start3A_85 = tpu.memref_squeeze %dma_start3A_84 : memref<1x10240xi32, #tpu.memory_space<hbm>> -> memref<10240xi32, #tpu.memory_space<hbm>>
      %dma_start3A_86 = arith.constant 0 : i32
      %dma_start3A_87 = tpu.memref_slice %arg11[%dma_start3A_86] : memref<10256xi32, #tpu.memory_space<vmem>> -> memref<10240xi32, #tpu.memory_space<vmem>>
      %dma_start3A_88 = arith.constant 0 : i32
      %dma_start3A_89 = tpu.memref_slice %arg4[%add3A, %dma_start3A_88] : memref<32x10240xi32, #tpu.memory_space<hbm>> -> memref<1x10240xi32, #tpu.memory_space<hbm>>
      %dma_start3A_90 = tpu.memref_squeeze %dma_start3A_89 : memref<1x10240xi32, #tpu.memory_space<hbm>> -> memref<10240xi32, #tpu.memory_space<hbm>>
      tpu.enqueue_dma source(%dma_start3A_90 : memref<10240xi32, #tpu.memory_space<hbm>>) target(%dma_start3A_87 : memref<10240xi32, #tpu.memory_space<vmem>>) target_semaphore(%run_scoped3A : memref<!tpu.dma_semaphore, #tpu.memory_space<semaphore_mem>>)
      %dma_wait3A = arith.constant 0 : i32
      %dma_wait3A_91 = tpu.memref_slice %arg11[%dma_wait3A] : memref<10256xi32, #tpu.memory_space<vmem>> -> memref<10240xi32, #tpu.memory_space<vmem>>
      %dma_wait3A_92 = arith.constant 0 : i32
      %dma_wait3A_93 = tpu.memref_slice %arg4[%add3A, %dma_wait3A_92] : memref<32x10240xi32, #tpu.memory_space<hbm>> -> memref<1x10240xi32, #tpu.memory_space<hbm>>
      %dma_wait3A_94 = tpu.memref_squeeze %dma_wait3A_93 : memref<1x10240xi32, #tpu.memory_space<hbm>> -> memref<10240xi32, #tpu.memory_space<hbm>>
      %dma_wait3A_95 = arith.constant 0 : i32
      %dma_wait3A_96 = tpu.memref_slice %arg11[%dma_wait3A_95] : memref<10256xi32, #tpu.memory_space<vmem>> -> memref<10240xi32, #tpu.memory_space<vmem>>
      %dma_wait3A_97 = arith.constant 0 : i32
      %dma_wait3A_98 = tpu.memref_slice %arg4[%add3A, %dma_wait3A_97] : memref<32x10240xi32, #tpu.memory_space<hbm>> -> memref<1x10240xi32, #tpu.memory_space<hbm>>
      %dma_wait3A_99 = tpu.memref_squeeze %dma_wait3A_98 : memref<1x10240xi32, #tpu.memory_space<hbm>> -> memref<10240xi32, #tpu.memory_space<hbm>>
      tpu.wait_dma2 semaphore(%run_scoped3A : memref<!tpu.dma_semaphore, #tpu.memory_space<semaphore_mem>>) src(%dma_wait3A_99 : memref<10240xi32, #tpu.memory_space<hbm>>) dst(%dma_wait3A_96 : memref<10240xi32, #tpu.memory_space<vmem>>)
      tpu.yield
    }) : () -> ()
    %iota3A = tpu.iota {dimensions = array<i32: 0>} : vector<16xi32>
    %eq3A = arith.constant 15 : i32
    %eq3A_1 = vector.broadcast %eq3A : i32 to vector<16xi32>
    %eq3A_2 = arith.cmpi eq, %iota3A, %eq3A_1 : vector<16xi32>
    %scan3A = arith.constant 0 : i32
    %scan3A_3 = arith.constant 0 : i32
    %scan3A_4 = arith.constant 32 : i32
    %scan3A_5 = arith.addi %scan3A_3, %scan3A_4 : i32
    %scan3A_6 = arith.constant 1 : i32
    scf.for %scan3A_81 = %scan3A_3 to %scan3A_5 step %scan3A_6  : i32 {
      %mul3A_82 = arith.constant 16 : i32
      %mul3A_83 = arith.muli %scan3A_81, %mul3A_82 : i32
      %get3A = arith.index_cast %mul3A_83 : i32 to index
      %get3A_84 = tpu.vector_load %arg9[%get3A] {strides = array<i32>} : memref<528xi32, #tpu.memory_space<vmem>>, vector<16xi32>,
      %shift_right_logical3A = arith.constant 15 : i32
      %shift_right_logical3A_85 = vector.broadcast %shift_right_logical3A : i32 to vector<16xi32>
      %shift_right_logical3A_86 = arith.shrui %get3A_84, %shift_right_logical3A_85 : vector<16xi32>
      %shift_left3A = arith.constant 14 : i32
      %shift_left3A_87 = vector.broadcast %shift_left3A : i32 to vector<16xi32>
      %shift_left3A_88 = arith.shli %shift_right_logical3A_86, %shift_left3A_87 : vector<16xi32>
      %and3A = arith.constant 16383 : i32
      %and3A_89 = vector.broadcast %and3A : i32 to vector<16xi32>
      %and3A_90 = arith.andi %get3A_84, %and3A_89 : vector<16xi32>
      %or3A = arith.ori %shift_left3A_88, %and3A_90 : vector<16xi32>
      %mul3A_91 = arith.constant 16 : i32
      %mul3A_92 = arith.muli %scan3A_81, %mul3A_91 : i32
      %swap3A = arith.index_cast %mul3A_92 : i32 to index
      %swap3A_93 = tpu.vector_load %arg12[%swap3A] {strides = array<i32>} : memref<512xi32, #tpu.memory_space<vmem>>, vector<16xi32>,
      tpu.vector_store %arg12[%swap3A], %or3A {strides = array<i32>} : memref<512xi32, #tpu.memory_space<vmem>>, vector<16xi32>,
      %mul3A_94 = arith.constant 16 : i32
      %mul3A_95 = arith.muli %scan3A_81, %mul3A_94 : i32
      %get3A_96 = arith.index_cast %mul3A_95 : i32 to index
      %get3A_97 = tpu.vector_load %arg10[%get3A_96] {strides = array<i32>} : memref<528xi32, #tpu.memory_space<vmem>>, vector<16xi32>,
      %shift_right_logical3A_98 = arith.constant 15 : i32
      %shift_right_logical3A_99 = vector.broadcast %shift_right_logical3A_98 : i32 to vector<16xi32>
      %shift_right_logical3A_100 = arith.shrui %get3A_97, %shift_right_logical3A_99 : vector<16xi32>
      %shift_left3A_101 = arith.constant 14 : i32
      %shift_left3A_102 = vector.broadcast %shift_left3A_101 : i32 to vector<16xi32>
      %shift_left3A_103 = arith.shli %shift_right_logical3A_100, %shift_left3A_102 : vector<16xi32>
      %and3A_104 = arith.constant 16383 : i32
      %and3A_105 = vector.broadcast %and3A_104 : i32 to vector<16xi32>
      %and3A_106 = arith.andi %get3A_97, %and3A_105 : vector<16xi32>
      %or3A_107 = arith.ori %shift_left3A_103, %and3A_106 : vector<16xi32>
      %mul3A_108 = arith.constant 16 : i32
      %mul3A_109 = arith.muli %scan3A_81, %mul3A_108 : i32
      %swap3A_110 = arith.index_cast %mul3A_109 : i32 to index
      %swap3A_111 = tpu.vector_load %arg13[%swap3A_110] {strides = array<i32>} : memref<512xi32, #tpu.memory_space<vmem>>, vector<16xi32>,
      tpu.vector_store %arg13[%swap3A_110], %or3A_107 {strides = array<i32>} : memref<512xi32, #tpu.memory_space<vmem>>, vector<16xi32>,
    }
    %scan3A_7 = arith.constant 32 : i32
    %scan3A_8 = arith.constant 0 : i32
    %scan3A_9 = arith.constant 0 : i32
    %scan3A_10 = arith.constant 640 : i32
    %scan3A_11 = arith.addi %scan3A_9, %scan3A_10 : i32
    %scan3A_12 = arith.constant 1 : i32
    scf.for %scan3A_81 = %scan3A_9 to %scan3A_11 step %scan3A_12  : i32 {
      %mul3A_82 = arith.constant 16 : i32
      %mul3A_83 = arith.muli %scan3A_81, %mul3A_82 : i32
      %get3A = arith.index_cast %mul3A_83 : i32 to index
      %get3A_84 = tpu.vector_load %arg11[%get3A] {strides = array<i32>} : memref<10256xi32, #tpu.memory_space<vmem>>, vector<16xi32>,
      %shift_right_logical3A = arith.constant 15 : i32
      %shift_right_logical3A_85 = vector.broadcast %shift_right_logical3A : i32 to vector<16xi32>
      %shift_right_logical3A_86 = arith.shrui %get3A_84, %shift_right_logical3A_85 : vector<16xi32>
      %shift_left3A = arith.constant 14 : i32
      %shift_left3A_87 = vector.broadcast %shift_left3A : i32 to vector<16xi32>
      %shift_left3A_88 = arith.shli %shift_right_logical3A_86, %shift_left3A_87 : vector<16xi32>
      %and3A = arith.constant 16383 : i32
      %and3A_89 = vector.broadcast %and3A : i32 to vector<16xi32>
      %and3A_90 = arith.andi %get3A_84, %and3A_89 : vector<16xi32>
      %or3A = arith.ori %shift_left3A_88, %and3A_90 : vector<16xi32>
      %mul3A_91 = arith.constant 16 : i32
      %mul3A_92 = arith.muli %scan3A_81, %mul3A_91 : i32
      %swap3A = arith.index_cast %mul3A_92 : i32 to index
      %swap3A_93 = tpu.vector_load %arg14[%swap3A] {strides = array<i32>} : memref<10240xi32, #tpu.memory_space<vmem>>, vector<16xi32>,
      tpu.vector_store %arg14[%swap3A], %or3A {strides = array<i32>} : memref<10240xi32, #tpu.memory_space<vmem>>, vector<16xi32>,
    }
    %scan3A_13 = arith.constant 640 : i32
    %dma_start3A = arith.constant 0 : i32
    %dma_start3A_14 = tpu.memref_slice %arg12[%dma_start3A] : memref<512xi32, #tpu.memory_space<vmem>> -> memref<16xi32, #tpu.memory_space<vmem>>
    %dma_start3A_15 = arith.constant 0 : i32
    %dma_start3A_16 = arith.constant 0 : i32
    %dma_start3A_17 = tpu.memref_slice %arg5[%dma_start3A_15, %dma_start3A_16] : memref<507904x128xf32, #tpu.memory_space<hbm>> -> memref<507904x128xf32, #tpu.memory_space<hbm>>
    tpu.enqueue_indirect_dma source(%dma_start3A_17 : memref<507904x128xf32, #tpu.memory_space<hbm>>) target(%arg15 : memref<16x128xf32, #tpu.memory_space<vmem>>) offsets(%dma_start3A_14 : memref<16xi32, #tpu.memory_space<vmem>>) semaphore(%arg23 : memref<!tpu.dma_semaphore, #tpu.memory_space<semaphore_mem>>)
    %dma_start3A_18 = arith.constant 0 : i32
    %dma_start3A_19 = tpu.memref_slice %arg13[%dma_start3A_18] : memref<512xi32, #tpu.memory_space<vmem>> -> memref<16xi32, #tpu.memory_space<vmem>>
    %dma_start3A_20 = arith.constant 0 : i32
    %dma_start3A_21 = arith.constant 0 : i32
    %dma_start3A_22 = tpu.memref_slice %arg6[%dma_start3A_20, %dma_start3A_21] : memref<507904x128xf32, #tpu.memory_space<hbm>> -> memref<507904x128xf32, #tpu.memory_space<hbm>>
    tpu.enqueue_indirect_dma source(%dma_start3A_22 : memref<507904x128xf32, #tpu.memory_space<hbm>>) target(%arg16 : memref<16x128xf32, #tpu.memory_space<vmem>>) offsets(%dma_start3A_19 : memref<16xi32, #tpu.memory_space<vmem>>) semaphore(%arg23 : memref<!tpu.dma_semaphore, #tpu.memory_space<semaphore_mem>>)
    %dma_start3A_23 = arith.constant 0 : i32
    %dma_start3A_24 = arith.constant 0 : i32
    %dma_start3A_25 = tpu.memref_slice %arg17[%dma_start3A_23, %dma_start3A_24] : memref<320x128xf32, #tpu.memory_space<vmem>> -> memref<64x128xf32, #tpu.memory_space<vmem>>
    %dma_start3A_26 = arith.constant 0 : i32
    %dma_start3A_27 = tpu.memref_slice %arg14[%dma_start3A_26] : memref<10240xi32, #tpu.memory_space<vmem>> -> memref<64xi32, #tpu.memory_space<vmem>>
    %dma_start3A_28 = arith.constant 0 : i32
    %dma_start3A_29 = arith.constant 0 : i32
    %dma_start3A_30 = tpu.memref_slice %arg6[%dma_start3A_28, %dma_start3A_29] : memref<507904x128xf32, #tpu.memory_space<hbm>> -> memref<507904x128xf32, #tpu.memory_space<hbm>>
    tpu.enqueue_indirect_dma source(%dma_start3A_30 : memref<507904x128xf32, #tpu.memory_space<hbm>>) target(%dma_start3A_25 : memref<64x128xf32, #tpu.memory_space<vmem>>) offsets(%dma_start3A_27 : memref<64xi32, #tpu.memory_space<vmem>>) semaphore(%arg23 : memref<!tpu.dma_semaphore, #tpu.memory_space<semaphore_mem>>)
    %dma_start3A_31 = arith.constant 64 : i32
    %dma_start3A_32 = arith.constant 0 : i32
    %dma_start3A_33 = tpu.memref_slice %arg17[%dma_start3A_31, %dma_start3A_32] : memref<320x128xf32, #tpu.memory_space<vmem>> -> memref<64x128xf32, #tpu.memory_space<vmem>>
    %dma_start3A_34 = arith.constant 64 : i32
    %dma_start3A_35 = tpu.memref_slice %arg14[%dma_start3A_34] : memref<10240xi32, #tpu.memory_space<vmem>> -> memref<64xi32, #tpu.memory_space<vmem>>
    %dma_start3A_36 = arith.constant 0 : i32
    %dma_start3A_37 = arith.constant 0 : i32
    %dma_start3A_38 = tpu.memref_slice %arg6[%dma_start3A_36, %dma_start3A_37] : memref<507904x128xf32, #tpu.memory_space<hbm>> -> memref<507904x128xf32, #tpu.memory_space<hbm>>
    tpu.enqueue_indirect_dma source(%dma_start3A_38 : memref<507904x128xf32, #tpu.memory_space<hbm>>) target(%dma_start3A_33 : memref<64x128xf32, #tpu.memory_space<vmem>>) offsets(%dma_start3A_35 : memref<64xi32, #tpu.memory_space<vmem>>) semaphore(%arg23 : memref<!tpu.dma_semaphore, #tpu.memory_space<semaphore_mem>>)
    %dma_start3A_39 = arith.constant 128 : i32
    %dma_start3A_40 = arith.constant 0 : i32
    %dma_start3A_41 = tpu.memref_slice %arg17[%dma_start3A_39, %dma_start3A_40] : memref<320x128xf32, #tpu.memory_space<vmem>> -> memref<64x128xf32, #tpu.memory_space<vmem>>
    %dma_start3A_42 = arith.constant 128 : i32
    %dma_start3A_43 = tpu.memref_slice %arg14[%dma_start3A_42] : memref<10240xi32, #tpu.memory_space<vmem>> -> memref<64xi32, #tpu.memory_space<vmem>>
    %dma_start3A_44 = arith.constant 0 : i32
    %dma_start3A_45 = arith.constant 0 : i32
    %dma_start3A_46 = tpu.memref_slice %arg6[%dma_start3A_44, %dma_start3A_45] : memref<507904x128xf32, #tpu.memory_space<hbm>> -> memref<507904x128xf32, #tpu.memory_space<hbm>>
    tpu.enqueue_indirect_dma source(%dma_start3A_46 : memref<507904x128xf32, #tpu.memory_space<hbm>>) target(%dma_start3A_41 : memref<64x128xf32, #tpu.memory_space<vmem>>) offsets(%dma_start3A_43 : memref<64xi32, #tpu.memory_space<vmem>>) semaphore(%arg23 : memref<!tpu.dma_semaphore, #tpu.memory_space<semaphore_mem>>)
    %dma_start3A_47 = arith.constant 192 : i32
    %dma_start3A_48 = arith.constant 0 : i32
    %dma_start3A_49 = tpu.memref_slice %arg17[%dma_start3A_47, %dma_start3A_48] : memref<320x128xf32, #tpu.memory_space<vmem>> -> memref<64x128xf32, #tpu.memory_space<vmem>>
    %dma_start3A_50 = arith.constant 192 : i32
    %dma_start3A_51 = tpu.memref_slice %arg14[%dma_start3A_50] : memref<10240xi32, #tpu.memory_space<vmem>> -> memref<64xi32, #tpu.memory_space<vmem>>
    %dma_start3A_52 = arith.constant 0 : i32
    %dma_start3A_53 = arith.constant 0 : i32
    %dma_start3A_54 = tpu.memref_slice %arg6[%dma_start3A_52, %dma_start3A_53] : memref<507904x128xf32, #tpu.memory_space<hbm>> -> memref<507904x128xf32, #tpu.memory_space<hbm>>
    tpu.enqueue_indirect_dma source(%dma_start3A_54 : memref<507904x128xf32, #tpu.memory_space<hbm>>) target(%dma_start3A_49 : memref<64x128xf32, #tpu.memory_space<vmem>>) offsets(%dma_start3A_51 : memref<64xi32, #tpu.memory_space<vmem>>) semaphore(%arg23 : memref<!tpu.dma_semaphore, #tpu.memory_space<semaphore_mem>>)
    %dma_start3A_55 = arith.constant 256 : i32
    %dma_start3A_56 = arith.constant 0 : i32
    %dma_start3A_57 = tpu.memref_slice %arg17[%dma_start3A_55, %dma_start3A_56] : memref<320x128xf32, #tpu.memory_space<vmem>> -> memref<64x128xf32, #tpu.memory_space<vmem>>
    %dma_start3A_58 = arith.constant 256 : i32
    %dma_start3A_59 = tpu.memref_slice %arg14[%dma_start3A_58] : memref<10240xi32, #tpu.memory_space<vmem>> -> memref<64xi32, #tpu.memory_space<vmem>>
    %dma_start3A_60 = arith.constant 0 : i32
    %dma_start3A_61 = arith.constant 0 : i32
    %dma_start3A_62 = tpu.memref_slice %arg6[%dma_start3A_60, %dma_start3A_61] : memref<507904x128xf32, #tpu.memory_space<hbm>> -> memref<507904x128xf32, #tpu.memory_space<hbm>>
    tpu.enqueue_indirect_dma source(%dma_start3A_62 : memref<507904x128xf32, #tpu.memory_space<hbm>>) target(%dma_start3A_57 : memref<64x128xf32, #tpu.memory_space<vmem>>) offsets(%dma_start3A_59 : memref<64xi32, #tpu.memory_space<vmem>>) semaphore(%arg23 : memref<!tpu.dma_semaphore, #tpu.memory_space<semaphore_mem>>)
    %scan3A_63 = arith.constant 0 : i32
    %scan3A_64 = arith.constant 0 : i32
    %scan3A_65 = arith.constant 16 : i32
    %scan3A_66 = arith.addi %scan3A_64, %scan3A_65 : i32
    %scan3A_67 = arith.constant 1 : i32
    scf.for %scan3A_81 = %scan3A_64 to %scan3A_66 step %scan3A_67  : i32 {
      %mul3A_82 = arith.constant 2 : i32
      %mul3A_83 = arith.muli %scan3A_81, %mul3A_82 : i32
      %add3A_84 = arith.constant 0 : i32
      %add3A_85 = arith.addi %mul3A_83, %add3A_84 : i32
      %add3A_86 = arith.constant 1 : i32
      %add3A_87 = arith.addi %add3A_85, %add3A_86 : i32
      %lt3A = arith.constant 32 : i32
      %lt3A_88 = arith.cmpi slt, %add3A_87, %lt3A : i32
      %convert_element_type3A = arith.extui %lt3A_88 : i1 to i32
      %cond3A = arith.constant 0 : i32
      %cond3A_89 = arith.cmpi ne, %convert_element_type3A, %cond3A : i32
      scf.if %cond3A_89 {
        %add3A_266 = arith.constant 1 : i32
        %add3A_267 = arith.addi %add3A_85, %add3A_266 : i32
        %mul3A_268 = arith.constant 16 : i32
        %mul3A_269 = arith.muli %add3A_267, %mul3A_268 : i32
        %mul3A_270 = arith.constant 16 : i32
        %mul3A_271 = arith.muli %add3A_267, %mul3A_270 : i32
        %mul3A_272 = arith.constant 5 : i32
        %mul3A_273 = arith.muli %add3A_267, %mul3A_272 : i32
        %add3A_274 = arith.constant 0 : i32
        %add3A_275 = arith.addi %mul3A_273, %add3A_274 : i32
        %mul3A_276 = arith.constant 64 : i32
        %mul3A_277 = arith.muli %add3A_275, %mul3A_276 : i32
        %mul3A_278 = arith.constant 5 : i32
        %mul3A_279 = arith.muli %add3A_267, %mul3A_278 : i32
        %add3A_280 = arith.constant 1 : i32
        %add3A_281 = arith.addi %mul3A_279, %add3A_280 : i32
        %mul3A_282 = arith.constant 64 : i32
        %mul3A_283 = arith.muli %add3A_281, %mul3A_282 : i32
        %mul3A_284 = arith.constant 5 : i32
        %mul3A_285 = arith.muli %add3A_267, %mul3A_284 : i32
        %add3A_286 = arith.constant 2 : i32
        %add3A_287 = arith.addi %mul3A_285, %add3A_286 : i32
        %mul3A_288 = arith.constant 64 : i32
        %mul3A_289 = arith.muli %add3A_287, %mul3A_288 : i32
        %mul3A_290 = arith.constant 5 : i32
        %mul3A_291 = arith.muli %add3A_267, %mul3A_290 : i32
        %add3A_292 = arith.constant 3 : i32
        %add3A_293 = arith.addi %mul3A_291, %add3A_292 : i32
        %mul3A_294 = arith.constant 64 : i32
        %mul3A_295 = arith.muli %add3A_293, %mul3A_294 : i32
        %mul3A_296 = arith.constant 5 : i32
        %mul3A_297 = arith.muli %add3A_267, %mul3A_296 : i32
        %add3A_298 = arith.constant 4 : i32
        %add3A_299 = arith.addi %mul3A_297, %add3A_298 : i32
        %mul3A_300 = arith.constant 64 : i32
        %mul3A_301 = arith.muli %add3A_299, %mul3A_300 : i32
        %dma_start3A_302 = tpu.memref_slice %arg12[%mul3A_269] : memref<512xi32, #tpu.memory_space<vmem>> -> memref<16xi32, #tpu.memory_space<vmem>>
        %dma_start3A_303 = arith.constant 0 : i32
        %dma_start3A_304 = arith.constant 0 : i32
        %dma_start3A_305 = tpu.memref_slice %arg5[%dma_start3A_303, %dma_start3A_304] : memref<507904x128xf32, #tpu.memory_space<hbm>> -> memref<507904x128xf32, #tpu.memory_space<hbm>>
        tpu.enqueue_indirect_dma source(%dma_start3A_305 : memref<507904x128xf32, #tpu.memory_space<hbm>>) target(%arg18 : memref<16x128xf32, #tpu.memory_space<vmem>>) offsets(%dma_start3A_302 : memref<16xi32, #tpu.memory_space<vmem>>) semaphore(%arg24 : memref<!tpu.dma_semaphore, #tpu.memory_space<semaphore_mem>>)
        %dma_start3A_306 = tpu.memref_slice %arg13[%mul3A_271] : memref<512xi32, #tpu.memory_space<vmem>> -> memref<16xi32, #tpu.memory_space<vmem>>
        %dma_start3A_307 = arith.constant 0 : i32
        %dma_start3A_308 = arith.constant 0 : i32
        %dma_start3A_309 = tpu.memref_slice %arg6[%dma_start3A_307, %dma_start3A_308] : memref<507904x128xf32, #tpu.memory_space<hbm>> -> memref<507904x128xf32, #tpu.memory_space<hbm>>
        tpu.enqueue_indirect_dma source(%dma_start3A_309 : memref<507904x128xf32, #tpu.memory_space<hbm>>) target(%arg19 : memref<16x128xf32, #tpu.memory_space<vmem>>) offsets(%dma_start3A_306 : memref<16xi32, #tpu.memory_space<vmem>>) semaphore(%arg24 : memref<!tpu.dma_semaphore, #tpu.memory_space<semaphore_mem>>)
        %dma_start3A_310 = arith.constant 0 : i32
        %dma_start3A_311 = arith.constant 0 : i32
        %dma_start3A_312 = tpu.memref_slice %arg20[%dma_start3A_310, %dma_start3A_311] : memref<320x128xf32, #tpu.memory_space<vmem>> -> memref<64x128xf32, #tpu.memory_space<vmem>>
        %dma_start3A_313 = tpu.memref_slice %arg14[%mul3A_277] : memref<10240xi32, #tpu.memory_space<vmem>> -> memref<64xi32, #tpu.memory_space<vmem>>
        %dma_start3A_314 = arith.constant 0 : i32
        %dma_start3A_315 = arith.constant 0 : i32
        %dma_start3A_316 = tpu.memref_slice %arg6[%dma_start3A_314, %dma_start3A_315] : memref<507904x128xf32, #tpu.memory_space<hbm>> -> memref<507904x128xf32, #tpu.memory_space<hbm>>
        tpu.enqueue_indirect_dma source(%dma_start3A_316 : memref<507904x128xf32, #tpu.memory_space<hbm>>) target(%dma_start3A_312 : memref<64x128xf32, #tpu.memory_space<vmem>>) offsets(%dma_start3A_313 : memref<64xi32, #tpu.memory_space<vmem>>) semaphore(%arg24 : memref<!tpu.dma_semaphore, #tpu.memory_space<semaphore_mem>>)
        %dma_start3A_317 = arith.constant 64 : i32
        %dma_start3A_318 = arith.constant 0 : i32
        %dma_start3A_319 = tpu.memref_slice %arg20[%dma_start3A_317, %dma_start3A_318] : memref<320x128xf32, #tpu.memory_space<vmem>> -> memref<64x128xf32, #tpu.memory_space<vmem>>
        %dma_start3A_320 = tpu.memref_slice %arg14[%mul3A_283] : memref<10240xi32, #tpu.memory_space<vmem>> -> memref<64xi32, #tpu.memory_space<vmem>>
        %dma_start3A_321 = arith.constant 0 : i32
        %dma_start3A_322 = arith.constant 0 : i32
        %dma_start3A_323 = tpu.memref_slice %arg6[%dma_start3A_321, %dma_start3A_322] : memref<507904x128xf32, #tpu.memory_space<hbm>> -> memref<507904x128xf32, #tpu.memory_space<hbm>>
        tpu.enqueue_indirect_dma source(%dma_start3A_323 : memref<507904x128xf32, #tpu.memory_space<hbm>>) target(%dma_start3A_319 : memref<64x128xf32, #tpu.memory_space<vmem>>) offsets(%dma_start3A_320 : memref<64xi32, #tpu.memory_space<vmem>>) semaphore(%arg24 : memref<!tpu.dma_semaphore, #tpu.memory_space<semaphore_mem>>)
        %dma_start3A_324 = arith.constant 128 : i32
        %dma_start3A_325 = arith.constant 0 : i32
        %dma_start3A_326 = tpu.memref_slice %arg20[%dma_start3A_324, %dma_start3A_325] : memref<320x128xf32, #tpu.memory_space<vmem>> -> memref<64x128xf32, #tpu.memory_space<vmem>>
        %dma_start3A_327 = tpu.memref_slice %arg14[%mul3A_289] : memref<10240xi32, #tpu.memory_space<vmem>> -> memref<64xi32, #tpu.memory_space<vmem>>
        %dma_start3A_328 = arith.constant 0 : i32
        %dma_start3A_329 = arith.constant 0 : i32
        %dma_start3A_330 = tpu.memref_slice %arg6[%dma_start3A_328, %dma_start3A_329] : memref<507904x128xf32, #tpu.memory_space<hbm>> -> memref<507904x128xf32, #tpu.memory_space<hbm>>
        tpu.enqueue_indirect_dma source(%dma_start3A_330 : memref<507904x128xf32, #tpu.memory_space<hbm>>) target(%dma_start3A_326 : memref<64x128xf32, #tpu.memory_space<vmem>>) offsets(%dma_start3A_327 : memref<64xi32, #tpu.memory_space<vmem>>) semaphore(%arg24 : memref<!tpu.dma_semaphore, #tpu.memory_space<semaphore_mem>>)
        %dma_start3A_331 = arith.constant 192 : i32
        %dma_start3A_332 = arith.constant 0 : i32
        %dma_start3A_333 = tpu.memref_slice %arg20[%dma_start3A_331, %dma_start3A_332] : memref<320x128xf32, #tpu.memory_space<vmem>> -> memref<64x128xf32, #tpu.memory_space<vmem>>
        %dma_start3A_334 = tpu.memref_slice %arg14[%mul3A_295] : memref<10240xi32, #tpu.memory_space<vmem>> -> memref<64xi32, #tpu.memory_space<vmem>>
        %dma_start3A_335 = arith.constant 0 : i32
        %dma_start3A_336 = arith.constant 0 : i32
        %dma_start3A_337 = tpu.memref_slice %arg6[%dma_start3A_335, %dma_start3A_336] : memref<507904x128xf32, #tpu.memory_space<hbm>> -> memref<507904x128xf32, #tpu.memory_space<hbm>>
        tpu.enqueue_indirect_dma source(%dma_start3A_337 : memref<507904x128xf32, #tpu.memory_space<hbm>>) target(%dma_start3A_333 : memref<64x128xf32, #tpu.memory_space<vmem>>) offsets(%dma_start3A_334 : memref<64xi32, #tpu.memory_space<vmem>>) semaphore(%arg24 : memref<!tpu.dma_semaphore, #tpu.memory_space<semaphore_mem>>)
        %dma_start3A_338 = arith.constant 256 : i32
        %dma_start3A_339 = arith.constant 0 : i32
        %dma_start3A_340 = tpu.memref_slice %arg20[%dma_start3A_338, %dma_start3A_339] : memref<320x128xf32, #tpu.memory_space<vmem>> -> memref<64x128xf32, #tpu.memory_space<vmem>>
        %dma_start3A_341 = tpu.memref_slice %arg14[%mul3A_301] : memref<10240xi32, #tpu.memory_space<vmem>> -> memref<64xi32, #tpu.memory_space<vmem>>
        %dma_start3A_342 = arith.constant 0 : i32
        %dma_start3A_343 = arith.constant 0 : i32
        %dma_start3A_344 = tpu.memref_slice %arg6[%dma_start3A_342, %dma_start3A_343] : memref<507904x128xf32, #tpu.memory_space<hbm>> -> memref<507904x128xf32, #tpu.memory_space<hbm>>
        tpu.enqueue_indirect_dma source(%dma_start3A_344 : memref<507904x128xf32, #tpu.memory_space<hbm>>) target(%dma_start3A_340 : memref<64x128xf32, #tpu.memory_space<vmem>>) offsets(%dma_start3A_341 : memref<64xi32, #tpu.memory_space<vmem>>) semaphore(%arg24 : memref<!tpu.dma_semaphore, #tpu.memory_space<semaphore_mem>>)
      } else {
      }
      %mul3A_90 = arith.constant 16 : i32
      %mul3A_91 = arith.muli %add3A_85, %mul3A_90 : i32
      %mul3A_92 = arith.constant 16 : i32
      %mul3A_93 = arith.muli %add3A_85, %mul3A_92 : i32
      %mul3A_94 = arith.constant 5 : i32
      %mul3A_95 = arith.muli %add3A_85, %mul3A_94 : i32
      %add3A_96 = arith.constant 0 : i32
      %add3A_97 = arith.addi %mul3A_95, %add3A_96 : i32
      %mul3A_98 = arith.constant 64 : i32
      %mul3A_99 = arith.muli %add3A_97, %mul3A_98 : i32
      %mul3A_100 = arith.constant 5 : i32
      %mul3A_101 = arith.muli %add3A_85, %mul3A_100 : i32
      %add3A_102 = arith.constant 1 : i32
      %add3A_103 = arith.addi %mul3A_101, %add3A_102 : i32
      %mul3A_104 = arith.constant 64 : i32
      %mul3A_105 = arith.muli %add3A_103, %mul3A_104 : i32
      %mul3A_106 = arith.constant 5 : i32
      %mul3A_107 = arith.muli %add3A_85, %mul3A_106 : i32
      %add3A_108 = arith.constant 2 : i32
      %add3A_109 = arith.addi %mul3A_107, %add3A_108 : i32
      %mul3A_110 = arith.constant 64 : i32
      %mul3A_111 = arith.muli %add3A_109, %mul3A_110 : i32
      %mul3A_112 = arith.constant 5 : i32
      %mul3A_113 = arith.muli %add3A_85, %mul3A_112 : i32
      %add3A_114 = arith.constant 3 : i32
      %add3A_115 = arith.addi %mul3A_113, %add3A_114 : i32
      %mul3A_116 = arith.constant 64 : i32
      %mul3A_117 = arith.muli %add3A_115, %mul3A_116 : i32
      %mul3A_118 = arith.constant 5 : i32
      %mul3A_119 = arith.muli %add3A_85, %mul3A_118 : i32
      %add3A_120 = arith.constant 4 : i32
      %add3A_121 = arith.addi %mul3A_119, %add3A_120 : i32
      %mul3A_122 = arith.constant 64 : i32
      %mul3A_123 = arith.muli %add3A_121, %mul3A_122 : i32
      %dma_wait3A = tpu.memref_slice %arg12[%mul3A_91] : memref<512xi32, #tpu.memory_space<vmem>> -> memref<16xi32, #tpu.memory_space<vmem>>
      %dma_wait3A_124 = arith.constant 0 : i32
      %dma_wait3A_125 = arith.constant 0 : i32
      %dma_wait3A_126 = tpu.memref_slice %arg5[%dma_wait3A_124, %dma_wait3A_125] : memref<507904x128xf32, #tpu.memory_space<hbm>> -> memref<507904x128xf32, #tpu.memory_space<hbm>>
      tpu.wait_indirect_dma semaphore(%arg23 : memref<!tpu.dma_semaphore, #tpu.memory_space<semaphore_mem>>) src(%dma_wait3A_126 : memref<507904x128xf32, #tpu.memory_space<hbm>>) dst(%arg15 : memref<16x128xf32, #tpu.memory_space<vmem>>)
      %dma_wait3A_127 = tpu.memref_slice %arg13[%mul3A_93] : memref<512xi32, #tpu.memory_space<vmem>> -> memref<16xi32, #tpu.memory_space<vmem>>
      %dma_wait3A_128 = arith.constant 0 : i32
      %dma_wait3A_129 = arith.constant 0 : i32
      %dma_wait3A_130 = tpu.memref_slice %arg6[%dma_wait3A_128, %dma_wait3A_129] : memref<507904x128xf32, #tpu.memory_space<hbm>> -> memref<507904x128xf32, #tpu.memory_space<hbm>>
      tpu.wait_indirect_dma semaphore(%arg23 : memref<!tpu.dma_semaphore, #tpu.memory_space<semaphore_mem>>) src(%dma_wait3A_130 : memref<507904x128xf32, #tpu.memory_space<hbm>>) dst(%arg16 : memref<16x128xf32, #tpu.memory_space<vmem>>)
      %dma_wait3A_131 = arith.constant 0 : i32
      %dma_wait3A_132 = arith.constant 0 : i32
      %dma_wait3A_133 = tpu.memref_slice %arg17[%dma_wait3A_131, %dma_wait3A_132] : memref<320x128xf32, #tpu.memory_space<vmem>> -> memref<64x128xf32, #tpu.memory_space<vmem>>
      %dma_wait3A_134 = tpu.memref_slice %arg14[%mul3A_99] : memref<10240xi32, #tpu.memory_space<vmem>> -> memref<64xi32, #tpu.memory_space<vmem>>
      %dma_wait3A_135 = arith.constant 0 : i32
      %dma_wait3A_136 = arith.constant 0 : i32
      %dma_wait3A_137 = tpu.memref_slice %arg6[%dma_wait3A_135, %dma_wait3A_136] : memref<507904x128xf32, #tpu.memory_space<hbm>> -> memref<507904x128xf32, #tpu.memory_space<hbm>>
      tpu.wait_indirect_dma semaphore(%arg23 : memref<!tpu.dma_semaphore, #tpu.memory_space<semaphore_mem>>) src(%dma_wait3A_137 : memref<507904x128xf32, #tpu.memory_space<hbm>>) dst(%dma_wait3A_133 : memref<64x128xf32, #tpu.memory_space<vmem>>)
      %dma_wait3A_138 = arith.constant 64 : i32
      %dma_wait3A_139 = arith.constant 0 : i32
      %dma_wait3A_140 = tpu.memref_slice %arg17[%dma_wait3A_138, %dma_wait3A_139] : memref<320x128xf32, #tpu.memory_space<vmem>> -> memref<64x128xf32, #tpu.memory_space<vmem>>
      %dma_wait3A_141 = tpu.memref_slice %arg14[%mul3A_105] : memref<10240xi32, #tpu.memory_space<vmem>> -> memref<64xi32, #tpu.memory_space<vmem>>
      %dma_wait3A_142 = arith.constant 0 : i32
      %dma_wait3A_143 = arith.constant 0 : i32
      %dma_wait3A_144 = tpu.memref_slice %arg6[%dma_wait3A_142, %dma_wait3A_143] : memref<507904x128xf32, #tpu.memory_space<hbm>> -> memref<507904x128xf32, #tpu.memory_space<hbm>>
      tpu.wait_indirect_dma semaphore(%arg23 : memref<!tpu.dma_semaphore, #tpu.memory_space<semaphore_mem>>) src(%dma_wait3A_144 : memref<507904x128xf32, #tpu.memory_space<hbm>>) dst(%dma_wait3A_140 : memref<64x128xf32, #tpu.memory_space<vmem>>)
      %dma_wait3A_145 = arith.constant 128 : i32
      %dma_wait3A_146 = arith.constant 0 : i32
      %dma_wait3A_147 = tpu.memref_slice %arg17[%dma_wait3A_145, %dma_wait3A_146] : memref<320x128xf32, #tpu.memory_space<vmem>> -> memref<64x128xf32, #tpu.memory_space<vmem>>
      %dma_wait3A_148 = tpu.memref_slice %arg14[%mul3A_111] : memref<10240xi32, #tpu.memory_space<vmem>> -> memref<64xi32, #tpu.memory_space<vmem>>
      %dma_wait3A_149 = arith.constant 0 : i32
      %dma_wait3A_150 = arith.constant 0 : i32
      %dma_wait3A_151 = tpu.memref_slice %arg6[%dma_wait3A_149, %dma_wait3A_150] : memref<507904x128xf32, #tpu.memory_space<hbm>> -> memref<507904x128xf32, #tpu.memory_space<hbm>>
      tpu.wait_indirect_dma semaphore(%arg23 : memref<!tpu.dma_semaphore, #tpu.memory_space<semaphore_mem>>) src(%dma_wait3A_151 : memref<507904x128xf32, #tpu.memory_space<hbm>>) dst(%dma_wait3A_147 : memref<64x128xf32, #tpu.memory_space<vmem>>)
      %dma_wait3A_152 = arith.constant 192 : i32
      %dma_wait3A_153 = arith.constant 0 : i32
      %dma_wait3A_154 = tpu.memref_slice %arg17[%dma_wait3A_152, %dma_wait3A_153] : memref<320x128xf32, #tpu.memory_space<vmem>> -> memref<64x128xf32, #tpu.memory_space<vmem>>
      %dma_wait3A_155 = tpu.memref_slice %arg14[%mul3A_117] : memref<10240xi32, #tpu.memory_space<vmem>> -> memref<64xi32, #tpu.memory_space<vmem>>
      %dma_wait3A_156 = arith.constant 0 : i32
      %dma_wait3A_157 = arith.constant 0 : i32
      %dma_wait3A_158 = tpu.memref_slice %arg6[%dma_wait3A_156, %dma_wait3A_157] : memref<507904x128xf32, #tpu.memory_space<hbm>> -> memref<507904x128xf32, #tpu.memory_space<hbm>>
      tpu.wait_indirect_dma semaphore(%arg23 : memref<!tpu.dma_semaphore, #tpu.memory_space<semaphore_mem>>) src(%dma_wait3A_158 : memref<507904x128xf32, #tpu.memory_space<hbm>>) dst(%dma_wait3A_154 : memref<64x128xf32, #tpu.memory_space<vmem>>)
      %dma_wait3A_159 = arith.constant 256 : i32
      %dma_wait3A_160 = arith.constant 0 : i32
      %dma_wait3A_161 = tpu.memref_slice %arg17[%dma_wait3A_159, %dma_wait3A_160] : memref<320x128xf32, #tpu.memory_space<vmem>> -> memref<64x128xf32, #tpu.memory_space<vmem>>
      %dma_wait3A_162 = tpu.memref_slice %arg14[%mul3A_123] : memref<10240xi32, #tpu.memory_space<vmem>> -> memref<64xi32, #tpu.memory_space<vmem>>
      %dma_wait3A_163 = arith.constant 0 : i32
      %dma_wait3A_164 = arith.constant 0 : i32
      %dma_wait3A_165 = tpu.memref_slice %arg6[%dma_wait3A_163, %dma_wait3A_164] : memref<507904x128xf32, #tpu.memory_space<hbm>> -> memref<507904x128xf32, #tpu.memory_space<hbm>>
      tpu.wait_indirect_dma semaphore(%arg23 : memref<!tpu.dma_semaphore, #tpu.memory_space<semaphore_mem>>) src(%dma_wait3A_165 : memref<507904x128xf32, #tpu.memory_space<hbm>>) dst(%dma_wait3A_161 : memref<64x128xf32, #tpu.memory_space<vmem>>)
      %scan3A_166 = arith.constant 0 : i32
      %scan3A_167 = arith.constant 0 : i32
      %scan3A_168 = arith.constant 16 : i32
      %scan3A_169 = arith.addi %scan3A_167, %scan3A_168 : i32
      %scan3A_170 = arith.constant 1 : i32
      scf.for %scan3A_266 = %scan3A_167 to %scan3A_169 step %scan3A_170  : i32 {
        %mul3A_267 = arith.constant 16 : i32
        %mul3A_268 = arith.muli %add3A_85, %mul3A_267 : i32
        %add3A_269 = arith.addi %mul3A_268, %scan3A_266 : i32
        %get3A = arith.index_cast %add3A_269 : i32 to index
        %get3A_270 = tpu.vector_load %arg9[%get3A] {strides = array<i32>} : memref<528xi32, #tpu.memory_space<vmem>>, vector<16xi32>,
        %get3A_271 = arith.index_cast %add3A_269 : i32 to index
        %get3A_272 = tpu.vector_load %arg10[%get3A_271] {strides = array<i32>} : memref<528xi32, #tpu.memory_space<vmem>>, vector<16xi32>,
        %slice3A = vector.extract_strided_slice %get3A_270 {offsets = [0], sizes = [1], strides = [1]} : vector<16xi32> to vector<1xi32>
        %squeeze3A = vector.extract %slice3A[0] : i32 from vector<1xi32>
        %and3A = arith.constant 16384 : i32
        %and3A_273 = arith.andi %squeeze3A, %and3A : i32
        %ne3A = arith.constant 0 : i32
        %ne3A_274 = arith.cmpi ne, %and3A_273, %ne3A : i32
        %jit3A = arith.constant 64 : i32
        %jit3A_275 = arith.constant 0 : i32
        %select_n3A = arith.select %ne3A_274, %jit3A, %jit3A_275 : i32
        %get3A_276 = arith.index_cast %scan3A_266 : i32 to index
        %get3A_277 = arith.index_cast %select_n3A : i32 to index
        %get3A_278 = tpu.vector_load %arg15[%get3A_276, %get3A_277] {strides = array<i32>} : memref<16x128xf32, #tpu.memory_space<vmem>>, vector<16xf32>,
        %add3A_279 = arith.constant 16 : i32
        %add3A_280 = arith.addi %select_n3A, %add3A_279 : i32
        %get3A_281 = arith.index_cast %scan3A_266 : i32 to index
        %get3A_282 = arith.index_cast %add3A_280 : i32 to index
        %get3A_283 = tpu.vector_load %arg15[%get3A_281, %get3A_282] {strides = array<i32>} : memref<16x128xf32, #tpu.memory_space<vmem>>, vector<16xf32>,
        %add3A_284 = arith.constant 32 : i32
        %add3A_285 = arith.addi %select_n3A, %add3A_284 : i32
        %get3A_286 = arith.index_cast %scan3A_266 : i32 to index
        %get3A_287 = arith.index_cast %add3A_285 : i32 to index
        %get3A_288 = tpu.vector_load %arg15[%get3A_286, %get3A_287] {strides = array<i32>} : memref<16x128xf32, #tpu.memory_space<vmem>>, vector<16xf32>,
        %add3A_289 = arith.constant 48 : i32
        %add3A_290 = arith.addi %select_n3A, %add3A_289 : i32
        %get3A_291 = arith.index_cast %scan3A_266 : i32 to index
        %get3A_292 = arith.index_cast %add3A_290 : i32 to index
        %get3A_293 = tpu.vector_load %arg15[%get3A_291, %get3A_292] {strides = array<i32>} : memref<16x128xf32, #tpu.memory_space<vmem>>, vector<16xf32>,
        %slice3A_294 = vector.extract_strided_slice %get3A_272 {offsets = [0], sizes = [1], strides = [1]} : vector<16xi32> to vector<1xi32>
        %squeeze3A_295 = vector.extract %slice3A_294[0] : i32 from vector<1xi32>
        %and3A_296 = arith.constant 16384 : i32
        %and3A_297 = arith.andi %squeeze3A_295, %and3A_296 : i32
        %ne3A_298 = arith.constant 0 : i32
        %ne3A_299 = arith.cmpi ne, %and3A_297, %ne3A_298 : i32
        %jit3A_300 = arith.constant 64 : i32
        %jit3A_301 = arith.constant 0 : i32
        %select_n3A_302 = arith.select %ne3A_299, %jit3A_300, %jit3A_301 : i32
        %get3A_303 = arith.index_cast %scan3A_266 : i32 to index
        %get3A_304 = arith.index_cast %select_n3A_302 : i32 to index
        %get3A_305 = tpu.vector_load %arg16[%get3A_303, %get3A_304] {strides = array<i32>} : memref<16x128xf32, #tpu.memory_space<vmem>>, vector<16xf32>,
        %mul3A_306 = arith.mulf %get3A_305, %get3A_278 : vector<16xf32>
        %add3A_307 = arith.constant 16 : i32
        %add3A_308 = arith.addi %select_n3A_302, %add3A_307 : i32
        %get3A_309 = arith.index_cast %scan3A_266 : i32 to index
        %get3A_310 = arith.index_cast %add3A_308 : i32 to index
        %get3A_311 = tpu.vector_load %arg16[%get3A_309, %get3A_310] {strides = array<i32>} : memref<16x128xf32, #tpu.memory_space<vmem>>, vector<16xf32>,
        %mul3A_312 = arith.mulf %get3A_311, %get3A_283 : vector<16xf32>
        %add3A_313 = arith.addf %mul3A_306, %mul3A_312 : vector<16xf32>
        %add3A_314 = arith.constant 32 : i32
        %add3A_315 = arith.addi %select_n3A_302, %add3A_314 : i32
        %get3A_316 = arith.index_cast %scan3A_266 : i32 to index
        %get3A_317 = arith.index_cast %add3A_315 : i32 to index
        %get3A_318 = tpu.vector_load %arg16[%get3A_316, %get3A_317] {strides = array<i32>} : memref<16x128xf32, #tpu.memory_space<vmem>>, vector<16xf32>,
        %mul3A_319 = arith.mulf %get3A_318, %get3A_288 : vector<16xf32>
        %add3A_320 = arith.addf %add3A_313, %mul3A_319 : vector<16xf32>
        %add3A_321 = arith.constant 48 : i32
        %add3A_322 = arith.addi %select_n3A_302, %add3A_321 : i32
        %get3A_323 = arith.index_cast %scan3A_266 : i32 to index
        %get3A_324 = arith.index_cast %add3A_322 : i32 to index
        %get3A_325 = tpu.vector_load %arg16[%get3A_323, %get3A_324] {strides = array<i32>} : memref<16x128xf32, #tpu.memory_space<vmem>>, vector<16xf32>,
        %mul3A_326 = arith.mulf %get3A_325, %get3A_293 : vector<16xf32>
        %add3A_327 = arith.addf %add3A_320, %mul3A_326 : vector<16xf32>
        %broadcast_in_dim3A = arith.constant true
        %broadcast_in_dim3A_328 = vector.broadcast %broadcast_in_dim3A : i1 to vector<16xi1>
        %masked_cumsum3A = tpu.scan <sum>, %add3A_327 masked %broadcast_in_dim3A_328 : vector<16xf32>, vector<16xi1> -> vector<16xf32>
        %broadcast_in_dim3A_329 = vector.broadcast %add3A_269 : i32 to vector<16xi32>
        tpu.vector_store_idx %arg21[%broadcast_in_dim3A_329], %masked_cumsum3A masked %eq3A_2 : memref<512xf32, #tpu.memory_space<vmem>>[vector<16xi32>], vector<16xf32>, vector<16xi1>
        %mul3A_330 = arith.constant 20 : i32
        %mul3A_331 = arith.muli %add3A_269, %mul3A_330 : i32
        %get3A_332 = arith.index_cast %mul3A_331 : i32 to index
        %get3A_333 = tpu.vector_load %arg11[%get3A_332] {strides = array<i32>} : memref<10256xi32, #tpu.memory_space<vmem>>, vector<16xi32>,
        %add3A_334 = arith.constant 4 : i32
        %add3A_335 = arith.addi %mul3A_331, %add3A_334 : i32
        %get3A_336 = arith.index_cast %add3A_335 : i32 to index
        %get3A_337 = tpu.vector_load %arg11[%get3A_336] {strides = array<i32>} : memref<10256xi32, #tpu.memory_space<vmem>>, vector<16xi32>,
        %slice3A_338 = vector.extract_strided_slice %get3A_333 {offsets = [0], sizes = [1], strides = [1]} : vector<16xi32> to vector<1xi32>
        %squeeze3A_339 = vector.extract %slice3A_338[0] : i32 from vector<1xi32>
        %mul3A_340 = arith.constant 20 : i32
        %mul3A_341 = arith.muli %scan3A_266, %mul3A_340 : i32
        %add3A_342 = arith.constant 0 : i32
        %add3A_343 = arith.addi %mul3A_341, %add3A_342 : i32
        %and3A_344 = arith.constant 16384 : i32
        %and3A_345 = arith.andi %squeeze3A_339, %and3A_344 : i32
        %ne3A_346 = arith.constant 0 : i32
        %ne3A_347 = arith.cmpi ne, %and3A_345, %ne3A_346 : i32
        %jit3A_348 = arith.constant 64 : i32
        %jit3A_349 = arith.constant 0 : i32
        %select_n3A_350 = arith.select %ne3A_347, %jit3A_348, %jit3A_349 : i32
        %add3A_351 = arith.constant 0 : i32
        %add3A_352 = arith.addi %mul3A_331, %add3A_351 : i32
        %get3A_353 = arith.index_cast %add3A_343 : i32 to index
        %get3A_354 = arith.index_cast %select_n3A_350 : i32 to index
        %get3A_355 = tpu.vector_load %arg17[%get3A_353, %get3A_354] {strides = array<i32>} : memref<320x128xf32, #tpu.memory_space<vmem>>, vector<16xf32>,
        %mul3A_356 = arith.mulf %get3A_355, %get3A_278 : vector<16xf32>
        %add3A_357 = arith.constant 16 : i32
        %add3A_358 = arith.addi %select_n3A_350, %add3A_357 : i32
        %get3A_359 = arith.index_cast %add3A_343 : i32 to index
        %get3A_360 = arith.index_cast %add3A_358 : i32 to index
        %get3A_361 = tpu.vector_load %arg17[%get3A_359, %get3A_360] {strides = array<i32>} : memref<320x128xf32, #tpu.memory_space<vmem>>, vector<16xf32>,
        %mul3A_362 = arith.mulf %get3A_361, %get3A_283 : vector<16xf32>
        %add3A_363 = arith.addf %mul3A_356, %mul3A_362 : vector<16xf32>
        %add3A_364 = arith.constant 32 : i32
        %add3A_365 = arith.addi %select_n3A_350, %add3A_364 : i32
        %get3A_366 = arith.index_cast %add3A_343 : i32 to index
        %get3A_367 = arith.index_cast %add3A_365 : i32 to index
        %get3A_368 = tpu.vector_load %arg17[%get3A_366, %get3A_367] {strides = array<i32>} : memref<320x128xf32, #tpu.memory_space<vmem>>, vector<16xf32>,
        %mul3A_369 = arith.mulf %get3A_368, %get3A_288 : vector<16xf32>
        %add3A_370 = arith.addf %add3A_363, %mul3A_369 : vector<16xf32>
        %add3A_371 = arith.constant 48 : i32
        %add3A_372 = arith.addi %select_n3A_350, %add3A_371 : i32
        %get3A_373 = arith.index_cast %add3A_343 : i32 to index
        %get3A_374 = arith.index_cast %add3A_372 : i32 to index
        %get3A_375 = tpu.vector_load %arg17[%get3A_373, %get3A_374] {strides = array<i32>} : memref<320x128xf32, #tpu.memory_space<vmem>>, vector<16xf32>,
        %mul3A_376 = arith.mulf %get3A_375, %get3A_293 : vector<16xf32>
        %add3A_377 = arith.addf %add3A_370, %mul3A_376 : vector<16xf32>
        %broadcast_in_dim3A_378 = arith.constant true
        %broadcast_in_dim3A_379 = vector.broadcast %broadcast_in_dim3A_378 : i1 to vector<16xi1>
        %masked_cumsum3A_380 = tpu.scan <sum>, %add3A_377 masked %broadcast_in_dim3A_379 : vector<16xf32>, vector<16xi1> -> vector<16xf32>
        %broadcast_in_dim3A_381 = vector.broadcast %add3A_352 : i32 to vector<16xi32>
        tpu.vector_store_idx %arg22[%broadcast_in_dim3A_381], %masked_cumsum3A_380 masked %eq3A_2 : memref<10240xf32, #tpu.memory_space<vmem>>[vector<16xi32>], vector<16xf32>, vector<16xi1>
        %slice3A_382 = vector.extract_strided_slice %get3A_333 {offsets = [1], sizes = [1], strides = [1]} : vector<16xi32> to vector<1xi32>
        %squeeze3A_383 = vector.extract %slice3A_382[0] : i32 from vector<1xi32>
        %mul3A_384 = arith.constant 20 : i32
        %mul3A_385 = arith.muli %scan3A_266, %mul3A_384 : i32
        %add3A_386 = arith.constant 1 : i32
        %add3A_387 = arith.addi %mul3A_385, %add3A_386 : i32
        %and3A_388 = arith.constant 16384 : i32
        %and3A_389 = arith.andi %squeeze3A_383, %and3A_388 : i32
        %ne3A_390 = arith.constant 0 : i32
        %ne3A_391 = arith.cmpi ne, %and3A_389, %ne3A_390 : i32
        %jit3A_392 = arith.constant 64 : i32
        %jit3A_393 = arith.constant 0 : i32
        %select_n3A_394 = arith.select %ne3A_391, %jit3A_392, %jit3A_393 : i32
        %add3A_395 = arith.constant 1 : i32
        %add3A_396 = arith.addi %mul3A_331, %add3A_395 : i32
        %get3A_397 = arith.index_cast %add3A_387 : i32 to index
        %get3A_398 = arith.index_cast %select_n3A_394 : i32 to index
        %get3A_399 = tpu.vector_load %arg17[%get3A_397, %get3A_398] {strides = array<i32>} : memref<320x128xf32, #tpu.memory_space<vmem>>, vector<16xf32>,
        %mul3A_400 = arith.mulf %get3A_399, %get3A_278 : vector<16xf32>
        %add3A_401 = arith.constant 16 : i32
        %add3A_402 = arith.addi %select_n3A_394, %add3A_401 : i32
        %get3A_403 = arith.index_cast %add3A_387 : i32 to index
        %get3A_404 = arith.index_cast %add3A_402 : i32 to index
        %get3A_405 = tpu.vector_load %arg17[%get3A_403, %get3A_404] {strides = array<i32>} : memref<320x128xf32, #tpu.memory_space<vmem>>, vector<16xf32>,
        %mul3A_406 = arith.mulf %get3A_405, %get3A_283 : vector<16xf32>
        %add3A_407 = arith.addf %mul3A_400, %mul3A_406 : vector<16xf32>
        %add3A_408 = arith.constant 32 : i32
        %add3A_409 = arith.addi %select_n3A_394, %add3A_408 : i32
        %get3A_410 = arith.index_cast %add3A_387 : i32 to index
        %get3A_411 = arith.index_cast %add3A_409 : i32 to index
        %get3A_412 = tpu.vector_load %arg17[%get3A_410, %get3A_411] {strides = array<i32>} : memref<320x128xf32, #tpu.memory_space<vmem>>, vector<16xf32>,
        %mul3A_413 = arith.mulf %get3A_412, %get3A_288 : vector<16xf32>
        %add3A_414 = arith.addf %add3A_407, %mul3A_413 : vector<16xf32>
        %add3A_415 = arith.constant 48 : i32
        %add3A_416 = arith.addi %select_n3A_394, %add3A_415 : i32
        %get3A_417 = arith.index_cast %add3A_387 : i32 to index
        %get3A_418 = arith.index_cast %add3A_416 : i32 to index
        %get3A_419 = tpu.vector_load %arg17[%get3A_417, %get3A_418] {strides = array<i32>} : memref<320x128xf32, #tpu.memory_space<vmem>>, vector<16xf32>,
        %mul3A_420 = arith.mulf %get3A_419, %get3A_293 : vector<16xf32>
        %add3A_421 = arith.addf %add3A_414, %mul3A_420 : vector<16xf32>
        %broadcast_in_dim3A_422 = arith.constant true
        %broadcast_in_dim3A_423 = vector.broadcast %broadcast_in_dim3A_422 : i1 to vector<16xi1>
        %masked_cumsum3A_424 = tpu.scan <sum>, %add3A_421 masked %broadcast_in_dim3A_423 : vector<16xf32>, vector<16xi1> -> vector<16xf32>
        %broadcast_in_dim3A_425 = vector.broadcast %add3A_396 : i32 to vector<16xi32>
        tpu.vector_store_idx %arg22[%broadcast_in_dim3A_425], %masked_cumsum3A_424 masked %eq3A_2 : memref<10240xf32, #tpu.memory_space<vmem>>[vector<16xi32>], vector<16xf32>, vector<16xi1>
        %slice3A_426 = vector.extract_strided_slice %get3A_333 {offsets = [2], sizes = [1], strides = [1]} : vector<16xi32> to vector<1xi32>
        %squeeze3A_427 = vector.extract %slice3A_426[0] : i32 from vector<1xi32>
        %mul3A_428 = arith.constant 20 : i32
        %mul3A_429 = arith.muli %scan3A_266, %mul3A_428 : i32
        %add3A_430 = arith.constant 2 : i32
        %add3A_431 = arith.addi %mul3A_429, %add3A_430 : i32
        %and3A_432 = arith.constant 16384 : i32
        %and3A_433 = arith.andi %squeeze3A_427, %and3A_432 : i32
        %ne3A_434 = arith.constant 0 : i32
        %ne3A_435 = arith.cmpi ne, %and3A_433, %ne3A_434 : i32
        %jit3A_436 = arith.constant 64 : i32
        %jit3A_437 = arith.constant 0 : i32
        %select_n3A_438 = arith.select %ne3A_435, %jit3A_436, %jit3A_437 : i32
        %add3A_439 = arith.constant 2 : i32
        %add3A_440 = arith.addi %mul3A_331, %add3A_439 : i32
        %get3A_441 = arith.index_cast %add3A_431 : i32 to index
        %get3A_442 = arith.index_cast %select_n3A_438 : i32 to index
        %get3A_443 = tpu.vector_load %arg17[%get3A_441, %get3A_442] {strides = array<i32>} : memref<320x128xf32, #tpu.memory_space<vmem>>, vector<16xf32>,
        %mul3A_444 = arith.mulf %get3A_443, %get3A_278 : vector<16xf32>
        %add3A_445 = arith.constant 16 : i32
        %add3A_446 = arith.addi %select_n3A_438, %add3A_445 : i32
        %get3A_447 = arith.index_cast %add3A_431 : i32 to index
        %get3A_448 = arith.index_cast %add3A_446 : i32 to index
        %get3A_449 = tpu.vector_load %arg17[%get3A_447, %get3A_448] {strides = array<i32>} : memref<320x128xf32, #tpu.memory_space<vmem>>, vector<16xf32>,
        %mul3A_450 = arith.mulf %get3A_449, %get3A_283 : vector<16xf32>
        %add3A_451 = arith.addf %mul3A_444, %mul3A_450 : vector<16xf32>
        %add3A_452 = arith.constant 32 : i32
        %add3A_453 = arith.addi %select_n3A_438, %add3A_452 : i32
        %get3A_454 = arith.index_cast %add3A_431 : i32 to index
        %get3A_455 = arith.index_cast %add3A_453 : i32 to index
        %get3A_456 = tpu.vector_load %arg17[%get3A_454, %get3A_455] {strides = array<i32>} : memref<320x128xf32, #tpu.memory_space<vmem>>, vector<16xf32>,
        %mul3A_457 = arith.mulf %get3A_456, %get3A_288 : vector<16xf32>
        %add3A_458 = arith.addf %add3A_451, %mul3A_457 : vector<16xf32>
        %add3A_459 = arith.constant 48 : i32
        %add3A_460 = arith.addi %select_n3A_438, %add3A_459 : i32
        %get3A_461 = arith.index_cast %add3A_431 : i32 to index
        %get3A_462 = arith.index_cast %add3A_460 : i32 to index
        %get3A_463 = tpu.vector_load %arg17[%get3A_461, %get3A_462] {strides = array<i32>} : memref<320x128xf32, #tpu.memory_space<vmem>>, vector<16xf32>,
        %mul3A_464 = arith.mulf %get3A_463, %get3A_293 : vector<16xf32>
        %add3A_465 = arith.addf %add3A_458, %mul3A_464 : vector<16xf32>
        %broadcast_in_dim3A_466 = arith.constant true
        %broadcast_in_dim3A_467 = vector.broadcast %broadcast_in_dim3A_466 : i1 to vector<16xi1>
        %masked_cumsum3A_468 = tpu.scan <sum>, %add3A_465 masked %broadcast_in_dim3A_467 : vector<16xf32>, vector<16xi1> -> vector<16xf32>
        %broadcast_in_dim3A_469 = vector.broadcast %add3A_440 : i32 to vector<16xi32>
        tpu.vector_store_idx %arg22[%broadcast_in_dim3A_469], %masked_cumsum3A_468 masked %eq3A_2 : memref<10240xf32, #tpu.memory_space<vmem>>[vector<16xi32>], vector<16xf32>, vector<16xi1>
        %slice3A_470 = vector.extract_strided_slice %get3A_333 {offsets = [3], sizes = [1], strides = [1]} : vector<16xi32> to vector<1xi32>
        %squeeze3A_471 = vector.extract %slice3A_470[0] : i32 from vector<1xi32>
        %mul3A_472 = arith.constant 20 : i32
        %mul3A_473 = arith.muli %scan3A_266, %mul3A_472 : i32
        %add3A_474 = arith.constant 3 : i32
        %add3A_475 = arith.addi %mul3A_473, %add3A_474 : i32
        %and3A_476 = arith.constant 16384 : i32
        %and3A_477 = arith.andi %squeeze3A_471, %and3A_476 : i32
        %ne3A_478 = arith.constant 0 : i32
        %ne3A_479 = arith.cmpi ne, %and3A_477, %ne3A_478 : i32
        %jit3A_480 = arith.constant 64 : i32
        %jit3A_481 = arith.constant 0 : i32
        %select_n3A_482 = arith.select %ne3A_479, %jit3A_480, %jit3A_481 : i32
        %add3A_483 = arith.constant 3 : i32
        %add3A_484 = arith.addi %mul3A_331, %add3A_483 : i32
        %get3A_485 = arith.index_cast %add3A_475 : i32 to index
        %get3A_486 = arith.index_cast %select_n3A_482 : i32 to index
        %get3A_487 = tpu.vector_load %arg17[%get3A_485, %get3A_486] {strides = array<i32>} : memref<320x128xf32, #tpu.memory_space<vmem>>, vector<16xf32>,
        %mul3A_488 = arith.mulf %get3A_487, %get3A_278 : vector<16xf32>
        %add3A_489 = arith.constant 16 : i32
        %add3A_490 = arith.addi %select_n3A_482, %add3A_489 : i32
        %get3A_491 = arith.index_cast %add3A_475 : i32 to index
        %get3A_492 = arith.index_cast %add3A_490 : i32 to index
        %get3A_493 = tpu.vector_load %arg17[%get3A_491, %get3A_492] {strides = array<i32>} : memref<320x128xf32, #tpu.memory_space<vmem>>, vector<16xf32>,
        %mul3A_494 = arith.mulf %get3A_493, %get3A_283 : vector<16xf32>
        %add3A_495 = arith.addf %mul3A_488, %mul3A_494 : vector<16xf32>
        %add3A_496 = arith.constant 32 : i32
        %add3A_497 = arith.addi %select_n3A_482, %add3A_496 : i32
        %get3A_498 = arith.index_cast %add3A_475 : i32 to index
        %get3A_499 = arith.index_cast %add3A_497 : i32 to index
        %get3A_500 = tpu.vector_load %arg17[%get3A_498, %get3A_499] {strides = array<i32>} : memref<320x128xf32, #tpu.memory_space<vmem>>, vector<16xf32>,
        %mul3A_501 = arith.mulf %get3A_500, %get3A_288 : vector<16xf32>
        %add3A_502 = arith.addf %add3A_495, %mul3A_501 : vector<16xf32>
        %add3A_503 = arith.constant 48 : i32
        %add3A_504 = arith.addi %select_n3A_482, %add3A_503 : i32
        %get3A_505 = arith.index_cast %add3A_475 : i32 to index
        %get3A_506 = arith.index_cast %add3A_504 : i32 to index
        %get3A_507 = tpu.vector_load %arg17[%get3A_505, %get3A_506] {strides = array<i32>} : memref<320x128xf32, #tpu.memory_space<vmem>>, vector<16xf32>,
        %mul3A_508 = arith.mulf %get3A_507, %get3A_293 : vector<16xf32>
        %add3A_509 = arith.addf %add3A_502, %mul3A_508 : vector<16xf32>
        %broadcast_in_dim3A_510 = arith.constant true
        %broadcast_in_dim3A_511 = vector.broadcast %broadcast_in_dim3A_510 : i1 to vector<16xi1>
        %masked_cumsum3A_512 = tpu.scan <sum>, %add3A_509 masked %broadcast_in_dim3A_511 : vector<16xf32>, vector<16xi1> -> vector<16xf32>
        %broadcast_in_dim3A_513 = vector.broadcast %add3A_484 : i32 to vector<16xi32>
        tpu.vector_store_idx %arg22[%broadcast_in_dim3A_513], %masked_cumsum3A_512 masked %eq3A_2 : memref<10240xf32, #tpu.memory_space<vmem>>[vector<16xi32>], vector<16xf32>, vector<16xi1>
        %slice3A_514 = vector.extract_strided_slice %get3A_333 {offsets = [4], sizes = [1], strides = [1]} : vector<16xi32> to vector<1xi32>
        %squeeze3A_515 = vector.extract %slice3A_514[0] : i32 from vector<1xi32>
        %mul3A_516 = arith.constant 20 : i32
        %mul3A_517 = arith.muli %scan3A_266, %mul3A_516 : i32
        %add3A_518 = arith.constant 4 : i32
        %add3A_519 = arith.addi %mul3A_517, %add3A_518 : i32
        %and3A_520 = arith.constant 16384 : i32
        %and3A_521 = arith.andi %squeeze3A_515, %and3A_520 : i32
        %ne3A_522 = arith.constant 0 : i32
        %ne3A_523 = arith.cmpi ne, %and3A_521, %ne3A_522 : i32
        %jit3A_524 = arith.constant 64 : i32
        %jit3A_525 = arith.constant 0 : i32
        %select_n3A_526 = arith.select %ne3A_523, %jit3A_524, %jit3A_525 : i32
        %add3A_527 = arith.constant 4 : i32
        %add3A_528 = arith.addi %mul3A_331, %add3A_527 : i32
        %get3A_529 = arith.index_cast %add3A_519 : i32 to index
        %get3A_530 = arith.index_cast %select_n3A_526 : i32 to index
        %get3A_531 = tpu.vector_load %arg17[%get3A_529, %get3A_530] {strides = array<i32>} : memref<320x128xf32, #tpu.memory_space<vmem>>, vector<16xf32>,
        %mul3A_532 = arith.mulf %get3A_531, %get3A_278 : vector<16xf32>
        %add3A_533 = arith.constant 16 : i32
        %add3A_534 = arith.addi %select_n3A_526, %add3A_533 : i32
        %get3A_535 = arith.index_cast %add3A_519 : i32 to index
        %get3A_536 = arith.index_cast %add3A_534 : i32 to index
        %get3A_537 = tpu.vector_load %arg17[%get3A_535, %get3A_536] {strides = array<i32>} : memref<320x128xf32, #tpu.memory_space<vmem>>, vector<16xf32>,
        %mul3A_538 = arith.mulf %get3A_537, %get3A_283 : vector<16xf32>
        %add3A_539 = arith.addf %mul3A_532, %mul3A_538 : vector<16xf32>
        %add3A_540 = arith.constant 32 : i32
        %add3A_541 = arith.addi %select_n3A_526, %add3A_540 : i32
        %get3A_542 = arith.index_cast %add3A_519 : i32 to index
        %get3A_543 = arith.index_cast %add3A_541 : i32 to index
        %get3A_544 = tpu.vector_load %arg17[%get3A_542, %get3A_543] {strides = array<i32>} : memref<320x128xf32, #tpu.memory_space<vmem>>, vector<16xf32>,
        %mul3A_545 = arith.mulf %get3A_544, %get3A_288 : vector<16xf32>
        %add3A_546 = arith.addf %add3A_539, %mul3A_545 : vector<16xf32>
        %add3A_547 = arith.constant 48 : i32
        %add3A_548 = arith.addi %select_n3A_526, %add3A_547 : i32
        %get3A_549 = arith.index_cast %add3A_519 : i32 to index
        %get3A_550 = arith.index_cast %add3A_548 : i32 to index
        %get3A_551 = tpu.vector_load %arg17[%get3A_549, %get3A_550] {strides = array<i32>} : memref<320x128xf32, #tpu.memory_space<vmem>>, vector<16xf32>,
        %mul3A_552 = arith.mulf %get3A_551, %get3A_293 : vector<16xf32>
        %add3A_553 = arith.addf %add3A_546, %mul3A_552 : vector<16xf32>
        %broadcast_in_dim3A_554 = arith.constant true
        %broadcast_in_dim3A_555 = vector.broadcast %broadcast_in_dim3A_554 : i1 to vector<16xi1>
        %masked_cumsum3A_556 = tpu.scan <sum>, %add3A_553 masked %broadcast_in_dim3A_555 : vector<16xf32>, vector<16xi1> -> vector<16xf32>
        %broadcast_in_dim3A_557 = vector.broadcast %add3A_528 : i32 to vector<16xi32>
        tpu.vector_store_idx %arg22[%broadcast_in_dim3A_557], %masked_cumsum3A_556 masked %eq3A_2 : memref<10240xf32, #tpu.memory_space<vmem>>[vector<16xi32>], vector<16xf32>, vector<16xi1>
        %slice3A_558 = vector.extract_strided_slice %get3A_333 {offsets = [5], sizes = [1], strides = [1]} : vector<16xi32> to vector<1xi32>
        %squeeze3A_559 = vector.extract %slice3A_558[0] : i32 from vector<1xi32>
        %mul3A_560 = arith.constant 20 : i32
        %mul3A_561 = arith.muli %scan3A_266, %mul3A_560 : i32
        %add3A_562 = arith.constant 5 : i32
        %add3A_563 = arith.addi %mul3A_561, %add3A_562 : i32
        %and3A_564 = arith.constant 16384 : i32
        %and3A_565 = arith.andi %squeeze3A_559, %and3A_564 : i32
        %ne3A_566 = arith.constant 0 : i32
        %ne3A_567 = arith.cmpi ne, %and3A_565, %ne3A_566 : i32
        %jit3A_568 = arith.constant 64 : i32
        %jit3A_569 = arith.constant 0 : i32
        %select_n3A_570 = arith.select %ne3A_567, %jit3A_568, %jit3A_569 : i32
        %add3A_571 = arith.constant 5 : i32
        %add3A_572 = arith.addi %mul3A_331, %add3A_571 : i32
        %get3A_573 = arith.index_cast %add3A_563 : i32 to index
        %get3A_574 = arith.index_cast %select_n3A_570 : i32 to index
        %get3A_575 = tpu.vector_load %arg17[%get3A_573, %get3A_574] {strides = array<i32>} : memref<320x128xf32, #tpu.memory_space<vmem>>, vector<16xf32>,
        %mul3A_576 = arith.mulf %get3A_575, %get3A_278 : vector<16xf32>
        %add3A_577 = arith.constant 16 : i32
        %add3A_578 = arith.addi %select_n3A_570, %add3A_577 : i32
        %get3A_579 = arith.index_cast %add3A_563 : i32 to index
        %get3A_580 = arith.index_cast %add3A_578 : i32 to index
        %get3A_581 = tpu.vector_load %arg17[%get3A_579, %get3A_580] {strides = array<i32>} : memref<320x128xf32, #tpu.memory_space<vmem>>, vector<16xf32>,
        %mul3A_582 = arith.mulf %get3A_581, %get3A_283 : vector<16xf32>
        %add3A_583 = arith.addf %mul3A_576, %mul3A_582 : vector<16xf32>
        %add3A_584 = arith.constant 32 : i32
        %add3A_585 = arith.addi %select_n3A_570, %add3A_584 : i32
        %get3A_586 = arith.index_cast %add3A_563 : i32 to index
        %get3A_587 = arith.index_cast %add3A_585 : i32 to index
        %get3A_588 = tpu.vector_load %arg17[%get3A_586, %get3A_587] {strides = array<i32>} : memref<320x128xf32, #tpu.memory_space<vmem>>, vector<16xf32>,
        %mul3A_589 = arith.mulf %get3A_588, %get3A_288 : vector<16xf32>
        %add3A_590 = arith.addf %add3A_583, %mul3A_589 : vector<16xf32>
        %add3A_591 = arith.constant 48 : i32
        %add3A_592 = arith.addi %select_n3A_570, %add3A_591 : i32
        %get3A_593 = arith.index_cast %add3A_563 : i32 to index
        %get3A_594 = arith.index_cast %add3A_592 : i32 to index
        %get3A_595 = tpu.vector_load %arg17[%get3A_593, %get3A_594] {strides = array<i32>} : memref<320x128xf32, #tpu.memory_space<vmem>>, vector<16xf32>,
        %mul3A_596 = arith.mulf %get3A_595, %get3A_293 : vector<16xf32>
        %add3A_597 = arith.addf %add3A_590, %mul3A_596 : vector<16xf32>
        %broadcast_in_dim3A_598 = arith.constant true
        %broadcast_in_dim3A_599 = vector.broadcast %broadcast_in_dim3A_598 : i1 to vector<16xi1>
        %masked_cumsum3A_600 = tpu.scan <sum>, %add3A_597 masked %broadcast_in_dim3A_599 : vector<16xf32>, vector<16xi1> -> vector<16xf32>
        %broadcast_in_dim3A_601 = vector.broadcast %add3A_572 : i32 to vector<16xi32>
        tpu.vector_store_idx %arg22[%broadcast_in_dim3A_601], %masked_cumsum3A_600 masked %eq3A_2 : memref<10240xf32, #tpu.memory_space<vmem>>[vector<16xi32>], vector<16xf32>, vector<16xi1>
        %slice3A_602 = vector.extract_strided_slice %get3A_333 {offsets = [6], sizes = [1], strides = [1]} : vector<16xi32> to vector<1xi32>
        %squeeze3A_603 = vector.extract %slice3A_602[0] : i32 from vector<1xi32>
        %mul3A_604 = arith.constant 20 : i32
        %mul3A_605 = arith.muli %scan3A_266, %mul3A_604 : i32
        %add3A_606 = arith.constant 6 : i32
        %add3A_607 = arith.addi %mul3A_605, %add3A_606 : i32
        %and3A_608 = arith.constant 16384 : i32
        %and3A_609 = arith.andi %squeeze3A_603, %and3A_608 : i32
        %ne3A_610 = arith.constant 0 : i32
        %ne3A_611 = arith.cmpi ne, %and3A_609, %ne3A_610 : i32
        %jit3A_612 = arith.constant 64 : i32
        %jit3A_613 = arith.constant 0 : i32
        %select_n3A_614 = arith.select %ne3A_611, %jit3A_612, %jit3A_613 : i32
        %add3A_615 = arith.constant 6 : i32
        %add3A_616 = arith.addi %mul3A_331, %add3A_615 : i32
        %get3A_617 = arith.index_cast %add3A_607 : i32 to index
        %get3A_618 = arith.index_cast %select_n3A_614 : i32 to index
        %get3A_619 = tpu.vector_load %arg17[%get3A_617, %get3A_618] {strides = array<i32>} : memref<320x128xf32, #tpu.memory_space<vmem>>, vector<16xf32>,
        %mul3A_620 = arith.mulf %get3A_619, %get3A_278 : vector<16xf32>
        %add3A_621 = arith.constant 16 : i32
        %add3A_622 = arith.addi %select_n3A_614, %add3A_621 : i32
        %get3A_623 = arith.index_cast %add3A_607 : i32 to index
        %get3A_624 = arith.index_cast %add3A_622 : i32 to index
        %get3A_625 = tpu.vector_load %arg17[%get3A_623, %get3A_624] {strides = array<i32>} : memref<320x128xf32, #tpu.memory_space<vmem>>, vector<16xf32>,
        %mul3A_626 = arith.mulf %get3A_625, %get3A_283 : vector<16xf32>
        %add3A_627 = arith.addf %mul3A_620, %mul3A_626 : vector<16xf32>
        %add3A_628 = arith.constant 32 : i32
        %add3A_629 = arith.addi %select_n3A_614, %add3A_628 : i32
        %get3A_630 = arith.index_cast %add3A_607 : i32 to index
        %get3A_631 = arith.index_cast %add3A_629 : i32 to index
        %get3A_632 = tpu.vector_load %arg17[%get3A_630, %get3A_631] {strides = array<i32>} : memref<320x128xf32, #tpu.memory_space<vmem>>, vector<16xf32>,
        %mul3A_633 = arith.mulf %get3A_632, %get3A_288 : vector<16xf32>
        %add3A_634 = arith.addf %add3A_627, %mul3A_633 : vector<16xf32>
        %add3A_635 = arith.constant 48 : i32
        %add3A_636 = arith.addi %select_n3A_614, %add3A_635 : i32
        %get3A_637 = arith.index_cast %add3A_607 : i32 to index
        %get3A_638 = arith.index_cast %add3A_636 : i32 to index
        %get3A_639 = tpu.vector_load %arg17[%get3A_637, %get3A_638] {strides = array<i32>} : memref<320x128xf32, #tpu.memory_space<vmem>>, vector<16xf32>,
        %mul3A_640 = arith.mulf %get3A_639, %get3A_293 : vector<16xf32>
        %add3A_641 = arith.addf %add3A_634, %mul3A_640 : vector<16xf32>
        %broadcast_in_dim3A_642 = arith.constant true
        %broadcast_in_dim3A_643 = vector.broadcast %broadcast_in_dim3A_642 : i1 to vector<16xi1>
        %masked_cumsum3A_644 = tpu.scan <sum>, %add3A_641 masked %broadcast_in_dim3A_643 : vector<16xf32>, vector<16xi1> -> vector<16xf32>
        %broadcast_in_dim3A_645 = vector.broadcast %add3A_616 : i32 to vector<16xi32>
        tpu.vector_store_idx %arg22[%broadcast_in_dim3A_645], %masked_cumsum3A_644 masked %eq3A_2 : memref<10240xf32, #tpu.memory_space<vmem>>[vector<16xi32>], vector<16xf32>, vector<16xi1>
        %slice3A_646 = vector.extract_strided_slice %get3A_333 {offsets = [7], sizes = [1], strides = [1]} : vector<16xi32> to vector<1xi32>
        %squeeze3A_647 = vector.extract %slice3A_646[0] : i32 from vector<1xi32>
        %mul3A_648 = arith.constant 20 : i32
        %mul3A_649 = arith.muli %scan3A_266, %mul3A_648 : i32
        %add3A_650 = arith.constant 7 : i32
        %add3A_651 = arith.addi %mul3A_649, %add3A_650 : i32
        %and3A_652 = arith.constant 16384 : i32
        %and3A_653 = arith.andi %squeeze3A_647, %and3A_652 : i32
        %ne3A_654 = arith.constant 0 : i32
        %ne3A_655 = arith.cmpi ne, %and3A_653, %ne3A_654 : i32
        %jit3A_656 = arith.constant 64 : i32
        %jit3A_657 = arith.constant 0 : i32
        %select_n3A_658 = arith.select %ne3A_655, %jit3A_656, %jit3A_657 : i32
        %add3A_659 = arith.constant 7 : i32
        %add3A_660 = arith.addi %mul3A_331, %add3A_659 : i32
        %get3A_661 = arith.index_cast %add3A_651 : i32 to index
        %get3A_662 = arith.index_cast %select_n3A_658 : i32 to index
        %get3A_663 = tpu.vector_load %arg17[%get3A_661, %get3A_662] {strides = array<i32>} : memref<320x128xf32, #tpu.memory_space<vmem>>, vector<16xf32>,
        %mul3A_664 = arith.mulf %get3A_663, %get3A_278 : vector<16xf32>
        %add3A_665 = arith.constant 16 : i32
        %add3A_666 = arith.addi %select_n3A_658, %add3A_665 : i32
        %get3A_667 = arith.index_cast %add3A_651 : i32 to index
        %get3A_668 = arith.index_cast %add3A_666 : i32 to index
        %get3A_669 = tpu.vector_load %arg17[%get3A_667, %get3A_668] {strides = array<i32>} : memref<320x128xf32, #tpu.memory_space<vmem>>, vector<16xf32>,
        %mul3A_670 = arith.mulf %get3A_669, %get3A_283 : vector<16xf32>
        %add3A_671 = arith.addf %mul3A_664, %mul3A_670 : vector<16xf32>
        %add3A_672 = arith.constant 32 : i32
        %add3A_673 = arith.addi %select_n3A_658, %add3A_672 : i32
        %get3A_674 = arith.index_cast %add3A_651 : i32 to index
        %get3A_675 = arith.index_cast %add3A_673 : i32 to index
        %get3A_676 = tpu.vector_load %arg17[%get3A_674, %get3A_675] {strides = array<i32>} : memref<320x128xf32, #tpu.memory_space<vmem>>, vector<16xf32>,
        %mul3A_677 = arith.mulf %get3A_676, %get3A_288 : vector<16xf32>
        %add3A_678 = arith.addf %add3A_671, %mul3A_677 : vector<16xf32>
        %add3A_679 = arith.constant 48 : i32
        %add3A_680 = arith.addi %select_n3A_658, %add3A_679 : i32
        %get3A_681 = arith.index_cast %add3A_651 : i32 to index
        %get3A_682 = arith.index_cast %add3A_680 : i32 to index
        %get3A_683 = tpu.vector_load %arg17[%get3A_681, %get3A_682] {strides = array<i32>} : memref<320x128xf32, #tpu.memory_space<vmem>>, vector<16xf32>,
        %mul3A_684 = arith.mulf %get3A_683, %get3A_293 : vector<16xf32>
        %add3A_685 = arith.addf %add3A_678, %mul3A_684 : vector<16xf32>
        %broadcast_in_dim3A_686 = arith.constant true
        %broadcast_in_dim3A_687 = vector.broadcast %broadcast_in_dim3A_686 : i1 to vector<16xi1>
        %masked_cumsum3A_688 = tpu.scan <sum>, %add3A_685 masked %broadcast_in_dim3A_687 : vector<16xf32>, vector<16xi1> -> vector<16xf32>
        %broadcast_in_dim3A_689 = vector.broadcast %add3A_660 : i32 to vector<16xi32>
        tpu.vector_store_idx %arg22[%broadcast_in_dim3A_689], %masked_cumsum3A_688 masked %eq3A_2 : memref<10240xf32, #tpu.memory_space<vmem>>[vector<16xi32>], vector<16xf32>, vector<16xi1>
        %slice3A_690 = vector.extract_strided_slice %get3A_333 {offsets = [8], sizes = [1], strides = [1]} : vector<16xi32> to vector<1xi32>
        %squeeze3A_691 = vector.extract %slice3A_690[0] : i32 from vector<1xi32>
        %mul3A_692 = arith.constant 20 : i32
        %mul3A_693 = arith.muli %scan3A_266, %mul3A_692 : i32
        %add3A_694 = arith.constant 8 : i32
        %add3A_695 = arith.addi %mul3A_693, %add3A_694 : i32
        %and3A_696 = arith.constant 16384 : i32
        %and3A_697 = arith.andi %squeeze3A_691, %and3A_696 : i32
        %ne3A_698 = arith.constant 0 : i32
        %ne3A_699 = arith.cmpi ne, %and3A_697, %ne3A_698 : i32
        %jit3A_700 = arith.constant 64 : i32
        %jit3A_701 = arith.constant 0 : i32
        %select_n3A_702 = arith.select %ne3A_699, %jit3A_700, %jit3A_701 : i32
        %add3A_703 = arith.constant 8 : i32
        %add3A_704 = arith.addi %mul3A_331, %add3A_703 : i32
        %get3A_705 = arith.index_cast %add3A_695 : i32 to index
        %get3A_706 = arith.index_cast %select_n3A_702 : i32 to index
        %get3A_707 = tpu.vector_load %arg17[%get3A_705, %get3A_706] {strides = array<i32>} : memref<320x128xf32, #tpu.memory_space<vmem>>, vector<16xf32>,
        %mul3A_708 = arith.mulf %get3A_707, %get3A_278 : vector<16xf32>
        %add3A_709 = arith.constant 16 : i32
        %add3A_710 = arith.addi %select_n3A_702, %add3A_709 : i32
        %get3A_711 = arith.index_cast %add3A_695 : i32 to index
        %get3A_712 = arith.index_cast %add3A_710 : i32 to index
        %get3A_713 = tpu.vector_load %arg17[%get3A_711, %get3A_712] {strides = array<i32>} : memref<320x128xf32, #tpu.memory_space<vmem>>, vector<16xf32>,
        %mul3A_714 = arith.mulf %get3A_713, %get3A_283 : vector<16xf32>
        %add3A_715 = arith.addf %mul3A_708, %mul3A_714 : vector<16xf32>
        %add3A_716 = arith.constant 32 : i32
        %add3A_717 = arith.addi %select_n3A_702, %add3A_716 : i32
        %get3A_718 = arith.index_cast %add3A_695 : i32 to index
        %get3A_719 = arith.index_cast %add3A_717 : i32 to index
        %get3A_720 = tpu.vector_load %arg17[%get3A_718, %get3A_719] {strides = array<i32>} : memref<320x128xf32, #tpu.memory_space<vmem>>, vector<16xf32>,
        %mul3A_721 = arith.mulf %get3A_720, %get3A_288 : vector<16xf32>
        %add3A_722 = arith.addf %add3A_715, %mul3A_721 : vector<16xf32>
        %add3A_723 = arith.constant 48 : i32
        %add3A_724 = arith.addi %select_n3A_702, %add3A_723 : i32
        %get3A_725 = arith.index_cast %add3A_695 : i32 to index
        %get3A_726 = arith.index_cast %add3A_724 : i32 to index
        %get3A_727 = tpu.vector_load %arg17[%get3A_725, %get3A_726] {strides = array<i32>} : memref<320x128xf32, #tpu.memory_space<vmem>>, vector<16xf32>,
        %mul3A_728 = arith.mulf %get3A_727, %get3A_293 : vector<16xf32>
        %add3A_729 = arith.addf %add3A_722, %mul3A_728 : vector<16xf32>
        %broadcast_in_dim3A_730 = arith.constant true
        %broadcast_in_dim3A_731 = vector.broadcast %broadcast_in_dim3A_730 : i1 to vector<16xi1>
        %masked_cumsum3A_732 = tpu.scan <sum>, %add3A_729 masked %broadcast_in_dim3A_731 : vector<16xf32>, vector<16xi1> -> vector<16xf32>
        %broadcast_in_dim3A_733 = vector.broadcast %add3A_704 : i32 to vector<16xi32>
        tpu.vector_store_idx %arg22[%broadcast_in_dim3A_733], %masked_cumsum3A_732 masked %eq3A_2 : memref<10240xf32, #tpu.memory_space<vmem>>[vector<16xi32>], vector<16xf32>, vector<16xi1>
        %slice3A_734 = vector.extract_strided_slice %get3A_333 {offsets = [9], sizes = [1], strides = [1]} : vector<16xi32> to vector<1xi32>
        %squeeze3A_735 = vector.extract %slice3A_734[0] : i32 from vector<1xi32>
        %mul3A_736 = arith.constant 20 : i32
        %mul3A_737 = arith.muli %scan3A_266, %mul3A_736 : i32
        %add3A_738 = arith.constant 9 : i32
        %add3A_739 = arith.addi %mul3A_737, %add3A_738 : i32
        %and3A_740 = arith.constant 16384 : i32
        %and3A_741 = arith.andi %squeeze3A_735, %and3A_740 : i32
        %ne3A_742 = arith.constant 0 : i32
        %ne3A_743 = arith.cmpi ne, %and3A_741, %ne3A_742 : i32
        %jit3A_744 = arith.constant 64 : i32
        %jit3A_745 = arith.constant 0 : i32
        %select_n3A_746 = arith.select %ne3A_743, %jit3A_744, %jit3A_745 : i32
        %add3A_747 = arith.constant 9 : i32
        %add3A_748 = arith.addi %mul3A_331, %add3A_747 : i32
        %get3A_749 = arith.index_cast %add3A_739 : i32 to index
        %get3A_750 = arith.index_cast %select_n3A_746 : i32 to index
        %get3A_751 = tpu.vector_load %arg17[%get3A_749, %get3A_750] {strides = array<i32>} : memref<320x128xf32, #tpu.memory_space<vmem>>, vector<16xf32>,
        %mul3A_752 = arith.mulf %get3A_751, %get3A_278 : vector<16xf32>
        %add3A_753 = arith.constant 16 : i32
        %add3A_754 = arith.addi %select_n3A_746, %add3A_753 : i32
        %get3A_755 = arith.index_cast %add3A_739 : i32 to index
        %get3A_756 = arith.index_cast %add3A_754 : i32 to index
        %get3A_757 = tpu.vector_load %arg17[%get3A_755, %get3A_756] {strides = array<i32>} : memref<320x128xf32, #tpu.memory_space<vmem>>, vector<16xf32>,
        %mul3A_758 = arith.mulf %get3A_757, %get3A_283 : vector<16xf32>
        %add3A_759 = arith.addf %mul3A_752, %mul3A_758 : vector<16xf32>
        %add3A_760 = arith.constant 32 : i32
        %add3A_761 = arith.addi %select_n3A_746, %add3A_760 : i32
        %get3A_762 = arith.index_cast %add3A_739 : i32 to index
        %get3A_763 = arith.index_cast %add3A_761 : i32 to index
        %get3A_764 = tpu.vector_load %arg17[%get3A_762, %get3A_763] {strides = array<i32>} : memref<320x128xf32, #tpu.memory_space<vmem>>, vector<16xf32>,
        %mul3A_765 = arith.mulf %get3A_764, %get3A_288 : vector<16xf32>
        %add3A_766 = arith.addf %add3A_759, %mul3A_765 : vector<16xf32>
        %add3A_767 = arith.constant 48 : i32
        %add3A_768 = arith.addi %select_n3A_746, %add3A_767 : i32
        %get3A_769 = arith.index_cast %add3A_739 : i32 to index
        %get3A_770 = arith.index_cast %add3A_768 : i32 to index
        %get3A_771 = tpu.vector_load %arg17[%get3A_769, %get3A_770] {strides = array<i32>} : memref<320x128xf32, #tpu.memory_space<vmem>>, vector<16xf32>,
        %mul3A_772 = arith.mulf %get3A_771, %get3A_293 : vector<16xf32>
        %add3A_773 = arith.addf %add3A_766, %mul3A_772 : vector<16xf32>
        %broadcast_in_dim3A_774 = arith.constant true
        %broadcast_in_dim3A_775 = vector.broadcast %broadcast_in_dim3A_774 : i1 to vector<16xi1>
        %masked_cumsum3A_776 = tpu.scan <sum>, %add3A_773 masked %broadcast_in_dim3A_775 : vector<16xf32>, vector<16xi1> -> vector<16xf32>
        %broadcast_in_dim3A_777 = vector.broadcast %add3A_748 : i32 to vector<16xi32>
        tpu.vector_store_idx %arg22[%broadcast_in_dim3A_777], %masked_cumsum3A_776 masked %eq3A_2 : memref<10240xf32, #tpu.memory_space<vmem>>[vector<16xi32>], vector<16xf32>, vector<16xi1>
        %slice3A_778 = vector.extract_strided_slice %get3A_333 {offsets = [10], sizes = [1], strides = [1]} : vector<16xi32> to vector<1xi32>
        %squeeze3A_779 = vector.extract %slice3A_778[0] : i32 from vector<1xi32>
        %mul3A_780 = arith.constant 20 : i32
        %mul3A_781 = arith.muli %scan3A_266, %mul3A_780 : i32
        %add3A_782 = arith.constant 10 : i32
        %add3A_783 = arith.addi %mul3A_781, %add3A_782 : i32
        %and3A_784 = arith.constant 16384 : i32
        %and3A_785 = arith.andi %squeeze3A_779, %and3A_784 : i32
        %ne3A_786 = arith.constant 0 : i32
        %ne3A_787 = arith.cmpi ne, %and3A_785, %ne3A_786 : i32
        %jit3A_788 = arith.constant 64 : i32
        %jit3A_789 = arith.constant 0 : i32
        %select_n3A_790 = arith.select %ne3A_787, %jit3A_788, %jit3A_789 : i32
        %add3A_791 = arith.constant 10 : i32
        %add3A_792 = arith.addi %mul3A_331, %add3A_791 : i32
        %get3A_793 = arith.index_cast %add3A_783 : i32 to index
        %get3A_794 = arith.index_cast %select_n3A_790 : i32 to index
        %get3A_795 = tpu.vector_load %arg17[%get3A_793, %get3A_794] {strides = array<i32>} : memref<320x128xf32, #tpu.memory_space<vmem>>, vector<16xf32>,
        %mul3A_796 = arith.mulf %get3A_795, %get3A_278 : vector<16xf32>
        %add3A_797 = arith.constant 16 : i32
        %add3A_798 = arith.addi %select_n3A_790, %add3A_797 : i32
        %get3A_799 = arith.index_cast %add3A_783 : i32 to index
        %get3A_800 = arith.index_cast %add3A_798 : i32 to index
        %get3A_801 = tpu.vector_load %arg17[%get3A_799, %get3A_800] {strides = array<i32>} : memref<320x128xf32, #tpu.memory_space<vmem>>, vector<16xf32>,
        %mul3A_802 = arith.mulf %get3A_801, %get3A_283 : vector<16xf32>
        %add3A_803 = arith.addf %mul3A_796, %mul3A_802 : vector<16xf32>
        %add3A_804 = arith.constant 32 : i32
        %add3A_805 = arith.addi %select_n3A_790, %add3A_804 : i32
        %get3A_806 = arith.index_cast %add3A_783 : i32 to index
        %get3A_807 = arith.index_cast %add3A_805 : i32 to index
        %get3A_808 = tpu.vector_load %arg17[%get3A_806, %get3A_807] {strides = array<i32>} : memref<320x128xf32, #tpu.memory_space<vmem>>, vector<16xf32>,
        %mul3A_809 = arith.mulf %get3A_808, %get3A_288 : vector<16xf32>
        %add3A_810 = arith.addf %add3A_803, %mul3A_809 : vector<16xf32>
        %add3A_811 = arith.constant 48 : i32
        %add3A_812 = arith.addi %select_n3A_790, %add3A_811 : i32
        %get3A_813 = arith.index_cast %add3A_783 : i32 to index
        %get3A_814 = arith.index_cast %add3A_812 : i32 to index
        %get3A_815 = tpu.vector_load %arg17[%get3A_813, %get3A_814] {strides = array<i32>} : memref<320x128xf32, #tpu.memory_space<vmem>>, vector<16xf32>,
        %mul3A_816 = arith.mulf %get3A_815, %get3A_293 : vector<16xf32>
        %add3A_817 = arith.addf %add3A_810, %mul3A_816 : vector<16xf32>
        %broadcast_in_dim3A_818 = arith.constant true
        %broadcast_in_dim3A_819 = vector.broadcast %broadcast_in_dim3A_818 : i1 to vector<16xi1>
        %masked_cumsum3A_820 = tpu.scan <sum>, %add3A_817 masked %broadcast_in_dim3A_819 : vector<16xf32>, vector<16xi1> -> vector<16xf32>
        %broadcast_in_dim3A_821 = vector.broadcast %add3A_792 : i32 to vector<16xi32>
        tpu.vector_store_idx %arg22[%broadcast_in_dim3A_821], %masked_cumsum3A_820 masked %eq3A_2 : memref<10240xf32, #tpu.memory_space<vmem>>[vector<16xi32>], vector<16xf32>, vector<16xi1>
        %slice3A_822 = vector.extract_strided_slice %get3A_333 {offsets = [11], sizes = [1], strides = [1]} : vector<16xi32> to vector<1xi32>
        %squeeze3A_823 = vector.extract %slice3A_822[0] : i32 from vector<1xi32>
        %mul3A_824 = arith.constant 20 : i32
        %mul3A_825 = arith.muli %scan3A_266, %mul3A_824 : i32
        %add3A_826 = arith.constant 11 : i32
        %add3A_827 = arith.addi %mul3A_825, %add3A_826 : i32
        %and3A_828 = arith.constant 16384 : i32
        %and3A_829 = arith.andi %squeeze3A_823, %and3A_828 : i32
        %ne3A_830 = arith.constant 0 : i32
        %ne3A_831 = arith.cmpi ne, %and3A_829, %ne3A_830 : i32
        %jit3A_832 = arith.constant 64 : i32
        %jit3A_833 = arith.constant 0 : i32
        %select_n3A_834 = arith.select %ne3A_831, %jit3A_832, %jit3A_833 : i32
        %add3A_835 = arith.constant 11 : i32
        %add3A_836 = arith.addi %mul3A_331, %add3A_835 : i32
        %get3A_837 = arith.index_cast %add3A_827 : i32 to index
        %get3A_838 = arith.index_cast %select_n3A_834 : i32 to index
        %get3A_839 = tpu.vector_load %arg17[%get3A_837, %get3A_838] {strides = array<i32>} : memref<320x128xf32, #tpu.memory_space<vmem>>, vector<16xf32>,
        %mul3A_840 = arith.mulf %get3A_839, %get3A_278 : vector<16xf32>
        %add3A_841 = arith.constant 16 : i32
        %add3A_842 = arith.addi %select_n3A_834, %add3A_841 : i32
        %get3A_843 = arith.index_cast %add3A_827 : i32 to index
        %get3A_844 = arith.index_cast %add3A_842 : i32 to index
        %get3A_845 = tpu.vector_load %arg17[%get3A_843, %get3A_844] {strides = array<i32>} : memref<320x128xf32, #tpu.memory_space<vmem>>, vector<16xf32>,
        %mul3A_846 = arith.mulf %get3A_845, %get3A_283 : vector<16xf32>
        %add3A_847 = arith.addf %mul3A_840, %mul3A_846 : vector<16xf32>
        %add3A_848 = arith.constant 32 : i32
        %add3A_849 = arith.addi %select_n3A_834, %add3A_848 : i32
        %get3A_850 = arith.index_cast %add3A_827 : i32 to index
        %get3A_851 = arith.index_cast %add3A_849 : i32 to index
        %get3A_852 = tpu.vector_load %arg17[%get3A_850, %get3A_851] {strides = array<i32>} : memref<320x128xf32, #tpu.memory_space<vmem>>, vector<16xf32>,
        %mul3A_853 = arith.mulf %get3A_852, %get3A_288 : vector<16xf32>
        %add3A_854 = arith.addf %add3A_847, %mul3A_853 : vector<16xf32>
        %add3A_855 = arith.constant 48 : i32
        %add3A_856 = arith.addi %select_n3A_834, %add3A_855 : i32
        %get3A_857 = arith.index_cast %add3A_827 : i32 to index
        %get3A_858 = arith.index_cast %add3A_856 : i32 to index
        %get3A_859 = tpu.vector_load %arg17[%get3A_857, %get3A_858] {strides = array<i32>} : memref<320x128xf32, #tpu.memory_space<vmem>>, vector<16xf32>,
        %mul3A_860 = arith.mulf %get3A_859, %get3A_293 : vector<16xf32>
        %add3A_861 = arith.addf %add3A_854, %mul3A_860 : vector<16xf32>
        %broadcast_in_dim3A_862 = arith.constant true
        %broadcast_in_dim3A_863 = vector.broadcast %broadcast_in_dim3A_862 : i1 to vector<16xi1>
        %masked_cumsum3A_864 = tpu.scan <sum>, %add3A_861 masked %broadcast_in_dim3A_863 : vector<16xf32>, vector<16xi1> -> vector<16xf32>
        %broadcast_in_dim3A_865 = vector.broadcast %add3A_836 : i32 to vector<16xi32>
        tpu.vector_store_idx %arg22[%broadcast_in_dim3A_865], %masked_cumsum3A_864 masked %eq3A_2 : memref<10240xf32, #tpu.memory_space<vmem>>[vector<16xi32>], vector<16xf32>, vector<16xi1>
        %slice3A_866 = vector.extract_strided_slice %get3A_333 {offsets = [12], sizes = [1], strides = [1]} : vector<16xi32> to vector<1xi32>
        %squeeze3A_867 = vector.extract %slice3A_866[0] : i32 from vector<1xi32>
        %mul3A_868 = arith.constant 20 : i32
        %mul3A_869 = arith.muli %scan3A_266, %mul3A_868 : i32
        %add3A_870 = arith.constant 12 : i32
        %add3A_871 = arith.addi %mul3A_869, %add3A_870 : i32
        %and3A_872 = arith.constant 16384 : i32
        %and3A_873 = arith.andi %squeeze3A_867, %and3A_872 : i32
        %ne3A_874 = arith.constant 0 : i32
        %ne3A_875 = arith.cmpi ne, %and3A_873, %ne3A_874 : i32
        %jit3A_876 = arith.constant 64 : i32
        %jit3A_877 = arith.constant 0 : i32
        %select_n3A_878 = arith.select %ne3A_875, %jit3A_876, %jit3A_877 : i32
        %add3A_879 = arith.constant 12 : i32
        %add3A_880 = arith.addi %mul3A_331, %add3A_879 : i32
        %get3A_881 = arith.index_cast %add3A_871 : i32 to index
        %get3A_882 = arith.index_cast %select_n3A_878 : i32 to index
        %get3A_883 = tpu.vector_load %arg17[%get3A_881, %get3A_882] {strides = array<i32>} : memref<320x128xf32, #tpu.memory_space<vmem>>, vector<16xf32>,
        %mul3A_884 = arith.mulf %get3A_883, %get3A_278 : vector<16xf32>
        %add3A_885 = arith.constant 16 : i32
        %add3A_886 = arith.addi %select_n3A_878, %add3A_885 : i32
        %get3A_887 = arith.index_cast %add3A_871 : i32 to index
        %get3A_888 = arith.index_cast %add3A_886 : i32 to index
        %get3A_889 = tpu.vector_load %arg17[%get3A_887, %get3A_888] {strides = array<i32>} : memref<320x128xf32, #tpu.memory_space<vmem>>, vector<16xf32>,
        %mul3A_890 = arith.mulf %get3A_889, %get3A_283 : vector<16xf32>
        %add3A_891 = arith.addf %mul3A_884, %mul3A_890 : vector<16xf32>
        %add3A_892 = arith.constant 32 : i32
        %add3A_893 = arith.addi %select_n3A_878, %add3A_892 : i32
        %get3A_894 = arith.index_cast %add3A_871 : i32 to index
        %get3A_895 = arith.index_cast %add3A_893 : i32 to index
        %get3A_896 = tpu.vector_load %arg17[%get3A_894, %get3A_895] {strides = array<i32>} : memref<320x128xf32, #tpu.memory_space<vmem>>, vector<16xf32>,
        %mul3A_897 = arith.mulf %get3A_896, %get3A_288 : vector<16xf32>
        %add3A_898 = arith.addf %add3A_891, %mul3A_897 : vector<16xf32>
        %add3A_899 = arith.constant 48 : i32
        %add3A_900 = arith.addi %select_n3A_878, %add3A_899 : i32
        %get3A_901 = arith.index_cast %add3A_871 : i32 to index
        %get3A_902 = arith.index_cast %add3A_900 : i32 to index
        %get3A_903 = tpu.vector_load %arg17[%get3A_901, %get3A_902] {strides = array<i32>} : memref<320x128xf32, #tpu.memory_space<vmem>>, vector<16xf32>,
        %mul3A_904 = arith.mulf %get3A_903, %get3A_293 : vector<16xf32>
        %add3A_905 = arith.addf %add3A_898, %mul3A_904 : vector<16xf32>
        %broadcast_in_dim3A_906 = arith.constant true
        %broadcast_in_dim3A_907 = vector.broadcast %broadcast_in_dim3A_906 : i1 to vector<16xi1>
        %masked_cumsum3A_908 = tpu.scan <sum>, %add3A_905 masked %broadcast_in_dim3A_907 : vector<16xf32>, vector<16xi1> -> vector<16xf32>
        %broadcast_in_dim3A_909 = vector.broadcast %add3A_880 : i32 to vector<16xi32>
        tpu.vector_store_idx %arg22[%broadcast_in_dim3A_909], %masked_cumsum3A_908 masked %eq3A_2 : memref<10240xf32, #tpu.memory_space<vmem>>[vector<16xi32>], vector<16xf32>, vector<16xi1>
        %slice3A_910 = vector.extract_strided_slice %get3A_333 {offsets = [13], sizes = [1], strides = [1]} : vector<16xi32> to vector<1xi32>
        %squeeze3A_911 = vector.extract %slice3A_910[0] : i32 from vector<1xi32>
        %mul3A_912 = arith.constant 20 : i32
        %mul3A_913 = arith.muli %scan3A_266, %mul3A_912 : i32
        %add3A_914 = arith.constant 13 : i32
        %add3A_915 = arith.addi %mul3A_913, %add3A_914 : i32
        %and3A_916 = arith.constant 16384 : i32
        %and3A_917 = arith.andi %squeeze3A_911, %and3A_916 : i32
        %ne3A_918 = arith.constant 0 : i32
        %ne3A_919 = arith.cmpi ne, %and3A_917, %ne3A_918 : i32
        %jit3A_920 = arith.constant 64 : i32
        %jit3A_921 = arith.constant 0 : i32
        %select_n3A_922 = arith.select %ne3A_919, %jit3A_920, %jit3A_921 : i32
        %add3A_923 = arith.constant 13 : i32
        %add3A_924 = arith.addi %mul3A_331, %add3A_923 : i32
        %get3A_925 = arith.index_cast %add3A_915 : i32 to index
        %get3A_926 = arith.index_cast %select_n3A_922 : i32 to index
        %get3A_927 = tpu.vector_load %arg17[%get3A_925, %get3A_926] {strides = array<i32>} : memref<320x128xf32, #tpu.memory_space<vmem>>, vector<16xf32>,
        %mul3A_928 = arith.mulf %get3A_927, %get3A_278 : vector<16xf32>
        %add3A_929 = arith.constant 16 : i32
        %add3A_930 = arith.addi %select_n3A_922, %add3A_929 : i32
        %get3A_931 = arith.index_cast %add3A_915 : i32 to index
        %get3A_932 = arith.index_cast %add3A_930 : i32 to index
        %get3A_933 = tpu.vector_load %arg17[%get3A_931, %get3A_932] {strides = array<i32>} : memref<320x128xf32, #tpu.memory_space<vmem>>, vector<16xf32>,
        %mul3A_934 = arith.mulf %get3A_933, %get3A_283 : vector<16xf32>
        %add3A_935 = arith.addf %mul3A_928, %mul3A_934 : vector<16xf32>
        %add3A_936 = arith.constant 32 : i32
        %add3A_937 = arith.addi %select_n3A_922, %add3A_936 : i32
        %get3A_938 = arith.index_cast %add3A_915 : i32 to index
        %get3A_939 = arith.index_cast %add3A_937 : i32 to index
        %get3A_940 = tpu.vector_load %arg17[%get3A_938, %get3A_939] {strides = array<i32>} : memref<320x128xf32, #tpu.memory_space<vmem>>, vector<16xf32>,
        %mul3A_941 = arith.mulf %get3A_940, %get3A_288 : vector<16xf32>
        %add3A_942 = arith.addf %add3A_935, %mul3A_941 : vector<16xf32>
        %add3A_943 = arith.constant 48 : i32
        %add3A_944 = arith.addi %select_n3A_922, %add3A_943 : i32
        %get3A_945 = arith.index_cast %add3A_915 : i32 to index
        %get3A_946 = arith.index_cast %add3A_944 : i32 to index
        %get3A_947 = tpu.vector_load %arg17[%get3A_945, %get3A_946] {strides = array<i32>} : memref<320x128xf32, #tpu.memory_space<vmem>>, vector<16xf32>,
        %mul3A_948 = arith.mulf %get3A_947, %get3A_293 : vector<16xf32>
        %add3A_949 = arith.addf %add3A_942, %mul3A_948 : vector<16xf32>
        %broadcast_in_dim3A_950 = arith.constant true
        %broadcast_in_dim3A_951 = vector.broadcast %broadcast_in_dim3A_950 : i1 to vector<16xi1>
        %masked_cumsum3A_952 = tpu.scan <sum>, %add3A_949 masked %broadcast_in_dim3A_951 : vector<16xf32>, vector<16xi1> -> vector<16xf32>
        %broadcast_in_dim3A_953 = vector.broadcast %add3A_924 : i32 to vector<16xi32>
        tpu.vector_store_idx %arg22[%broadcast_in_dim3A_953], %masked_cumsum3A_952 masked %eq3A_2 : memref<10240xf32, #tpu.memory_space<vmem>>[vector<16xi32>], vector<16xf32>, vector<16xi1>
        %slice3A_954 = vector.extract_strided_slice %get3A_333 {offsets = [14], sizes = [1], strides = [1]} : vector<16xi32> to vector<1xi32>
        %squeeze3A_955 = vector.extract %slice3A_954[0] : i32 from vector<1xi32>
        %mul3A_956 = arith.constant 20 : i32
        %mul3A_957 = arith.muli %scan3A_266, %mul3A_956 : i32
        %add3A_958 = arith.constant 14 : i32
        %add3A_959 = arith.addi %mul3A_957, %add3A_958 : i32
        %and3A_960 = arith.constant 16384 : i32
        %and3A_961 = arith.andi %squeeze3A_955, %and3A_960 : i32
        %ne3A_962 = arith.constant 0 : i32
        %ne3A_963 = arith.cmpi ne, %and3A_961, %ne3A_962 : i32
        %jit3A_964 = arith.constant 64 : i32
        %jit3A_965 = arith.constant 0 : i32
        %select_n3A_966 = arith.select %ne3A_963, %jit3A_964, %jit3A_965 : i32
        %add3A_967 = arith.constant 14 : i32
        %add3A_968 = arith.addi %mul3A_331, %add3A_967 : i32
        %get3A_969 = arith.index_cast %add3A_959 : i32 to index
        %get3A_970 = arith.index_cast %select_n3A_966 : i32 to index
        %get3A_971 = tpu.vector_load %arg17[%get3A_969, %get3A_970] {strides = array<i32>} : memref<320x128xf32, #tpu.memory_space<vmem>>, vector<16xf32>,
        %mul3A_972 = arith.mulf %get3A_971, %get3A_278 : vector<16xf32>
        %add3A_973 = arith.constant 16 : i32
        %add3A_974 = arith.addi %select_n3A_966, %add3A_973 : i32
        %get3A_975 = arith.index_cast %add3A_959 : i32 to index
        %get3A_976 = arith.index_cast %add3A_974 : i32 to index
        %get3A_977 = tpu.vector_load %arg17[%get3A_975, %get3A_976] {strides = array<i32>} : memref<320x128xf32, #tpu.memory_space<vmem>>, vector<16xf32>,
        %mul3A_978 = arith.mulf %get3A_977, %get3A_283 : vector<16xf32>
        %add3A_979 = arith.addf %mul3A_972, %mul3A_978 : vector<16xf32>
        %add3A_980 = arith.constant 32 : i32
        %add3A_981 = arith.addi %select_n3A_966, %add3A_980 : i32
        %get3A_982 = arith.index_cast %add3A_959 : i32 to index
        %get3A_983 = arith.index_cast %add3A_981 : i32 to index
        %get3A_984 = tpu.vector_load %arg17[%get3A_982, %get3A_983] {strides = array<i32>} : memref<320x128xf32, #tpu.memory_space<vmem>>, vector<16xf32>,
        %mul3A_985 = arith.mulf %get3A_984, %get3A_288 : vector<16xf32>
        %add3A_986 = arith.addf %add3A_979, %mul3A_985 : vector<16xf32>
        %add3A_987 = arith.constant 48 : i32
        %add3A_988 = arith.addi %select_n3A_966, %add3A_987 : i32
        %get3A_989 = arith.index_cast %add3A_959 : i32 to index
        %get3A_990 = arith.index_cast %add3A_988 : i32 to index
        %get3A_991 = tpu.vector_load %arg17[%get3A_989, %get3A_990] {strides = array<i32>} : memref<320x128xf32, #tpu.memory_space<vmem>>, vector<16xf32>,
        %mul3A_992 = arith.mulf %get3A_991, %get3A_293 : vector<16xf32>
        %add3A_993 = arith.addf %add3A_986, %mul3A_992 : vector<16xf32>
        %broadcast_in_dim3A_994 = arith.constant true
        %broadcast_in_dim3A_995 = vector.broadcast %broadcast_in_dim3A_994 : i1 to vector<16xi1>
        %masked_cumsum3A_996 = tpu.scan <sum>, %add3A_993 masked %broadcast_in_dim3A_995 : vector<16xf32>, vector<16xi1> -> vector<16xf32>
        %broadcast_in_dim3A_997 = vector.broadcast %add3A_968 : i32 to vector<16xi32>
        tpu.vector_store_idx %arg22[%broadcast_in_dim3A_997], %masked_cumsum3A_996 masked %eq3A_2 : memref<10240xf32, #tpu.memory_space<vmem>>[vector<16xi32>], vector<16xf32>, vector<16xi1>
        %slice3A_998 = vector.extract_strided_slice %get3A_333 {offsets = [15], sizes = [1], strides = [1]} : vector<16xi32> to vector<1xi32>
        %squeeze3A_999 = vector.extract %slice3A_998[0] : i32 from vector<1xi32>
        %mul3A_1000 = arith.constant 20 : i32
        %mul3A_1001 = arith.muli %scan3A_266, %mul3A_1000 : i32
        %add3A_1002 = arith.constant 15 : i32
        %add3A_1003 = arith.addi %mul3A_1001, %add3A_1002 : i32
        %and3A_1004 = arith.constant 16384 : i32
        %and3A_1005 = arith.andi %squeeze3A_999, %and3A_1004 : i32
        %ne3A_1006 = arith.constant 0 : i32
        %ne3A_1007 = arith.cmpi ne, %and3A_1005, %ne3A_1006 : i32
        %jit3A_1008 = arith.constant 64 : i32
        %jit3A_1009 = arith.constant 0 : i32
        %select_n3A_1010 = arith.select %ne3A_1007, %jit3A_1008, %jit3A_1009 : i32
        %add3A_1011 = arith.constant 15 : i32
        %add3A_1012 = arith.addi %mul3A_331, %add3A_1011 : i32
        %get3A_1013 = arith.index_cast %add3A_1003 : i32 to index
        %get3A_1014 = arith.index_cast %select_n3A_1010 : i32 to index
        %get3A_1015 = tpu.vector_load %arg17[%get3A_1013, %get3A_1014] {strides = array<i32>} : memref<320x128xf32, #tpu.memory_space<vmem>>, vector<16xf32>,
        %mul3A_1016 = arith.mulf %get3A_1015, %get3A_278 : vector<16xf32>
        %add3A_1017 = arith.constant 16 : i32
        %add3A_1018 = arith.addi %select_n3A_1010, %add3A_1017 : i32
        %get3A_1019 = arith.index_cast %add3A_1003 : i32 to index
        %get3A_1020 = arith.index_cast %add3A_1018 : i32 to index
        %get3A_1021 = tpu.vector_load %arg17[%get3A_1019, %get3A_1020] {strides = array<i32>} : memref<320x128xf32, #tpu.memory_space<vmem>>, vector<16xf32>,
        %mul3A_1022 = arith.mulf %get3A_1021, %get3A_283 : vector<16xf32>
        %add3A_1023 = arith.addf %mul3A_1016, %mul3A_1022 : vector<16xf32>
        %add3A_1024 = arith.constant 32 : i32
        %add3A_1025 = arith.addi %select_n3A_1010, %add3A_1024 : i32
        %get3A_1026 = arith.index_cast %add3A_1003 : i32 to index
        %get3A_1027 = arith.index_cast %add3A_1025 : i32 to index
        %get3A_1028 = tpu.vector_load %arg17[%get3A_1026, %get3A_1027] {strides = array<i32>} : memref<320x128xf32, #tpu.memory_space<vmem>>, vector<16xf32>,
        %mul3A_1029 = arith.mulf %get3A_1028, %get3A_288 : vector<16xf32>
        %add3A_1030 = arith.addf %add3A_1023, %mul3A_1029 : vector<16xf32>
        %add3A_1031 = arith.constant 48 : i32
        %add3A_1032 = arith.addi %select_n3A_1010, %add3A_1031 : i32
        %get3A_1033 = arith.index_cast %add3A_1003 : i32 to index
        %get3A_1034 = arith.index_cast %add3A_1032 : i32 to index
        %get3A_1035 = tpu.vector_load %arg17[%get3A_1033, %get3A_1034] {strides = array<i32>} : memref<320x128xf32, #tpu.memory_space<vmem>>, vector<16xf32>,
        %mul3A_1036 = arith.mulf %get3A_1035, %get3A_293 : vector<16xf32>
        %add3A_1037 = arith.addf %add3A_1030, %mul3A_1036 : vector<16xf32>
        %broadcast_in_dim3A_1038 = arith.constant true
        %broadcast_in_dim3A_1039 = vector.broadcast %broadcast_in_dim3A_1038 : i1 to vector<16xi1>
        %masked_cumsum3A_1040 = tpu.scan <sum>, %add3A_1037 masked %broadcast_in_dim3A_1039 : vector<16xf32>, vector<16xi1> -> vector<16xf32>
        %broadcast_in_dim3A_1041 = vector.broadcast %add3A_1012 : i32 to vector<16xi32>
        tpu.vector_store_idx %arg22[%broadcast_in_dim3A_1041], %masked_cumsum3A_1040 masked %eq3A_2 : memref<10240xf32, #tpu.memory_space<vmem>>[vector<16xi32>], vector<16xf32>, vector<16xi1>
        %slice3A_1042 = vector.extract_strided_slice %get3A_337 {offsets = [12], sizes = [1], strides = [1]} : vector<16xi32> to vector<1xi32>
        %squeeze3A_1043 = vector.extract %slice3A_1042[0] : i32 from vector<1xi32>
        %mul3A_1044 = arith.constant 20 : i32
        %mul3A_1045 = arith.muli %scan3A_266, %mul3A_1044 : i32
        %add3A_1046 = arith.constant 16 : i32
        %add3A_1047 = arith.addi %mul3A_1045, %add3A_1046 : i32
        %and3A_1048 = arith.constant 16384 : i32
        %and3A_1049 = arith.andi %squeeze3A_1043, %and3A_1048 : i32
        %ne3A_1050 = arith.constant 0 : i32
        %ne3A_1051 = arith.cmpi ne, %and3A_1049, %ne3A_1050 : i32
        %jit3A_1052 = arith.constant 64 : i32
        %jit3A_1053 = arith.constant 0 : i32
        %select_n3A_1054 = arith.select %ne3A_1051, %jit3A_1052, %jit3A_1053 : i32
        %add3A_1055 = arith.constant 16 : i32
        %add3A_1056 = arith.addi %mul3A_331, %add3A_1055 : i32
        %get3A_1057 = arith.index_cast %add3A_1047 : i32 to index
        %get3A_1058 = arith.index_cast %select_n3A_1054 : i32 to index
        %get3A_1059 = tpu.vector_load %arg17[%get3A_1057, %get3A_1058] {strides = array<i32>} : memref<320x128xf32, #tpu.memory_space<vmem>>, vector<16xf32>,
        %mul3A_1060 = arith.mulf %get3A_1059, %get3A_278 : vector<16xf32>
        %add3A_1061 = arith.constant 16 : i32
        %add3A_1062 = arith.addi %select_n3A_1054, %add3A_1061 : i32
        %get3A_1063 = arith.index_cast %add3A_1047 : i32 to index
        %get3A_1064 = arith.index_cast %add3A_1062 : i32 to index
        %get3A_1065 = tpu.vector_load %arg17[%get3A_1063, %get3A_1064] {strides = array<i32>} : memref<320x128xf32, #tpu.memory_space<vmem>>, vector<16xf32>,
        %mul3A_1066 = arith.mulf %get3A_1065, %get3A_283 : vector<16xf32>
        %add3A_1067 = arith.addf %mul3A_1060, %mul3A_1066 : vector<16xf32>
        %add3A_1068 = arith.constant 32 : i32
        %add3A_1069 = arith.addi %select_n3A_1054, %add3A_1068 : i32
        %get3A_1070 = arith.index_cast %add3A_1047 : i32 to index
        %get3A_1071 = arith.index_cast %add3A_1069 : i32 to index
        %get3A_1072 = tpu.vector_load %arg17[%get3A_1070, %get3A_1071] {strides = array<i32>} : memref<320x128xf32, #tpu.memory_space<vmem>>, vector<16xf32>,
        %mul3A_1073 = arith.mulf %get3A_1072, %get3A_288 : vector<16xf32>
        %add3A_1074 = arith.addf %add3A_1067, %mul3A_1073 : vector<16xf32>
        %add3A_1075 = arith.constant 48 : i32
        %add3A_1076 = arith.addi %select_n3A_1054, %add3A_1075 : i32
        %get3A_1077 = arith.index_cast %add3A_1047 : i32 to index
        %get3A_1078 = arith.index_cast %add3A_1076 : i32 to index
        %get3A_1079 = tpu.vector_load %arg17[%get3A_1077, %get3A_1078] {strides = array<i32>} : memref<320x128xf32, #tpu.memory_space<vmem>>, vector<16xf32>,
        %mul3A_1080 = arith.mulf %get3A_1079, %get3A_293 : vector<16xf32>
        %add3A_1081 = arith.addf %add3A_1074, %mul3A_1080 : vector<16xf32>
        %broadcast_in_dim3A_1082 = arith.constant true
        %broadcast_in_dim3A_1083 = vector.broadcast %broadcast_in_dim3A_1082 : i1 to vector<16xi1>
        %masked_cumsum3A_1084 = tpu.scan <sum>, %add3A_1081 masked %broadcast_in_dim3A_1083 : vector<16xf32>, vector<16xi1> -> vector<16xf32>
        %broadcast_in_dim3A_1085 = vector.broadcast %add3A_1056 : i32 to vector<16xi32>
        tpu.vector_store_idx %arg22[%broadcast_in_dim3A_1085], %masked_cumsum3A_1084 masked %eq3A_2 : memref<10240xf32, #tpu.memory_space<vmem>>[vector<16xi32>], vector<16xf32>, vector<16xi1>
        %slice3A_1086 = vector.extract_strided_slice %get3A_337 {offsets = [13], sizes = [1], strides = [1]} : vector<16xi32> to vector<1xi32>
        %squeeze3A_1087 = vector.extract %slice3A_1086[0] : i32 from vector<1xi32>
        %mul3A_1088 = arith.constant 20 : i32
        %mul3A_1089 = arith.muli %scan3A_266, %mul3A_1088 : i32
        %add3A_1090 = arith.constant 17 : i32
        %add3A_1091 = arith.addi %mul3A_1089, %add3A_1090 : i32
        %and3A_1092 = arith.constant 16384 : i32
        %and3A_1093 = arith.andi %squeeze3A_1087, %and3A_1092 : i32
        %ne3A_1094 = arith.constant 0 : i32
        %ne3A_1095 = arith.cmpi ne, %and3A_1093, %ne3A_1094 : i32
        %jit3A_1096 = arith.constant 64 : i32
        %jit3A_1097 = arith.constant 0 : i32
        %select_n3A_1098 = arith.select %ne3A_1095, %jit3A_1096, %jit3A_1097 : i32
        %add3A_1099 = arith.constant 17 : i32
        %add3A_1100 = arith.addi %mul3A_331, %add3A_1099 : i32
        %get3A_1101 = arith.index_cast %add3A_1091 : i32 to index
        %get3A_1102 = arith.index_cast %select_n3A_1098 : i32 to index
        %get3A_1103 = tpu.vector_load %arg17[%get3A_1101, %get3A_1102] {strides = array<i32>} : memref<320x128xf32, #tpu.memory_space<vmem>>, vector<16xf32>,
        %mul3A_1104 = arith.mulf %get3A_1103, %get3A_278 : vector<16xf32>
        %add3A_1105 = arith.constant 16 : i32
        %add3A_1106 = arith.addi %select_n3A_1098, %add3A_1105 : i32
        %get3A_1107 = arith.index_cast %add3A_1091 : i32 to index
        %get3A_1108 = arith.index_cast %add3A_1106 : i32 to index
        %get3A_1109 = tpu.vector_load %arg17[%get3A_1107, %get3A_1108] {strides = array<i32>} : memref<320x128xf32, #tpu.memory_space<vmem>>, vector<16xf32>,
        %mul3A_1110 = arith.mulf %get3A_1109, %get3A_283 : vector<16xf32>
        %add3A_1111 = arith.addf %mul3A_1104, %mul3A_1110 : vector<16xf32>
        %add3A_1112 = arith.constant 32 : i32
        %add3A_1113 = arith.addi %select_n3A_1098, %add3A_1112 : i32
        %get3A_1114 = arith.index_cast %add3A_1091 : i32 to index
        %get3A_1115 = arith.index_cast %add3A_1113 : i32 to index
        %get3A_1116 = tpu.vector_load %arg17[%get3A_1114, %get3A_1115] {strides = array<i32>} : memref<320x128xf32, #tpu.memory_space<vmem>>, vector<16xf32>,
        %mul3A_1117 = arith.mulf %get3A_1116, %get3A_288 : vector<16xf32>
        %add3A_1118 = arith.addf %add3A_1111, %mul3A_1117 : vector<16xf32>
        %add3A_1119 = arith.constant 48 : i32
        %add3A_1120 = arith.addi %select_n3A_1098, %add3A_1119 : i32
        %get3A_1121 = arith.index_cast %add3A_1091 : i32 to index
        %get3A_1122 = arith.index_cast %add3A_1120 : i32 to index
        %get3A_1123 = tpu.vector_load %arg17[%get3A_1121, %get3A_1122] {strides = array<i32>} : memref<320x128xf32, #tpu.memory_space<vmem>>, vector<16xf32>,
        %mul3A_1124 = arith.mulf %get3A_1123, %get3A_293 : vector<16xf32>
        %add3A_1125 = arith.addf %add3A_1118, %mul3A_1124 : vector<16xf32>
        %broadcast_in_dim3A_1126 = arith.constant true
        %broadcast_in_dim3A_1127 = vector.broadcast %broadcast_in_dim3A_1126 : i1 to vector<16xi1>
        %masked_cumsum3A_1128 = tpu.scan <sum>, %add3A_1125 masked %broadcast_in_dim3A_1127 : vector<16xf32>, vector<16xi1> -> vector<16xf32>
        %broadcast_in_dim3A_1129 = vector.broadcast %add3A_1100 : i32 to vector<16xi32>
        tpu.vector_store_idx %arg22[%broadcast_in_dim3A_1129], %masked_cumsum3A_1128 masked %eq3A_2 : memref<10240xf32, #tpu.memory_space<vmem>>[vector<16xi32>], vector<16xf32>, vector<16xi1>
        %slice3A_1130 = vector.extract_strided_slice %get3A_337 {offsets = [14], sizes = [1], strides = [1]} : vector<16xi32> to vector<1xi32>
        %squeeze3A_1131 = vector.extract %slice3A_1130[0] : i32 from vector<1xi32>
        %mul3A_1132 = arith.constant 20 : i32
        %mul3A_1133 = arith.muli %scan3A_266, %mul3A_1132 : i32
        %add3A_1134 = arith.constant 18 : i32
        %add3A_1135 = arith.addi %mul3A_1133, %add3A_1134 : i32
        %and3A_1136 = arith.constant 16384 : i32
        %and3A_1137 = arith.andi %squeeze3A_1131, %and3A_1136 : i32
        %ne3A_1138 = arith.constant 0 : i32
        %ne3A_1139 = arith.cmpi ne, %and3A_1137, %ne3A_1138 : i32
        %jit3A_1140 = arith.constant 64 : i32
        %jit3A_1141 = arith.constant 0 : i32
        %select_n3A_1142 = arith.select %ne3A_1139, %jit3A_1140, %jit3A_1141 : i32
        %add3A_1143 = arith.constant 18 : i32
        %add3A_1144 = arith.addi %mul3A_331, %add3A_1143 : i32
        %get3A_1145 = arith.index_cast %add3A_1135 : i32 to index
        %get3A_1146 = arith.index_cast %select_n3A_1142 : i32 to index
        %get3A_1147 = tpu.vector_load %arg17[%get3A_1145, %get3A_1146] {strides = array<i32>} : memref<320x128xf32, #tpu.memory_space<vmem>>, vector<16xf32>,
        %mul3A_1148 = arith.mulf %get3A_1147, %get3A_278 : vector<16xf32>
        %add3A_1149 = arith.constant 16 : i32
        %add3A_1150 = arith.addi %select_n3A_1142, %add3A_1149 : i32
        %get3A_1151 = arith.index_cast %add3A_1135 : i32 to index
        %get3A_1152 = arith.index_cast %add3A_1150 : i32 to index
        %get3A_1153 = tpu.vector_load %arg17[%get3A_1151, %get3A_1152] {strides = array<i32>} : memref<320x128xf32, #tpu.memory_space<vmem>>, vector<16xf32>,
        %mul3A_1154 = arith.mulf %get3A_1153, %get3A_283 : vector<16xf32>
        %add3A_1155 = arith.addf %mul3A_1148, %mul3A_1154 : vector<16xf32>
        %add3A_1156 = arith.constant 32 : i32
        %add3A_1157 = arith.addi %select_n3A_1142, %add3A_1156 : i32
        %get3A_1158 = arith.index_cast %add3A_1135 : i32 to index
        %get3A_1159 = arith.index_cast %add3A_1157 : i32 to index
        %get3A_1160 = tpu.vector_load %arg17[%get3A_1158, %get3A_1159] {strides = array<i32>} : memref<320x128xf32, #tpu.memory_space<vmem>>, vector<16xf32>,
        %mul3A_1161 = arith.mulf %get3A_1160, %get3A_288 : vector<16xf32>
        %add3A_1162 = arith.addf %add3A_1155, %mul3A_1161 : vector<16xf32>
        %add3A_1163 = arith.constant 48 : i32
        %add3A_1164 = arith.addi %select_n3A_1142, %add3A_1163 : i32
        %get3A_1165 = arith.index_cast %add3A_1135 : i32 to index
        %get3A_1166 = arith.index_cast %add3A_1164 : i32 to index
        %get3A_1167 = tpu.vector_load %arg17[%get3A_1165, %get3A_1166] {strides = array<i32>} : memref<320x128xf32, #tpu.memory_space<vmem>>, vector<16xf32>,
        %mul3A_1168 = arith.mulf %get3A_1167, %get3A_293 : vector<16xf32>
        %add3A_1169 = arith.addf %add3A_1162, %mul3A_1168 : vector<16xf32>
        %broadcast_in_dim3A_1170 = arith.constant true
        %broadcast_in_dim3A_1171 = vector.broadcast %broadcast_in_dim3A_1170 : i1 to vector<16xi1>
        %masked_cumsum3A_1172 = tpu.scan <sum>, %add3A_1169 masked %broadcast_in_dim3A_1171 : vector<16xf32>, vector<16xi1> -> vector<16xf32>
        %broadcast_in_dim3A_1173 = vector.broadcast %add3A_1144 : i32 to vector<16xi32>
        tpu.vector_store_idx %arg22[%broadcast_in_dim3A_1173], %masked_cumsum3A_1172 masked %eq3A_2 : memref<10240xf32, #tpu.memory_space<vmem>>[vector<16xi32>], vector<16xf32>, vector<16xi1>
        %slice3A_1174 = vector.extract_strided_slice %get3A_337 {offsets = [15], sizes = [1], strides = [1]} : vector<16xi32> to vector<1xi32>
        %squeeze3A_1175 = vector.extract %slice3A_1174[0] : i32 from vector<1xi32>
        %mul3A_1176 = arith.constant 20 : i32
        %mul3A_1177 = arith.muli %scan3A_266, %mul3A_1176 : i32
        %add3A_1178 = arith.constant 19 : i32
        %add3A_1179 = arith.addi %mul3A_1177, %add3A_1178 : i32
        %and3A_1180 = arith.constant 16384 : i32
        %and3A_1181 = arith.andi %squeeze3A_1175, %and3A_1180 : i32
        %ne3A_1182 = arith.constant 0 : i32
        %ne3A_1183 = arith.cmpi ne, %and3A_1181, %ne3A_1182 : i32
        %jit3A_1184 = arith.constant 64 : i32
        %jit3A_1185 = arith.constant 0 : i32
        %select_n3A_1186 = arith.select %ne3A_1183, %jit3A_1184, %jit3A_1185 : i32
        %add3A_1187 = arith.constant 19 : i32
        %add3A_1188 = arith.addi %mul3A_331, %add3A_1187 : i32
        %get3A_1189 = arith.index_cast %add3A_1179 : i32 to index
        %get3A_1190 = arith.index_cast %select_n3A_1186 : i32 to index
        %get3A_1191 = tpu.vector_load %arg17[%get3A_1189, %get3A_1190] {strides = array<i32>} : memref<320x128xf32, #tpu.memory_space<vmem>>, vector<16xf32>,
        %mul3A_1192 = arith.mulf %get3A_1191, %get3A_278 : vector<16xf32>
        %add3A_1193 = arith.constant 16 : i32
        %add3A_1194 = arith.addi %select_n3A_1186, %add3A_1193 : i32
        %get3A_1195 = arith.index_cast %add3A_1179 : i32 to index
        %get3A_1196 = arith.index_cast %add3A_1194 : i32 to index
        %get3A_1197 = tpu.vector_load %arg17[%get3A_1195, %get3A_1196] {strides = array<i32>} : memref<320x128xf32, #tpu.memory_space<vmem>>, vector<16xf32>,
        %mul3A_1198 = arith.mulf %get3A_1197, %get3A_283 : vector<16xf32>
        %add3A_1199 = arith.addf %mul3A_1192, %mul3A_1198 : vector<16xf32>
        %add3A_1200 = arith.constant 32 : i32
        %add3A_1201 = arith.addi %select_n3A_1186, %add3A_1200 : i32
        %get3A_1202 = arith.index_cast %add3A_1179 : i32 to index
        %get3A_1203 = arith.index_cast %add3A_1201 : i32 to index
        %get3A_1204 = tpu.vector_load %arg17[%get3A_1202, %get3A_1203] {strides = array<i32>} : memref<320x128xf32, #tpu.memory_space<vmem>>, vector<16xf32>,
        %mul3A_1205 = arith.mulf %get3A_1204, %get3A_288 : vector<16xf32>
        %add3A_1206 = arith.addf %add3A_1199, %mul3A_1205 : vector<16xf32>
        %add3A_1207 = arith.constant 48 : i32
        %add3A_1208 = arith.addi %select_n3A_1186, %add3A_1207 : i32
        %get3A_1209 = arith.index_cast %add3A_1179 : i32 to index
        %get3A_1210 = arith.index_cast %add3A_1208 : i32 to index
        %get3A_1211 = tpu.vector_load %arg17[%get3A_1209, %get3A_1210] {strides = array<i32>} : memref<320x128xf32, #tpu.memory_space<vmem>>, vector<16xf32>,
        %mul3A_1212 = arith.mulf %get3A_1211, %get3A_293 : vector<16xf32>
        %add3A_1213 = arith.addf %add3A_1206, %mul3A_1212 : vector<16xf32>
        %broadcast_in_dim3A_1214 = arith.constant true
        %broadcast_in_dim3A_1215 = vector.broadcast %broadcast_in_dim3A_1214 : i1 to vector<16xi1>
        %masked_cumsum3A_1216 = tpu.scan <sum>, %add3A_1213 masked %broadcast_in_dim3A_1215 : vector<16xf32>, vector<16xi1> -> vector<16xf32>
        %broadcast_in_dim3A_1217 = vector.broadcast %add3A_1188 : i32 to vector<16xi32>
        tpu.vector_store_idx %arg22[%broadcast_in_dim3A_1217], %masked_cumsum3A_1216 masked %eq3A_2 : memref<10240xf32, #tpu.memory_space<vmem>>[vector<16xi32>], vector<16xf32>, vector<16xi1>
      }
      %scan3A_171 = arith.constant 16 : i32
      %mul3A_172 = arith.constant 2 : i32
      %mul3A_173 = arith.muli %scan3A_81, %mul3A_172 : i32
      %add3A_174 = arith.constant 1 : i32
      %add3A_175 = arith.addi %mul3A_173, %add3A_174 : i32
      %add3A_176 = arith.constant 1 : i32
      %add3A_177 = arith.addi %add3A_175, %add3A_176 : i32
      %lt3A_178 = arith.constant 32 : i32
      %lt3A_179 = arith.cmpi slt, %add3A_177, %lt3A_178 : i32
      %convert_element_type3A_180 = arith.extui %lt3A_179 : i1 to i32
      %cond3A_181 = arith.constant 0 : i32
      %cond3A_182 = arith.cmpi ne, %convert_element_type3A_180, %cond3A_181 : i32
      scf.if %cond3A_182 {
        %add3A_266 = arith.constant 1 : i32
        %add3A_267 = arith.addi %add3A_175, %add3A_266 : i32
        %mul3A_268 = arith.constant 16 : i32
        %mul3A_269 = arith.muli %add3A_267, %mul3A_268 : i32
        %mul3A_270 = arith.constant 16 : i32
        %mul3A_271 = arith.muli %add3A_267, %mul3A_270 : i32
        %mul3A_272 = arith.constant 5 : i32
        %mul3A_273 = arith.muli %add3A_267, %mul3A_272 : i32
        %add3A_274 = arith.constant 0 : i32
        %add3A_275 = arith.addi %mul3A_273, %add3A_274 : i32
        %mul3A_276 = arith.constant 64 : i32
        %mul3A_277 = arith.muli %add3A_275, %mul3A_276 : i32
        %mul3A_278 = arith.constant 5 : i32
        %mul3A_279 = arith.muli %add3A_267, %mul3A_278 : i32
        %add3A_280 = arith.constant 1 : i32
        %add3A_281 = arith.addi %mul3A_279, %add3A_280 : i32
        %mul3A_282 = arith.constant 64 : i32
        %mul3A_283 = arith.muli %add3A_281, %mul3A_282 : i32
        %mul3A_284 = arith.constant 5 : i32
        %mul3A_285 = arith.muli %add3A_267, %mul3A_284 : i32
        %add3A_286 = arith.constant 2 : i32
        %add3A_287 = arith.addi %mul3A_285, %add3A_286 : i32
        %mul3A_288 = arith.constant 64 : i32
        %mul3A_289 = arith.muli %add3A_287, %mul3A_288 : i32
        %mul3A_290 = arith.constant 5 : i32
        %mul3A_291 = arith.muli %add3A_267, %mul3A_290 : i32
        %add3A_292 = arith.constant 3 : i32
        %add3A_293 = arith.addi %mul3A_291, %add3A_292 : i32
        %mul3A_294 = arith.constant 64 : i32
        %mul3A_295 = arith.muli %add3A_293, %mul3A_294 : i32
        %mul3A_296 = arith.constant 5 : i32
        %mul3A_297 = arith.muli %add3A_267, %mul3A_296 : i32
        %add3A_298 = arith.constant 4 : i32
        %add3A_299 = arith.addi %mul3A_297, %add3A_298 : i32
        %mul3A_300 = arith.constant 64 : i32
        %mul3A_301 = arith.muli %add3A_299, %mul3A_300 : i32
        %dma_start3A_302 = tpu.memref_slice %arg12[%mul3A_269] : memref<512xi32, #tpu.memory_space<vmem>> -> memref<16xi32, #tpu.memory_space<vmem>>
        %dma_start3A_303 = arith.constant 0 : i32
        %dma_start3A_304 = arith.constant 0 : i32
        %dma_start3A_305 = tpu.memref_slice %arg5[%dma_start3A_303, %dma_start3A_304] : memref<507904x128xf32, #tpu.memory_space<hbm>> -> memref<507904x128xf32, #tpu.memory_space<hbm>>
        tpu.enqueue_indirect_dma source(%dma_start3A_305 : memref<507904x128xf32, #tpu.memory_space<hbm>>) target(%arg15 : memref<16x128xf32, #tpu.memory_space<vmem>>) offsets(%dma_start3A_302 : memref<16xi32, #tpu.memory_space<vmem>>) semaphore(%arg23 : memref<!tpu.dma_semaphore, #tpu.memory_space<semaphore_mem>>)
        %dma_start3A_306 = tpu.memref_slice %arg13[%mul3A_271] : memref<512xi32, #tpu.memory_space<vmem>> -> memref<16xi32, #tpu.memory_space<vmem>>
        %dma_start3A_307 = arith.constant 0 : i32
        %dma_start3A_308 = arith.constant 0 : i32
        %dma_start3A_309 = tpu.memref_slice %arg6[%dma_start3A_307, %dma_start3A_308] : memref<507904x128xf32, #tpu.memory_space<hbm>> -> memref<507904x128xf32, #tpu.memory_space<hbm>>
        tpu.enqueue_indirect_dma source(%dma_start3A_309 : memref<507904x128xf32, #tpu.memory_space<hbm>>) target(%arg16 : memref<16x128xf32, #tpu.memory_space<vmem>>) offsets(%dma_start3A_306 : memref<16xi32, #tpu.memory_space<vmem>>) semaphore(%arg23 : memref<!tpu.dma_semaphore, #tpu.memory_space<semaphore_mem>>)
        %dma_start3A_310 = arith.constant 0 : i32
        %dma_start3A_311 = arith.constant 0 : i32
        %dma_start3A_312 = tpu.memref_slice %arg17[%dma_start3A_310, %dma_start3A_311] : memref<320x128xf32, #tpu.memory_space<vmem>> -> memref<64x128xf32, #tpu.memory_space<vmem>>
        %dma_start3A_313 = tpu.memref_slice %arg14[%mul3A_277] : memref<10240xi32, #tpu.memory_space<vmem>> -> memref<64xi32, #tpu.memory_space<vmem>>
        %dma_start3A_314 = arith.constant 0 : i32
        %dma_start3A_315 = arith.constant 0 : i32
        %dma_start3A_316 = tpu.memref_slice %arg6[%dma_start3A_314, %dma_start3A_315] : memref<507904x128xf32, #tpu.memory_space<hbm>> -> memref<507904x128xf32, #tpu.memory_space<hbm>>
        tpu.enqueue_indirect_dma source(%dma_start3A_316 : memref<507904x128xf32, #tpu.memory_space<hbm>>) target(%dma_start3A_312 : memref<64x128xf32, #tpu.memory_space<vmem>>) offsets(%dma_start3A_313 : memref<64xi32, #tpu.memory_space<vmem>>) semaphore(%arg23 : memref<!tpu.dma_semaphore, #tpu.memory_space<semaphore_mem>>)
        %dma_start3A_317 = arith.constant 64 : i32
        %dma_start3A_318 = arith.constant 0 : i32
        %dma_start3A_319 = tpu.memref_slice %arg17[%dma_start3A_317, %dma_start3A_318] : memref<320x128xf32, #tpu.memory_space<vmem>> -> memref<64x128xf32, #tpu.memory_space<vmem>>
        %dma_start3A_320 = tpu.memref_slice %arg14[%mul3A_283] : memref<10240xi32, #tpu.memory_space<vmem>> -> memref<64xi32, #tpu.memory_space<vmem>>
        %dma_start3A_321 = arith.constant 0 : i32
        %dma_start3A_322 = arith.constant 0 : i32
        %dma_start3A_323 = tpu.memref_slice %arg6[%dma_start3A_321, %dma_start3A_322] : memref<507904x128xf32, #tpu.memory_space<hbm>> -> memref<507904x128xf32, #tpu.memory_space<hbm>>
        tpu.enqueue_indirect_dma source(%dma_start3A_323 : memref<507904x128xf32, #tpu.memory_space<hbm>>) target(%dma_start3A_319 : memref<64x128xf32, #tpu.memory_space<vmem>>) offsets(%dma_start3A_320 : memref<64xi32, #tpu.memory_space<vmem>>) semaphore(%arg23 : memref<!tpu.dma_semaphore, #tpu.memory_space<semaphore_mem>>)
        %dma_start3A_324 = arith.constant 128 : i32
        %dma_start3A_325 = arith.constant 0 : i32
        %dma_start3A_326 = tpu.memref_slice %arg17[%dma_start3A_324, %dma_start3A_325] : memref<320x128xf32, #tpu.memory_space<vmem>> -> memref<64x128xf32, #tpu.memory_space<vmem>>
        %dma_start3A_327 = tpu.memref_slice %arg14[%mul3A_289] : memref<10240xi32, #tpu.memory_space<vmem>> -> memref<64xi32, #tpu.memory_space<vmem>>
        %dma_start3A_328 = arith.constant 0 : i32
        %dma_start3A_329 = arith.constant 0 : i32
        %dma_start3A_330 = tpu.memref_slice %arg6[%dma_start3A_328, %dma_start3A_329] : memref<507904x128xf32, #tpu.memory_space<hbm>> -> memref<507904x128xf32, #tpu.memory_space<hbm>>
        tpu.enqueue_indirect_dma source(%dma_start3A_330 : memref<507904x128xf32, #tpu.memory_space<hbm>>) target(%dma_start3A_326 : memref<64x128xf32, #tpu.memory_space<vmem>>) offsets(%dma_start3A_327 : memref<64xi32, #tpu.memory_space<vmem>>) semaphore(%arg23 : memref<!tpu.dma_semaphore, #tpu.memory_space<semaphore_mem>>)
        %dma_start3A_331 = arith.constant 192 : i32
        %dma_start3A_332 = arith.constant 0 : i32
        %dma_start3A_333 = tpu.memref_slice %arg17[%dma_start3A_331, %dma_start3A_332] : memref<320x128xf32, #tpu.memory_space<vmem>> -> memref<64x128xf32, #tpu.memory_space<vmem>>
        %dma_start3A_334 = tpu.memref_slice %arg14[%mul3A_295] : memref<10240xi32, #tpu.memory_space<vmem>> -> memref<64xi32, #tpu.memory_space<vmem>>
        %dma_start3A_335 = arith.constant 0 : i32
        %dma_start3A_336 = arith.constant 0 : i32
        %dma_start3A_337 = tpu.memref_slice %arg6[%dma_start3A_335, %dma_start3A_336] : memref<507904x128xf32, #tpu.memory_space<hbm>> -> memref<507904x128xf32, #tpu.memory_space<hbm>>
        tpu.enqueue_indirect_dma source(%dma_start3A_337 : memref<507904x128xf32, #tpu.memory_space<hbm>>) target(%dma_start3A_333 : memref<64x128xf32, #tpu.memory_space<vmem>>) offsets(%dma_start3A_334 : memref<64xi32, #tpu.memory_space<vmem>>) semaphore(%arg23 : memref<!tpu.dma_semaphore, #tpu.memory_space<semaphore_mem>>)
        %dma_start3A_338 = arith.constant 256 : i32
        %dma_start3A_339 = arith.constant 0 : i32
        %dma_start3A_340 = tpu.memref_slice %arg17[%dma_start3A_338, %dma_start3A_339] : memref<320x128xf32, #tpu.memory_space<vmem>> -> memref<64x128xf32, #tpu.memory_space<vmem>>
        %dma_start3A_341 = tpu.memref_slice %arg14[%mul3A_301] : memref<10240xi32, #tpu.memory_space<vmem>> -> memref<64xi32, #tpu.memory_space<vmem>>
        %dma_start3A_342 = arith.constant 0 : i32
        %dma_start3A_343 = arith.constant 0 : i32
        %dma_start3A_344 = tpu.memref_slice %arg6[%dma_start3A_342, %dma_start3A_343] : memref<507904x128xf32, #tpu.memory_space<hbm>> -> memref<507904x128xf32, #tpu.memory_space<hbm>>
        tpu.enqueue_indirect_dma source(%dma_start3A_344 : memref<507904x128xf32, #tpu.memory_space<hbm>>) target(%dma_start3A_340 : memref<64x128xf32, #tpu.memory_space<vmem>>) offsets(%dma_start3A_341 : memref<64xi32, #tpu.memory_space<vmem>>) semaphore(%arg23 : memref<!tpu.dma_semaphore, #tpu.memory_space<semaphore_mem>>)
      } else {
      }
      %mul3A_183 = arith.constant 16 : i32
      %mul3A_184 = arith.muli %add3A_175, %mul3A_183 : i32
      %mul3A_185 = arith.constant 16 : i32
      %mul3A_186 = arith.muli %add3A_175, %mul3A_185 : i32
      %mul3A_187 = arith.constant 5 : i32
      %mul3A_188 = arith.muli %add3A_175, %mul3A_187 : i32
      %add3A_189 = arith.constant 0 : i32
      %add3A_190 = arith.addi %mul3A_188, %add3A_189 : i32
      %mul3A_191 = arith.constant 64 : i32
      %mul3A_192 = arith.muli %add3A_190, %mul3A_191 : i32
      %mul3A_193 = arith.constant 5 : i32
      %mul3A_194 = arith.muli %add3A_175, %mul3A_193 : i32
      %add3A_195 = arith.constant 1 : i32
      %add3A_196 = arith.addi %mul3A_194, %add3A_195 : i32
      %mul3A_197 = arith.constant 64 : i32
      %mul3A_198 = arith.muli %add3A_196, %mul3A_197 : i32
      %mul3A_199 = arith.constant 5 : i32
      %mul3A_200 = arith.muli %add3A_175, %mul3A_199 : i32
      %add3A_201 = arith.constant 2 : i32
      %add3A_202 = arith.addi %mul3A_200, %add3A_201 : i32
      %mul3A_203 = arith.constant 64 : i32
      %mul3A_204 = arith.muli %add3A_202, %mul3A_203 : i32
      %mul3A_205 = arith.constant 5 : i32
      %mul3A_206 = arith.muli %add3A_175, %mul3A_205 : i32
      %add3A_207 = arith.constant 3 : i32
      %add3A_208 = arith.addi %mul3A_206, %add3A_207 : i32
      %mul3A_209 = arith.constant 64 : i32
      %mul3A_210 = arith.muli %add3A_208, %mul3A_209 : i32
      %mul3A_211 = arith.constant 5 : i32
      %mul3A_212 = arith.muli %add3A_175, %mul3A_211 : i32
      %add3A_213 = arith.constant 4 : i32
      %add3A_214 = arith.addi %mul3A_212, %add3A_213 : i32
      %mul3A_215 = arith.constant 64 : i32
      %mul3A_216 = arith.muli %add3A_214, %mul3A_215 : i32
      %dma_wait3A_217 = tpu.memref_slice %arg12[%mul3A_184] : memref<512xi32, #tpu.memory_space<vmem>> -> memref<16xi32, #tpu.memory_space<vmem>>
      %dma_wait3A_218 = arith.constant 0 : i32
      %dma_wait3A_219 = arith.constant 0 : i32
      %dma_wait3A_220 = tpu.memref_slice %arg5[%dma_wait3A_218, %dma_wait3A_219] : memref<507904x128xf32, #tpu.memory_space<hbm>> -> memref<507904x128xf32, #tpu.memory_space<hbm>>
      tpu.wait_indirect_dma semaphore(%arg24 : memref<!tpu.dma_semaphore, #tpu.memory_space<semaphore_mem>>) src(%dma_wait3A_220 : memref<507904x128xf32, #tpu.memory_space<hbm>>) dst(%arg18 : memref<16x128xf32, #tpu.memory_space<vmem>>)
      %dma_wait3A_221 = tpu.memref_slice %arg13[%mul3A_186] : memref<512xi32, #tpu.memory_space<vmem>> -> memref<16xi32, #tpu.memory_space<vmem>>
      %dma_wait3A_222 = arith.constant 0 : i32
      %dma_wait3A_223 = arith.constant 0 : i32
      %dma_wait3A_224 = tpu.memref_slice %arg6[%dma_wait3A_222, %dma_wait3A_223] : memref<507904x128xf32, #tpu.memory_space<hbm>> -> memref<507904x128xf32, #tpu.memory_space<hbm>>
      tpu.wait_indirect_dma semaphore(%arg24 : memref<!tpu.dma_semaphore, #tpu.memory_space<semaphore_mem>>) src(%dma_wait3A_224 : memref<507904x128xf32, #tpu.memory_space<hbm>>) dst(%arg19 : memref<16x128xf32, #tpu.memory_space<vmem>>)
      %dma_wait3A_225 = arith.constant 0 : i32
      %dma_wait3A_226 = arith.constant 0 : i32
      %dma_wait3A_227 = tpu.memref_slice %arg20[%dma_wait3A_225, %dma_wait3A_226] : memref<320x128xf32, #tpu.memory_space<vmem>> -> memref<64x128xf32, #tpu.memory_space<vmem>>
      %dma_wait3A_228 = tpu.memref_slice %arg14[%mul3A_192] : memref<10240xi32, #tpu.memory_space<vmem>> -> memref<64xi32, #tpu.memory_space<vmem>>
      %dma_wait3A_229 = arith.constant 0 : i32
      %dma_wait3A_230 = arith.constant 0 : i32
      %dma_wait3A_231 = tpu.memref_slice %arg6[%dma_wait3A_229, %dma_wait3A_230] : memref<507904x128xf32, #tpu.memory_space<hbm>> -> memref<507904x128xf32, #tpu.memory_space<hbm>>
      tpu.wait_indirect_dma semaphore(%arg24 : memref<!tpu.dma_semaphore, #tpu.memory_space<semaphore_mem>>) src(%dma_wait3A_231 : memref<507904x128xf32, #tpu.memory_space<hbm>>) dst(%dma_wait3A_227 : memref<64x128xf32, #tpu.memory_space<vmem>>)
      %dma_wait3A_232 = arith.constant 64 : i32
      %dma_wait3A_233 = arith.constant 0 : i32
      %dma_wait3A_234 = tpu.memref_slice %arg20[%dma_wait3A_232, %dma_wait3A_233] : memref<320x128xf32, #tpu.memory_space<vmem>> -> memref<64x128xf32, #tpu.memory_space<vmem>>
      %dma_wait3A_235 = tpu.memref_slice %arg14[%mul3A_198] : memref<10240xi32, #tpu.memory_space<vmem>> -> memref<64xi32, #tpu.memory_space<vmem>>
      %dma_wait3A_236 = arith.constant 0 : i32
      %dma_wait3A_237 = arith.constant 0 : i32
      %dma_wait3A_238 = tpu.memref_slice %arg6[%dma_wait3A_236, %dma_wait3A_237] : memref<507904x128xf32, #tpu.memory_space<hbm>> -> memref<507904x128xf32, #tpu.memory_space<hbm>>
      tpu.wait_indirect_dma semaphore(%arg24 : memref<!tpu.dma_semaphore, #tpu.memory_space<semaphore_mem>>) src(%dma_wait3A_238 : memref<507904x128xf32, #tpu.memory_space<hbm>>) dst(%dma_wait3A_234 : memref<64x128xf32, #tpu.memory_space<vmem>>)
      %dma_wait3A_239 = arith.constant 128 : i32
      %dma_wait3A_240 = arith.constant 0 : i32
      %dma_wait3A_241 = tpu.memref_slice %arg20[%dma_wait3A_239, %dma_wait3A_240] : memref<320x128xf32, #tpu.memory_space<vmem>> -> memref<64x128xf32, #tpu.memory_space<vmem>>
      %dma_wait3A_242 = tpu.memref_slice %arg14[%mul3A_204] : memref<10240xi32, #tpu.memory_space<vmem>> -> memref<64xi32, #tpu.memory_space<vmem>>
      %dma_wait3A_243 = arith.constant 0 : i32
      %dma_wait3A_244 = arith.constant 0 : i32
      %dma_wait3A_245 = tpu.memref_slice %arg6[%dma_wait3A_243, %dma_wait3A_244] : memref<507904x128xf32, #tpu.memory_space<hbm>> -> memref<507904x128xf32, #tpu.memory_space<hbm>>
      tpu.wait_indirect_dma semaphore(%arg24 : memref<!tpu.dma_semaphore, #tpu.memory_space<semaphore_mem>>) src(%dma_wait3A_245 : memref<507904x128xf32, #tpu.memory_space<hbm>>) dst(%dma_wait3A_241 : memref<64x128xf32, #tpu.memory_space<vmem>>)
      %dma_wait3A_246 = arith.constant 192 : i32
      %dma_wait3A_247 = arith.constant 0 : i32
      %dma_wait3A_248 = tpu.memref_slice %arg20[%dma_wait3A_246, %dma_wait3A_247] : memref<320x128xf32, #tpu.memory_space<vmem>> -> memref<64x128xf32, #tpu.memory_space<vmem>>
      %dma_wait3A_249 = tpu.memref_slice %arg14[%mul3A_210] : memref<10240xi32, #tpu.memory_space<vmem>> -> memref<64xi32, #tpu.memory_space<vmem>>
      %dma_wait3A_250 = arith.constant 0 : i32
      %dma_wait3A_251 = arith.constant 0 : i32
      %dma_wait3A_252 = tpu.memref_slice %arg6[%dma_wait3A_250, %dma_wait3A_251] : memref<507904x128xf32, #tpu.memory_space<hbm>> -> memref<507904x128xf32, #tpu.memory_space<hbm>>
      tpu.wait_indirect_dma semaphore(%arg24 : memref<!tpu.dma_semaphore, #tpu.memory_space<semaphore_mem>>) src(%dma_wait3A_252 : memref<507904x128xf32, #tpu.memory_space<hbm>>) dst(%dma_wait3A_248 : memref<64x128xf32, #tpu.memory_space<vmem>>)
      %dma_wait3A_253 = arith.constant 256 : i32
      %dma_wait3A_254 = arith.constant 0 : i32
      %dma_wait3A_255 = tpu.memref_slice %arg20[%dma_wait3A_253, %dma_wait3A_254] : memref<320x128xf32, #tpu.memory_space<vmem>> -> memref<64x128xf32, #tpu.memory_space<vmem>>
      %dma_wait3A_256 = tpu.memref_slice %arg14[%mul3A_216] : memref<10240xi32, #tpu.memory_space<vmem>> -> memref<64xi32, #tpu.memory_space<vmem>>
      %dma_wait3A_257 = arith.constant 0 : i32
      %dma_wait3A_258 = arith.constant 0 : i32
      %dma_wait3A_259 = tpu.memref_slice %arg6[%dma_wait3A_257, %dma_wait3A_258] : memref<507904x128xf32, #tpu.memory_space<hbm>> -> memref<507904x128xf32, #tpu.memory_space<hbm>>
      tpu.wait_indirect_dma semaphore(%arg24 : memref<!tpu.dma_semaphore, #tpu.memory_space<semaphore_mem>>) src(%dma_wait3A_259 : memref<507904x128xf32, #tpu.memory_space<hbm>>) dst(%dma_wait3A_255 : memref<64x128xf32, #tpu.memory_space<vmem>>)
      %scan3A_260 = arith.constant 0 : i32
      %scan3A_261 = arith.constant 0 : i32
      %scan3A_262 = arith.constant 16 : i32
      %scan3A_263 = arith.addi %scan3A_261, %scan3A_262 : i32
      %scan3A_264 = arith.constant 1 : i32
      scf.for %scan3A_266 = %scan3A_261 to %scan3A_263 step %scan3A_264  : i32 {
        %mul3A_267 = arith.constant 16 : i32
        %mul3A_268 = arith.muli %add3A_175, %mul3A_267 : i32
        %add3A_269 = arith.addi %mul3A_268, %scan3A_266 : i32
        %get3A = arith.index_cast %add3A_269 : i32 to index
        %get3A_270 = tpu.vector_load %arg9[%get3A] {strides = array<i32>} : memref<528xi32, #tpu.memory_space<vmem>>, vector<16xi32>,
        %get3A_271 = arith.index_cast %add3A_269 : i32 to index
        %get3A_272 = tpu.vector_load %arg10[%get3A_271] {strides = array<i32>} : memref<528xi32, #tpu.memory_space<vmem>>, vector<16xi32>,
        %slice3A = vector.extract_strided_slice %get3A_270 {offsets = [0], sizes = [1], strides = [1]} : vector<16xi32> to vector<1xi32>
        %squeeze3A = vector.extract %slice3A[0] : i32 from vector<1xi32>
        %and3A = arith.constant 16384 : i32
        %and3A_273 = arith.andi %squeeze3A, %and3A : i32
        %ne3A = arith.constant 0 : i32
        %ne3A_274 = arith.cmpi ne, %and3A_273, %ne3A : i32
        %jit3A = arith.constant 64 : i32
        %jit3A_275 = arith.constant 0 : i32
        %select_n3A = arith.select %ne3A_274, %jit3A, %jit3A_275 : i32
        %get3A_276 = arith.index_cast %scan3A_266 : i32 to index
        %get3A_277 = arith.index_cast %select_n3A : i32 to index
        %get3A_278 = tpu.vector_load %arg18[%get3A_276, %get3A_277] {strides = array<i32>} : memref<16x128xf32, #tpu.memory_space<vmem>>, vector<16xf32>,
        %add3A_279 = arith.constant 16 : i32
        %add3A_280 = arith.addi %select_n3A, %add3A_279 : i32
        %get3A_281 = arith.index_cast %scan3A_266 : i32 to index
        %get3A_282 = arith.index_cast %add3A_280 : i32 to index
        %get3A_283 = tpu.vector_load %arg18[%get3A_281, %get3A_282] {strides = array<i32>} : memref<16x128xf32, #tpu.memory_space<vmem>>, vector<16xf32>,
        %add3A_284 = arith.constant 32 : i32
        %add3A_285 = arith.addi %select_n3A, %add3A_284 : i32
        %get3A_286 = arith.index_cast %scan3A_266 : i32 to index
        %get3A_287 = arith.index_cast %add3A_285 : i32 to index
        %get3A_288 = tpu.vector_load %arg18[%get3A_286, %get3A_287] {strides = array<i32>} : memref<16x128xf32, #tpu.memory_space<vmem>>, vector<16xf32>,
        %add3A_289 = arith.constant 48 : i32
        %add3A_290 = arith.addi %select_n3A, %add3A_289 : i32
        %get3A_291 = arith.index_cast %scan3A_266 : i32 to index
        %get3A_292 = arith.index_cast %add3A_290 : i32 to index
        %get3A_293 = tpu.vector_load %arg18[%get3A_291, %get3A_292] {strides = array<i32>} : memref<16x128xf32, #tpu.memory_space<vmem>>, vector<16xf32>,
        %slice3A_294 = vector.extract_strided_slice %get3A_272 {offsets = [0], sizes = [1], strides = [1]} : vector<16xi32> to vector<1xi32>
        %squeeze3A_295 = vector.extract %slice3A_294[0] : i32 from vector<1xi32>
        %and3A_296 = arith.constant 16384 : i32
        %and3A_297 = arith.andi %squeeze3A_295, %and3A_296 : i32
        %ne3A_298 = arith.constant 0 : i32
        %ne3A_299 = arith.cmpi ne, %and3A_297, %ne3A_298 : i32
        %jit3A_300 = arith.constant 64 : i32
        %jit3A_301 = arith.constant 0 : i32
        %select_n3A_302 = arith.select %ne3A_299, %jit3A_300, %jit3A_301 : i32
        %get3A_303 = arith.index_cast %scan3A_266 : i32 to index
        %get3A_304 = arith.index_cast %select_n3A_302 : i32 to index
        %get3A_305 = tpu.vector_load %arg19[%get3A_303, %get3A_304] {strides = array<i32>} : memref<16x128xf32, #tpu.memory_space<vmem>>, vector<16xf32>,
        %mul3A_306 = arith.mulf %get3A_305, %get3A_278 : vector<16xf32>
        %add3A_307 = arith.constant 16 : i32
        %add3A_308 = arith.addi %select_n3A_302, %add3A_307 : i32
        %get3A_309 = arith.index_cast %scan3A_266 : i32 to index
        %get3A_310 = arith.index_cast %add3A_308 : i32 to index
        %get3A_311 = tpu.vector_load %arg19[%get3A_309, %get3A_310] {strides = array<i32>} : memref<16x128xf32, #tpu.memory_space<vmem>>, vector<16xf32>,
        %mul3A_312 = arith.mulf %get3A_311, %get3A_283 : vector<16xf32>
        %add3A_313 = arith.addf %mul3A_306, %mul3A_312 : vector<16xf32>
        %add3A_314 = arith.constant 32 : i32
        %add3A_315 = arith.addi %select_n3A_302, %add3A_314 : i32
        %get3A_316 = arith.index_cast %scan3A_266 : i32 to index
        %get3A_317 = arith.index_cast %add3A_315 : i32 to index
        %get3A_318 = tpu.vector_load %arg19[%get3A_316, %get3A_317] {strides = array<i32>} : memref<16x128xf32, #tpu.memory_space<vmem>>, vector<16xf32>,
        %mul3A_319 = arith.mulf %get3A_318, %get3A_288 : vector<16xf32>
        %add3A_320 = arith.addf %add3A_313, %mul3A_319 : vector<16xf32>
        %add3A_321 = arith.constant 48 : i32
        %add3A_322 = arith.addi %select_n3A_302, %add3A_321 : i32
        %get3A_323 = arith.index_cast %scan3A_266 : i32 to index
        %get3A_324 = arith.index_cast %add3A_322 : i32 to index
        %get3A_325 = tpu.vector_load %arg19[%get3A_323, %get3A_324] {strides = array<i32>} : memref<16x128xf32, #tpu.memory_space<vmem>>, vector<16xf32>,
        %mul3A_326 = arith.mulf %get3A_325, %get3A_293 : vector<16xf32>
        %add3A_327 = arith.addf %add3A_320, %mul3A_326 : vector<16xf32>
        %broadcast_in_dim3A = arith.constant true
        %broadcast_in_dim3A_328 = vector.broadcast %broadcast_in_dim3A : i1 to vector<16xi1>
        %masked_cumsum3A = tpu.scan <sum>, %add3A_327 masked %broadcast_in_dim3A_328 : vector<16xf32>, vector<16xi1> -> vector<16xf32>
        %broadcast_in_dim3A_329 = vector.broadcast %add3A_269 : i32 to vector<16xi32>
        tpu.vector_store_idx %arg21[%broadcast_in_dim3A_329], %masked_cumsum3A masked %eq3A_2 : memref<512xf32, #tpu.memory_space<vmem>>[vector<16xi32>], vector<16xf32>, vector<16xi1>
        %mul3A_330 = arith.constant 20 : i32
        %mul3A_331 = arith.muli %add3A_269, %mul3A_330 : i32
        %get3A_332 = arith.index_cast %mul3A_331 : i32 to index
        %get3A_333 = tpu.vector_load %arg11[%get3A_332] {strides = array<i32>} : memref<10256xi32, #tpu.memory_space<vmem>>, vector<16xi32>,
        %add3A_334 = arith.constant 4 : i32
        %add3A_335 = arith.addi %mul3A_331, %add3A_334 : i32
        %get3A_336 = arith.index_cast %add3A_335 : i32 to index
        %get3A_337 = tpu.vector_load %arg11[%get3A_336] {strides = array<i32>} : memref<10256xi32, #tpu.memory_space<vmem>>, vector<16xi32>,
        %slice3A_338 = vector.extract_strided_slice %get3A_333 {offsets = [0], sizes = [1], strides = [1]} : vector<16xi32> to vector<1xi32>
        %squeeze3A_339 = vector.extract %slice3A_338[0] : i32 from vector<1xi32>
        %mul3A_340 = arith.constant 20 : i32
        %mul3A_341 = arith.muli %scan3A_266, %mul3A_340 : i32
        %add3A_342 = arith.constant 0 : i32
        %add3A_343 = arith.addi %mul3A_341, %add3A_342 : i32
        %and3A_344 = arith.constant 16384 : i32
        %and3A_345 = arith.andi %squeeze3A_339, %and3A_344 : i32
        %ne3A_346 = arith.constant 0 : i32
        %ne3A_347 = arith.cmpi ne, %and3A_345, %ne3A_346 : i32
        %jit3A_348 = arith.constant 64 : i32
        %jit3A_349 = arith.constant 0 : i32
        %select_n3A_350 = arith.select %ne3A_347, %jit3A_348, %jit3A_349 : i32
        %add3A_351 = arith.constant 0 : i32
        %add3A_352 = arith.addi %mul3A_331, %add3A_351 : i32
        %get3A_353 = arith.index_cast %add3A_343 : i32 to index
        %get3A_354 = arith.index_cast %select_n3A_350 : i32 to index
        %get3A_355 = tpu.vector_load %arg20[%get3A_353, %get3A_354] {strides = array<i32>} : memref<320x128xf32, #tpu.memory_space<vmem>>, vector<16xf32>,
        %mul3A_356 = arith.mulf %get3A_355, %get3A_278 : vector<16xf32>
        %add3A_357 = arith.constant 16 : i32
        %add3A_358 = arith.addi %select_n3A_350, %add3A_357 : i32
        %get3A_359 = arith.index_cast %add3A_343 : i32 to index
        %get3A_360 = arith.index_cast %add3A_358 : i32 to index
        %get3A_361 = tpu.vector_load %arg20[%get3A_359, %get3A_360] {strides = array<i32>} : memref<320x128xf32, #tpu.memory_space<vmem>>, vector<16xf32>,
        %mul3A_362 = arith.mulf %get3A_361, %get3A_283 : vector<16xf32>
        %add3A_363 = arith.addf %mul3A_356, %mul3A_362 : vector<16xf32>
        %add3A_364 = arith.constant 32 : i32
        %add3A_365 = arith.addi %select_n3A_350, %add3A_364 : i32
        %get3A_366 = arith.index_cast %add3A_343 : i32 to index
        %get3A_367 = arith.index_cast %add3A_365 : i32 to index
        %get3A_368 = tpu.vector_load %arg20[%get3A_366, %get3A_367] {strides = array<i32>} : memref<320x128xf32, #tpu.memory_space<vmem>>, vector<16xf32>,
        %mul3A_369 = arith.mulf %get3A_368, %get3A_288 : vector<16xf32>
        %add3A_370 = arith.addf %add3A_363, %mul3A_369 : vector<16xf32>
        %add3A_371 = arith.constant 48 : i32
        %add3A_372 = arith.addi %select_n3A_350, %add3A_371 : i32
        %get3A_373 = arith.index_cast %add3A_343 : i32 to index
        %get3A_374 = arith.index_cast %add3A_372 : i32 to index
        %get3A_375 = tpu.vector_load %arg20[%get3A_373, %get3A_374] {strides = array<i32>} : memref<320x128xf32, #tpu.memory_space<vmem>>, vector<16xf32>,
        %mul3A_376 = arith.mulf %get3A_375, %get3A_293 : vector<16xf32>
        %add3A_377 = arith.addf %add3A_370, %mul3A_376 : vector<16xf32>
        %broadcast_in_dim3A_378 = arith.constant true
        %broadcast_in_dim3A_379 = vector.broadcast %broadcast_in_dim3A_378 : i1 to vector<16xi1>
        %masked_cumsum3A_380 = tpu.scan <sum>, %add3A_377 masked %broadcast_in_dim3A_379 : vector<16xf32>, vector<16xi1> -> vector<16xf32>
        %broadcast_in_dim3A_381 = vector.broadcast %add3A_352 : i32 to vector<16xi32>
        tpu.vector_store_idx %arg22[%broadcast_in_dim3A_381], %masked_cumsum3A_380 masked %eq3A_2 : memref<10240xf32, #tpu.memory_space<vmem>>[vector<16xi32>], vector<16xf32>, vector<16xi1>
        %slice3A_382 = vector.extract_strided_slice %get3A_333 {offsets = [1], sizes = [1], strides = [1]} : vector<16xi32> to vector<1xi32>
        %squeeze3A_383 = vector.extract %slice3A_382[0] : i32 from vector<1xi32>
        %mul3A_384 = arith.constant 20 : i32
        %mul3A_385 = arith.muli %scan3A_266, %mul3A_384 : i32
        %add3A_386 = arith.constant 1 : i32
        %add3A_387 = arith.addi %mul3A_385, %add3A_386 : i32
        %and3A_388 = arith.constant 16384 : i32
        %and3A_389 = arith.andi %squeeze3A_383, %and3A_388 : i32
        %ne3A_390 = arith.constant 0 : i32
        %ne3A_391 = arith.cmpi ne, %and3A_389, %ne3A_390 : i32
        %jit3A_392 = arith.constant 64 : i32
        %jit3A_393 = arith.constant 0 : i32
        %select_n3A_394 = arith.select %ne3A_391, %jit3A_392, %jit3A_393 : i32
        %add3A_395 = arith.constant 1 : i32
        %add3A_396 = arith.addi %mul3A_331, %add3A_395 : i32
        %get3A_397 = arith.index_cast %add3A_387 : i32 to index
        %get3A_398 = arith.index_cast %select_n3A_394 : i32 to index
        %get3A_399 = tpu.vector_load %arg20[%get3A_397, %get3A_398] {strides = array<i32>} : memref<320x128xf32, #tpu.memory_space<vmem>>, vector<16xf32>,
        %mul3A_400 = arith.mulf %get3A_399, %get3A_278 : vector<16xf32>
        %add3A_401 = arith.constant 16 : i32
        %add3A_402 = arith.addi %select_n3A_394, %add3A_401 : i32
        %get3A_403 = arith.index_cast %add3A_387 : i32 to index
        %get3A_404 = arith.index_cast %add3A_402 : i32 to index
        %get3A_405 = tpu.vector_load %arg20[%get3A_403, %get3A_404] {strides = array<i32>} : memref<320x128xf32, #tpu.memory_space<vmem>>, vector<16xf32>,
        %mul3A_406 = arith.mulf %get3A_405, %get3A_283 : vector<16xf32>
        %add3A_407 = arith.addf %mul3A_400, %mul3A_406 : vector<16xf32>
        %add3A_408 = arith.constant 32 : i32
        %add3A_409 = arith.addi %select_n3A_394, %add3A_408 : i32
        %get3A_410 = arith.index_cast %add3A_387 : i32 to index
        %get3A_411 = arith.index_cast %add3A_409 : i32 to index
        %get3A_412 = tpu.vector_load %arg20[%get3A_410, %get3A_411] {strides = array<i32>} : memref<320x128xf32, #tpu.memory_space<vmem>>, vector<16xf32>,
        %mul3A_413 = arith.mulf %get3A_412, %get3A_288 : vector<16xf32>
        %add3A_414 = arith.addf %add3A_407, %mul3A_413 : vector<16xf32>
        %add3A_415 = arith.constant 48 : i32
        %add3A_416 = arith.addi %select_n3A_394, %add3A_415 : i32
        %get3A_417 = arith.index_cast %add3A_387 : i32 to index
        %get3A_418 = arith.index_cast %add3A_416 : i32 to index
        %get3A_419 = tpu.vector_load %arg20[%get3A_417, %get3A_418] {strides = array<i32>} : memref<320x128xf32, #tpu.memory_space<vmem>>, vector<16xf32>,
        %mul3A_420 = arith.mulf %get3A_419, %get3A_293 : vector<16xf32>
        %add3A_421 = arith.addf %add3A_414, %mul3A_420 : vector<16xf32>
        %broadcast_in_dim3A_422 = arith.constant true
        %broadcast_in_dim3A_423 = vector.broadcast %broadcast_in_dim3A_422 : i1 to vector<16xi1>
        %masked_cumsum3A_424 = tpu.scan <sum>, %add3A_421 masked %broadcast_in_dim3A_423 : vector<16xf32>, vector<16xi1> -> vector<16xf32>
        %broadcast_in_dim3A_425 = vector.broadcast %add3A_396 : i32 to vector<16xi32>
        tpu.vector_store_idx %arg22[%broadcast_in_dim3A_425], %masked_cumsum3A_424 masked %eq3A_2 : memref<10240xf32, #tpu.memory_space<vmem>>[vector<16xi32>], vector<16xf32>, vector<16xi1>
        %slice3A_426 = vector.extract_strided_slice %get3A_333 {offsets = [2], sizes = [1], strides = [1]} : vector<16xi32> to vector<1xi32>
        %squeeze3A_427 = vector.extract %slice3A_426[0] : i32 from vector<1xi32>
        %mul3A_428 = arith.constant 20 : i32
        %mul3A_429 = arith.muli %scan3A_266, %mul3A_428 : i32
        %add3A_430 = arith.constant 2 : i32
        %add3A_431 = arith.addi %mul3A_429, %add3A_430 : i32
        %and3A_432 = arith.constant 16384 : i32
        %and3A_433 = arith.andi %squeeze3A_427, %and3A_432 : i32
        %ne3A_434 = arith.constant 0 : i32
        %ne3A_435 = arith.cmpi ne, %and3A_433, %ne3A_434 : i32
        %jit3A_436 = arith.constant 64 : i32
        %jit3A_437 = arith.constant 0 : i32
        %select_n3A_438 = arith.select %ne3A_435, %jit3A_436, %jit3A_437 : i32
        %add3A_439 = arith.constant 2 : i32
        %add3A_440 = arith.addi %mul3A_331, %add3A_439 : i32
        %get3A_441 = arith.index_cast %add3A_431 : i32 to index
        %get3A_442 = arith.index_cast %select_n3A_438 : i32 to index
        %get3A_443 = tpu.vector_load %arg20[%get3A_441, %get3A_442] {strides = array<i32>} : memref<320x128xf32, #tpu.memory_space<vmem>>, vector<16xf32>,
        %mul3A_444 = arith.mulf %get3A_443, %get3A_278 : vector<16xf32>
        %add3A_445 = arith.constant 16 : i32
        %add3A_446 = arith.addi %select_n3A_438, %add3A_445 : i32
        %get3A_447 = arith.index_cast %add3A_431 : i32 to index
        %get3A_448 = arith.index_cast %add3A_446 : i32 to index
        %get3A_449 = tpu.vector_load %arg20[%get3A_447, %get3A_448] {strides = array<i32>} : memref<320x128xf32, #tpu.memory_space<vmem>>, vector<16xf32>,
        %mul3A_450 = arith.mulf %get3A_449, %get3A_283 : vector<16xf32>
        %add3A_451 = arith.addf %mul3A_444, %mul3A_450 : vector<16xf32>
        %add3A_452 = arith.constant 32 : i32
        %add3A_453 = arith.addi %select_n3A_438, %add3A_452 : i32
        %get3A_454 = arith.index_cast %add3A_431 : i32 to index
        %get3A_455 = arith.index_cast %add3A_453 : i32 to index
        %get3A_456 = tpu.vector_load %arg20[%get3A_454, %get3A_455] {strides = array<i32>} : memref<320x128xf32, #tpu.memory_space<vmem>>, vector<16xf32>,
        %mul3A_457 = arith.mulf %get3A_456, %get3A_288 : vector<16xf32>
        %add3A_458 = arith.addf %add3A_451, %mul3A_457 : vector<16xf32>
        %add3A_459 = arith.constant 48 : i32
        %add3A_460 = arith.addi %select_n3A_438, %add3A_459 : i32
        %get3A_461 = arith.index_cast %add3A_431 : i32 to index
        %get3A_462 = arith.index_cast %add3A_460 : i32 to index
        %get3A_463 = tpu.vector_load %arg20[%get3A_461, %get3A_462] {strides = array<i32>} : memref<320x128xf32, #tpu.memory_space<vmem>>, vector<16xf32>,
        %mul3A_464 = arith.mulf %get3A_463, %get3A_293 : vector<16xf32>
        %add3A_465 = arith.addf %add3A_458, %mul3A_464 : vector<16xf32>
        %broadcast_in_dim3A_466 = arith.constant true
        %broadcast_in_dim3A_467 = vector.broadcast %broadcast_in_dim3A_466 : i1 to vector<16xi1>
        %masked_cumsum3A_468 = tpu.scan <sum>, %add3A_465 masked %broadcast_in_dim3A_467 : vector<16xf32>, vector<16xi1> -> vector<16xf32>
        %broadcast_in_dim3A_469 = vector.broadcast %add3A_440 : i32 to vector<16xi32>
        tpu.vector_store_idx %arg22[%broadcast_in_dim3A_469], %masked_cumsum3A_468 masked %eq3A_2 : memref<10240xf32, #tpu.memory_space<vmem>>[vector<16xi32>], vector<16xf32>, vector<16xi1>
        %slice3A_470 = vector.extract_strided_slice %get3A_333 {offsets = [3], sizes = [1], strides = [1]} : vector<16xi32> to vector<1xi32>
        %squeeze3A_471 = vector.extract %slice3A_470[0] : i32 from vector<1xi32>
        %mul3A_472 = arith.constant 20 : i32
        %mul3A_473 = arith.muli %scan3A_266, %mul3A_472 : i32
        %add3A_474 = arith.constant 3 : i32
        %add3A_475 = arith.addi %mul3A_473, %add3A_474 : i32
        %and3A_476 = arith.constant 16384 : i32
        %and3A_477 = arith.andi %squeeze3A_471, %and3A_476 : i32
        %ne3A_478 = arith.constant 0 : i32
        %ne3A_479 = arith.cmpi ne, %and3A_477, %ne3A_478 : i32
        %jit3A_480 = arith.constant 64 : i32
        %jit3A_481 = arith.constant 0 : i32
        %select_n3A_482 = arith.select %ne3A_479, %jit3A_480, %jit3A_481 : i32
        %add3A_483 = arith.constant 3 : i32
        %add3A_484 = arith.addi %mul3A_331, %add3A_483 : i32
        %get3A_485 = arith.index_cast %add3A_475 : i32 to index
        %get3A_486 = arith.index_cast %select_n3A_482 : i32 to index
        %get3A_487 = tpu.vector_load %arg20[%get3A_485, %get3A_486] {strides = array<i32>} : memref<320x128xf32, #tpu.memory_space<vmem>>, vector<16xf32>,
        %mul3A_488 = arith.mulf %get3A_487, %get3A_278 : vector<16xf32>
        %add3A_489 = arith.constant 16 : i32
        %add3A_490 = arith.addi %select_n3A_482, %add3A_489 : i32
        %get3A_491 = arith.index_cast %add3A_475 : i32 to index
        %get3A_492 = arith.index_cast %add3A_490 : i32 to index
        %get3A_493 = tpu.vector_load %arg20[%get3A_491, %get3A_492] {strides = array<i32>} : memref<320x128xf32, #tpu.memory_space<vmem>>, vector<16xf32>,
        %mul3A_494 = arith.mulf %get3A_493, %get3A_283 : vector<16xf32>
        %add3A_495 = arith.addf %mul3A_488, %mul3A_494 : vector<16xf32>
        %add3A_496 = arith.constant 32 : i32
        %add3A_497 = arith.addi %select_n3A_482, %add3A_496 : i32
        %get3A_498 = arith.index_cast %add3A_475 : i32 to index
        %get3A_499 = arith.index_cast %add3A_497 : i32 to index
        %get3A_500 = tpu.vector_load %arg20[%get3A_498, %get3A_499] {strides = array<i32>} : memref<320x128xf32, #tpu.memory_space<vmem>>, vector<16xf32>,
        %mul3A_501 = arith.mulf %get3A_500, %get3A_288 : vector<16xf32>
        %add3A_502 = arith.addf %add3A_495, %mul3A_501 : vector<16xf32>
        %add3A_503 = arith.constant 48 : i32
        %add3A_504 = arith.addi %select_n3A_482, %add3A_503 : i32
        %get3A_505 = arith.index_cast %add3A_475 : i32 to index
        %get3A_506 = arith.index_cast %add3A_504 : i32 to index
        %get3A_507 = tpu.vector_load %arg20[%get3A_505, %get3A_506] {strides = array<i32>} : memref<320x128xf32, #tpu.memory_space<vmem>>, vector<16xf32>,
        %mul3A_508 = arith.mulf %get3A_507, %get3A_293 : vector<16xf32>
        %add3A_509 = arith.addf %add3A_502, %mul3A_508 : vector<16xf32>
        %broadcast_in_dim3A_510 = arith.constant true
        %broadcast_in_dim3A_511 = vector.broadcast %broadcast_in_dim3A_510 : i1 to vector<16xi1>
        %masked_cumsum3A_512 = tpu.scan <sum>, %add3A_509 masked %broadcast_in_dim3A_511 : vector<16xf32>, vector<16xi1> -> vector<16xf32>
        %broadcast_in_dim3A_513 = vector.broadcast %add3A_484 : i32 to vector<16xi32>
        tpu.vector_store_idx %arg22[%broadcast_in_dim3A_513], %masked_cumsum3A_512 masked %eq3A_2 : memref<10240xf32, #tpu.memory_space<vmem>>[vector<16xi32>], vector<16xf32>, vector<16xi1>
        %slice3A_514 = vector.extract_strided_slice %get3A_333 {offsets = [4], sizes = [1], strides = [1]} : vector<16xi32> to vector<1xi32>
        %squeeze3A_515 = vector.extract %slice3A_514[0] : i32 from vector<1xi32>
        %mul3A_516 = arith.constant 20 : i32
        %mul3A_517 = arith.muli %scan3A_266, %mul3A_516 : i32
        %add3A_518 = arith.constant 4 : i32
        %add3A_519 = arith.addi %mul3A_517, %add3A_518 : i32
        %and3A_520 = arith.constant 16384 : i32
        %and3A_521 = arith.andi %squeeze3A_515, %and3A_520 : i32
        %ne3A_522 = arith.constant 0 : i32
        %ne3A_523 = arith.cmpi ne, %and3A_521, %ne3A_522 : i32
        %jit3A_524 = arith.constant 64 : i32
        %jit3A_525 = arith.constant 0 : i32
        %select_n3A_526 = arith.select %ne3A_523, %jit3A_524, %jit3A_525 : i32
        %add3A_527 = arith.constant 4 : i32
        %add3A_528 = arith.addi %mul3A_331, %add3A_527 : i32
        %get3A_529 = arith.index_cast %add3A_519 : i32 to index
        %get3A_530 = arith.index_cast %select_n3A_526 : i32 to index
        %get3A_531 = tpu.vector_load %arg20[%get3A_529, %get3A_530] {strides = array<i32>} : memref<320x128xf32, #tpu.memory_space<vmem>>, vector<16xf32>,
        %mul3A_532 = arith.mulf %get3A_531, %get3A_278 : vector<16xf32>
        %add3A_533 = arith.constant 16 : i32
        %add3A_534 = arith.addi %select_n3A_526, %add3A_533 : i32
        %get3A_535 = arith.index_cast %add3A_519 : i32 to index
        %get3A_536 = arith.index_cast %add3A_534 : i32 to index
        %get3A_537 = tpu.vector_load %arg20[%get3A_535, %get3A_536] {strides = array<i32>} : memref<320x128xf32, #tpu.memory_space<vmem>>, vector<16xf32>,
        %mul3A_538 = arith.mulf %get3A_537, %get3A_283 : vector<16xf32>
        %add3A_539 = arith.addf %mul3A_532, %mul3A_538 : vector<16xf32>
        %add3A_540 = arith.constant 32 : i32
        %add3A_541 = arith.addi %select_n3A_526, %add3A_540 : i32
        %get3A_542 = arith.index_cast %add3A_519 : i32 to index
        %get3A_543 = arith.index_cast %add3A_541 : i32 to index
        %get3A_544 = tpu.vector_load %arg20[%get3A_542, %get3A_543] {strides = array<i32>} : memref<320x128xf32, #tpu.memory_space<vmem>>, vector<16xf32>,
        %mul3A_545 = arith.mulf %get3A_544, %get3A_288 : vector<16xf32>
        %add3A_546 = arith.addf %add3A_539, %mul3A_545 : vector<16xf32>
        %add3A_547 = arith.constant 48 : i32
        %add3A_548 = arith.addi %select_n3A_526, %add3A_547 : i32
        %get3A_549 = arith.index_cast %add3A_519 : i32 to index
        %get3A_550 = arith.index_cast %add3A_548 : i32 to index
        %get3A_551 = tpu.vector_load %arg20[%get3A_549, %get3A_550] {strides = array<i32>} : memref<320x128xf32, #tpu.memory_space<vmem>>, vector<16xf32>,
        %mul3A_552 = arith.mulf %get3A_551, %get3A_293 : vector<16xf32>
        %add3A_553 = arith.addf %add3A_546, %mul3A_552 : vector<16xf32>
        %broadcast_in_dim3A_554 = arith.constant true
        %broadcast_in_dim3A_555 = vector.broadcast %broadcast_in_dim3A_554 : i1 to vector<16xi1>
        %masked_cumsum3A_556 = tpu.scan <sum>, %add3A_553 masked %broadcast_in_dim3A_555 : vector<16xf32>, vector<16xi1> -> vector<16xf32>
        %broadcast_in_dim3A_557 = vector.broadcast %add3A_528 : i32 to vector<16xi32>
        tpu.vector_store_idx %arg22[%broadcast_in_dim3A_557], %masked_cumsum3A_556 masked %eq3A_2 : memref<10240xf32, #tpu.memory_space<vmem>>[vector<16xi32>], vector<16xf32>, vector<16xi1>
        %slice3A_558 = vector.extract_strided_slice %get3A_333 {offsets = [5], sizes = [1], strides = [1]} : vector<16xi32> to vector<1xi32>
        %squeeze3A_559 = vector.extract %slice3A_558[0] : i32 from vector<1xi32>
        %mul3A_560 = arith.constant 20 : i32
        %mul3A_561 = arith.muli %scan3A_266, %mul3A_560 : i32
        %add3A_562 = arith.constant 5 : i32
        %add3A_563 = arith.addi %mul3A_561, %add3A_562 : i32
        %and3A_564 = arith.constant 16384 : i32
        %and3A_565 = arith.andi %squeeze3A_559, %and3A_564 : i32
        %ne3A_566 = arith.constant 0 : i32
        %ne3A_567 = arith.cmpi ne, %and3A_565, %ne3A_566 : i32
        %jit3A_568 = arith.constant 64 : i32
        %jit3A_569 = arith.constant 0 : i32
        %select_n3A_570 = arith.select %ne3A_567, %jit3A_568, %jit3A_569 : i32
        %add3A_571 = arith.constant 5 : i32
        %add3A_572 = arith.addi %mul3A_331, %add3A_571 : i32
        %get3A_573 = arith.index_cast %add3A_563 : i32 to index
        %get3A_574 = arith.index_cast %select_n3A_570 : i32 to index
        %get3A_575 = tpu.vector_load %arg20[%get3A_573, %get3A_574] {strides = array<i32>} : memref<320x128xf32, #tpu.memory_space<vmem>>, vector<16xf32>,
        %mul3A_576 = arith.mulf %get3A_575, %get3A_278 : vector<16xf32>
        %add3A_577 = arith.constant 16 : i32
        %add3A_578 = arith.addi %select_n3A_570, %add3A_577 : i32
        %get3A_579 = arith.index_cast %add3A_563 : i32 to index
        %get3A_580 = arith.index_cast %add3A_578 : i32 to index
        %get3A_581 = tpu.vector_load %arg20[%get3A_579, %get3A_580] {strides = array<i32>} : memref<320x128xf32, #tpu.memory_space<vmem>>, vector<16xf32>,
        %mul3A_582 = arith.mulf %get3A_581, %get3A_283 : vector<16xf32>
        %add3A_583 = arith.addf %mul3A_576, %mul3A_582 : vector<16xf32>
        %add3A_584 = arith.constant 32 : i32
        %add3A_585 = arith.addi %select_n3A_570, %add3A_584 : i32
        %get3A_586 = arith.index_cast %add3A_563 : i32 to index
        %get3A_587 = arith.index_cast %add3A_585 : i32 to index
        %get3A_588 = tpu.vector_load %arg20[%get3A_586, %get3A_587] {strides = array<i32>} : memref<320x128xf32, #tpu.memory_space<vmem>>, vector<16xf32>,
        %mul3A_589 = arith.mulf %get3A_588, %get3A_288 : vector<16xf32>
        %add3A_590 = arith.addf %add3A_583, %mul3A_589 : vector<16xf32>
        %add3A_591 = arith.constant 48 : i32
        %add3A_592 = arith.addi %select_n3A_570, %add3A_591 : i32
        %get3A_593 = arith.index_cast %add3A_563 : i32 to index
        %get3A_594 = arith.index_cast %add3A_592 : i32 to index
        %get3A_595 = tpu.vector_load %arg20[%get3A_593, %get3A_594] {strides = array<i32>} : memref<320x128xf32, #tpu.memory_space<vmem>>, vector<16xf32>,
        %mul3A_596 = arith.mulf %get3A_595, %get3A_293 : vector<16xf32>
        %add3A_597 = arith.addf %add3A_590, %mul3A_596 : vector<16xf32>
        %broadcast_in_dim3A_598 = arith.constant true
        %broadcast_in_dim3A_599 = vector.broadcast %broadcast_in_dim3A_598 : i1 to vector<16xi1>
        %masked_cumsum3A_600 = tpu.scan <sum>, %add3A_597 masked %broadcast_in_dim3A_599 : vector<16xf32>, vector<16xi1> -> vector<16xf32>
        %broadcast_in_dim3A_601 = vector.broadcast %add3A_572 : i32 to vector<16xi32>
        tpu.vector_store_idx %arg22[%broadcast_in_dim3A_601], %masked_cumsum3A_600 masked %eq3A_2 : memref<10240xf32, #tpu.memory_space<vmem>>[vector<16xi32>], vector<16xf32>, vector<16xi1>
        %slice3A_602 = vector.extract_strided_slice %get3A_333 {offsets = [6], sizes = [1], strides = [1]} : vector<16xi32> to vector<1xi32>
        %squeeze3A_603 = vector.extract %slice3A_602[0] : i32 from vector<1xi32>
        %mul3A_604 = arith.constant 20 : i32
        %mul3A_605 = arith.muli %scan3A_266, %mul3A_604 : i32
        %add3A_606 = arith.constant 6 : i32
        %add3A_607 = arith.addi %mul3A_605, %add3A_606 : i32
        %and3A_608 = arith.constant 16384 : i32
        %and3A_609 = arith.andi %squeeze3A_603, %and3A_608 : i32
        %ne3A_610 = arith.constant 0 : i32
        %ne3A_611 = arith.cmpi ne, %and3A_609, %ne3A_610 : i32
        %jit3A_612 = arith.constant 64 : i32
        %jit3A_613 = arith.constant 0 : i32
        %select_n3A_614 = arith.select %ne3A_611, %jit3A_612, %jit3A_613 : i32
        %add3A_615 = arith.constant 6 : i32
        %add3A_616 = arith.addi %mul3A_331, %add3A_615 : i32
        %get3A_617 = arith.index_cast %add3A_607 : i32 to index
        %get3A_618 = arith.index_cast %select_n3A_614 : i32 to index
        %get3A_619 = tpu.vector_load %arg20[%get3A_617, %get3A_618] {strides = array<i32>} : memref<320x128xf32, #tpu.memory_space<vmem>>, vector<16xf32>,
        %mul3A_620 = arith.mulf %get3A_619, %get3A_278 : vector<16xf32>
        %add3A_621 = arith.constant 16 : i32
        %add3A_622 = arith.addi %select_n3A_614, %add3A_621 : i32
        %get3A_623 = arith.index_cast %add3A_607 : i32 to index
        %get3A_624 = arith.index_cast %add3A_622 : i32 to index
        %get3A_625 = tpu.vector_load %arg20[%get3A_623, %get3A_624] {strides = array<i32>} : memref<320x128xf32, #tpu.memory_space<vmem>>, vector<16xf32>,
        %mul3A_626 = arith.mulf %get3A_625, %get3A_283 : vector<16xf32>
        %add3A_627 = arith.addf %mul3A_620, %mul3A_626 : vector<16xf32>
        %add3A_628 = arith.constant 32 : i32
        %add3A_629 = arith.addi %select_n3A_614, %add3A_628 : i32
        %get3A_630 = arith.index_cast %add3A_607 : i32 to index
        %get3A_631 = arith.index_cast %add3A_629 : i32 to index
        %get3A_632 = tpu.vector_load %arg20[%get3A_630, %get3A_631] {strides = array<i32>} : memref<320x128xf32, #tpu.memory_space<vmem>>, vector<16xf32>,
        %mul3A_633 = arith.mulf %get3A_632, %get3A_288 : vector<16xf32>
        %add3A_634 = arith.addf %add3A_627, %mul3A_633 : vector<16xf32>
        %add3A_635 = arith.constant 48 : i32
        %add3A_636 = arith.addi %select_n3A_614, %add3A_635 : i32
        %get3A_637 = arith.index_cast %add3A_607 : i32 to index
        %get3A_638 = arith.index_cast %add3A_636 : i32 to index
        %get3A_639 = tpu.vector_load %arg20[%get3A_637, %get3A_638] {strides = array<i32>} : memref<320x128xf32, #tpu.memory_space<vmem>>, vector<16xf32>,
        %mul3A_640 = arith.mulf %get3A_639, %get3A_293 : vector<16xf32>
        %add3A_641 = arith.addf %add3A_634, %mul3A_640 : vector<16xf32>
        %broadcast_in_dim3A_642 = arith.constant true
        %broadcast_in_dim3A_643 = vector.broadcast %broadcast_in_dim3A_642 : i1 to vector<16xi1>
        %masked_cumsum3A_644 = tpu.scan <sum>, %add3A_641 masked %broadcast_in_dim3A_643 : vector<16xf32>, vector<16xi1> -> vector<16xf32>
        %broadcast_in_dim3A_645 = vector.broadcast %add3A_616 : i32 to vector<16xi32>
        tpu.vector_store_idx %arg22[%broadcast_in_dim3A_645], %masked_cumsum3A_644 masked %eq3A_2 : memref<10240xf32, #tpu.memory_space<vmem>>[vector<16xi32>], vector<16xf32>, vector<16xi1>
        %slice3A_646 = vector.extract_strided_slice %get3A_333 {offsets = [7], sizes = [1], strides = [1]} : vector<16xi32> to vector<1xi32>
        %squeeze3A_647 = vector.extract %slice3A_646[0] : i32 from vector<1xi32>
        %mul3A_648 = arith.constant 20 : i32
        %mul3A_649 = arith.muli %scan3A_266, %mul3A_648 : i32
        %add3A_650 = arith.constant 7 : i32
        %add3A_651 = arith.addi %mul3A_649, %add3A_650 : i32
        %and3A_652 = arith.constant 16384 : i32
        %and3A_653 = arith.andi %squeeze3A_647, %and3A_652 : i32
        %ne3A_654 = arith.constant 0 : i32
        %ne3A_655 = arith.cmpi ne, %and3A_653, %ne3A_654 : i32
        %jit3A_656 = arith.constant 64 : i32
        %jit3A_657 = arith.constant 0 : i32
        %select_n3A_658 = arith.select %ne3A_655, %jit3A_656, %jit3A_657 : i32
        %add3A_659 = arith.constant 7 : i32
        %add3A_660 = arith.addi %mul3A_331, %add3A_659 : i32
        %get3A_661 = arith.index_cast %add3A_651 : i32 to index
        %get3A_662 = arith.index_cast %select_n3A_658 : i32 to index
        %get3A_663 = tpu.vector_load %arg20[%get3A_661, %get3A_662] {strides = array<i32>} : memref<320x128xf32, #tpu.memory_space<vmem>>, vector<16xf32>,
        %mul3A_664 = arith.mulf %get3A_663, %get3A_278 : vector<16xf32>
        %add3A_665 = arith.constant 16 : i32
        %add3A_666 = arith.addi %select_n3A_658, %add3A_665 : i32
        %get3A_667 = arith.index_cast %add3A_651 : i32 to index
        %get3A_668 = arith.index_cast %add3A_666 : i32 to index
        %get3A_669 = tpu.vector_load %arg20[%get3A_667, %get3A_668] {strides = array<i32>} : memref<320x128xf32, #tpu.memory_space<vmem>>, vector<16xf32>,
        %mul3A_670 = arith.mulf %get3A_669, %get3A_283 : vector<16xf32>
        %add3A_671 = arith.addf %mul3A_664, %mul3A_670 : vector<16xf32>
        %add3A_672 = arith.constant 32 : i32
        %add3A_673 = arith.addi %select_n3A_658, %add3A_672 : i32
        %get3A_674 = arith.index_cast %add3A_651 : i32 to index
        %get3A_675 = arith.index_cast %add3A_673 : i32 to index
        %get3A_676 = tpu.vector_load %arg20[%get3A_674, %get3A_675] {strides = array<i32>} : memref<320x128xf32, #tpu.memory_space<vmem>>, vector<16xf32>,
        %mul3A_677 = arith.mulf %get3A_676, %get3A_288 : vector<16xf32>
        %add3A_678 = arith.addf %add3A_671, %mul3A_677 : vector<16xf32>
        %add3A_679 = arith.constant 48 : i32
        %add3A_680 = arith.addi %select_n3A_658, %add3A_679 : i32
        %get3A_681 = arith.index_cast %add3A_651 : i32 to index
        %get3A_682 = arith.index_cast %add3A_680 : i32 to index
        %get3A_683 = tpu.vector_load %arg20[%get3A_681, %get3A_682] {strides = array<i32>} : memref<320x128xf32, #tpu.memory_space<vmem>>, vector<16xf32>,
        %mul3A_684 = arith.mulf %get3A_683, %get3A_293 : vector<16xf32>
        %add3A_685 = arith.addf %add3A_678, %mul3A_684 : vector<16xf32>
        %broadcast_in_dim3A_686 = arith.constant true
        %broadcast_in_dim3A_687 = vector.broadcast %broadcast_in_dim3A_686 : i1 to vector<16xi1>
        %masked_cumsum3A_688 = tpu.scan <sum>, %add3A_685 masked %broadcast_in_dim3A_687 : vector<16xf32>, vector<16xi1> -> vector<16xf32>
        %broadcast_in_dim3A_689 = vector.broadcast %add3A_660 : i32 to vector<16xi32>
        tpu.vector_store_idx %arg22[%broadcast_in_dim3A_689], %masked_cumsum3A_688 masked %eq3A_2 : memref<10240xf32, #tpu.memory_space<vmem>>[vector<16xi32>], vector<16xf32>, vector<16xi1>
        %slice3A_690 = vector.extract_strided_slice %get3A_333 {offsets = [8], sizes = [1], strides = [1]} : vector<16xi32> to vector<1xi32>
        %squeeze3A_691 = vector.extract %slice3A_690[0] : i32 from vector<1xi32>
        %mul3A_692 = arith.constant 20 : i32
        %mul3A_693 = arith.muli %scan3A_266, %mul3A_692 : i32
        %add3A_694 = arith.constant 8 : i32
        %add3A_695 = arith.addi %mul3A_693, %add3A_694 : i32
        %and3A_696 = arith.constant 16384 : i32
        %and3A_697 = arith.andi %squeeze3A_691, %and3A_696 : i32
        %ne3A_698 = arith.constant 0 : i32
        %ne3A_699 = arith.cmpi ne, %and3A_697, %ne3A_698 : i32
        %jit3A_700 = arith.constant 64 : i32
        %jit3A_701 = arith.constant 0 : i32
        %select_n3A_702 = arith.select %ne3A_699, %jit3A_700, %jit3A_701 : i32
        %add3A_703 = arith.constant 8 : i32
        %add3A_704 = arith.addi %mul3A_331, %add3A_703 : i32
        %get3A_705 = arith.index_cast %add3A_695 : i32 to index
        %get3A_706 = arith.index_cast %select_n3A_702 : i32 to index
        %get3A_707 = tpu.vector_load %arg20[%get3A_705, %get3A_706] {strides = array<i32>} : memref<320x128xf32, #tpu.memory_space<vmem>>, vector<16xf32>,
        %mul3A_708 = arith.mulf %get3A_707, %get3A_278 : vector<16xf32>
        %add3A_709 = arith.constant 16 : i32
        %add3A_710 = arith.addi %select_n3A_702, %add3A_709 : i32
        %get3A_711 = arith.index_cast %add3A_695 : i32 to index
        %get3A_712 = arith.index_cast %add3A_710 : i32 to index
        %get3A_713 = tpu.vector_load %arg20[%get3A_711, %get3A_712] {strides = array<i32>} : memref<320x128xf32, #tpu.memory_space<vmem>>, vector<16xf32>,
        %mul3A_714 = arith.mulf %get3A_713, %get3A_283 : vector<16xf32>
        %add3A_715 = arith.addf %mul3A_708, %mul3A_714 : vector<16xf32>
        %add3A_716 = arith.constant 32 : i32
        %add3A_717 = arith.addi %select_n3A_702, %add3A_716 : i32
        %get3A_718 = arith.index_cast %add3A_695 : i32 to index
        %get3A_719 = arith.index_cast %add3A_717 : i32 to index
        %get3A_720 = tpu.vector_load %arg20[%get3A_718, %get3A_719] {strides = array<i32>} : memref<320x128xf32, #tpu.memory_space<vmem>>, vector<16xf32>,
        %mul3A_721 = arith.mulf %get3A_720, %get3A_288 : vector<16xf32>
        %add3A_722 = arith.addf %add3A_715, %mul3A_721 : vector<16xf32>
        %add3A_723 = arith.constant 48 : i32
        %add3A_724 = arith.addi %select_n3A_702, %add3A_723 : i32
        %get3A_725 = arith.index_cast %add3A_695 : i32 to index
        %get3A_726 = arith.index_cast %add3A_724 : i32 to index
        %get3A_727 = tpu.vector_load %arg20[%get3A_725, %get3A_726] {strides = array<i32>} : memref<320x128xf32, #tpu.memory_space<vmem>>, vector<16xf32>,
        %mul3A_728 = arith.mulf %get3A_727, %get3A_293 : vector<16xf32>
        %add3A_729 = arith.addf %add3A_722, %mul3A_728 : vector<16xf32>
        %broadcast_in_dim3A_730 = arith.constant true
        %broadcast_in_dim3A_731 = vector.broadcast %broadcast_in_dim3A_730 : i1 to vector<16xi1>
        %masked_cumsum3A_732 = tpu.scan <sum>, %add3A_729 masked %broadcast_in_dim3A_731 : vector<16xf32>, vector<16xi1> -> vector<16xf32>
        %broadcast_in_dim3A_733 = vector.broadcast %add3A_704 : i32 to vector<16xi32>
        tpu.vector_store_idx %arg22[%broadcast_in_dim3A_733], %masked_cumsum3A_732 masked %eq3A_2 : memref<10240xf32, #tpu.memory_space<vmem>>[vector<16xi32>], vector<16xf32>, vector<16xi1>
        %slice3A_734 = vector.extract_strided_slice %get3A_333 {offsets = [9], sizes = [1], strides = [1]} : vector<16xi32> to vector<1xi32>
        %squeeze3A_735 = vector.extract %slice3A_734[0] : i32 from vector<1xi32>
        %mul3A_736 = arith.constant 20 : i32
        %mul3A_737 = arith.muli %scan3A_266, %mul3A_736 : i32
        %add3A_738 = arith.constant 9 : i32
        %add3A_739 = arith.addi %mul3A_737, %add3A_738 : i32
        %and3A_740 = arith.constant 16384 : i32
        %and3A_741 = arith.andi %squeeze3A_735, %and3A_740 : i32
        %ne3A_742 = arith.constant 0 : i32
        %ne3A_743 = arith.cmpi ne, %and3A_741, %ne3A_742 : i32
        %jit3A_744 = arith.constant 64 : i32
        %jit3A_745 = arith.constant 0 : i32
        %select_n3A_746 = arith.select %ne3A_743, %jit3A_744, %jit3A_745 : i32
        %add3A_747 = arith.constant 9 : i32
        %add3A_748 = arith.addi %mul3A_331, %add3A_747 : i32
        %get3A_749 = arith.index_cast %add3A_739 : i32 to index
        %get3A_750 = arith.index_cast %select_n3A_746 : i32 to index
        %get3A_751 = tpu.vector_load %arg20[%get3A_749, %get3A_750] {strides = array<i32>} : memref<320x128xf32, #tpu.memory_space<vmem>>, vector<16xf32>,
        %mul3A_752 = arith.mulf %get3A_751, %get3A_278 : vector<16xf32>
        %add3A_753 = arith.constant 16 : i32
        %add3A_754 = arith.addi %select_n3A_746, %add3A_753 : i32
        %get3A_755 = arith.index_cast %add3A_739 : i32 to index
        %get3A_756 = arith.index_cast %add3A_754 : i32 to index
        %get3A_757 = tpu.vector_load %arg20[%get3A_755, %get3A_756] {strides = array<i32>} : memref<320x128xf32, #tpu.memory_space<vmem>>, vector<16xf32>,
        %mul3A_758 = arith.mulf %get3A_757, %get3A_283 : vector<16xf32>
        %add3A_759 = arith.addf %mul3A_752, %mul3A_758 : vector<16xf32>
        %add3A_760 = arith.constant 32 : i32
        %add3A_761 = arith.addi %select_n3A_746, %add3A_760 : i32
        %get3A_762 = arith.index_cast %add3A_739 : i32 to index
        %get3A_763 = arith.index_cast %add3A_761 : i32 to index
        %get3A_764 = tpu.vector_load %arg20[%get3A_762, %get3A_763] {strides = array<i32>} : memref<320x128xf32, #tpu.memory_space<vmem>>, vector<16xf32>,
        %mul3A_765 = arith.mulf %get3A_764, %get3A_288 : vector<16xf32>
        %add3A_766 = arith.addf %add3A_759, %mul3A_765 : vector<16xf32>
        %add3A_767 = arith.constant 48 : i32
        %add3A_768 = arith.addi %select_n3A_746, %add3A_767 : i32
        %get3A_769 = arith.index_cast %add3A_739 : i32 to index
        %get3A_770 = arith.index_cast %add3A_768 : i32 to index
        %get3A_771 = tpu.vector_load %arg20[%get3A_769, %get3A_770] {strides = array<i32>} : memref<320x128xf32, #tpu.memory_space<vmem>>, vector<16xf32>,
        %mul3A_772 = arith.mulf %get3A_771, %get3A_293 : vector<16xf32>
        %add3A_773 = arith.addf %add3A_766, %mul3A_772 : vector<16xf32>
        %broadcast_in_dim3A_774 = arith.constant true
        %broadcast_in_dim3A_775 = vector.broadcast %broadcast_in_dim3A_774 : i1 to vector<16xi1>
        %masked_cumsum3A_776 = tpu.scan <sum>, %add3A_773 masked %broadcast_in_dim3A_775 : vector<16xf32>, vector<16xi1> -> vector<16xf32>
        %broadcast_in_dim3A_777 = vector.broadcast %add3A_748 : i32 to vector<16xi32>
        tpu.vector_store_idx %arg22[%broadcast_in_dim3A_777], %masked_cumsum3A_776 masked %eq3A_2 : memref<10240xf32, #tpu.memory_space<vmem>>[vector<16xi32>], vector<16xf32>, vector<16xi1>
        %slice3A_778 = vector.extract_strided_slice %get3A_333 {offsets = [10], sizes = [1], strides = [1]} : vector<16xi32> to vector<1xi32>
        %squeeze3A_779 = vector.extract %slice3A_778[0] : i32 from vector<1xi32>
        %mul3A_780 = arith.constant 20 : i32
        %mul3A_781 = arith.muli %scan3A_266, %mul3A_780 : i32
        %add3A_782 = arith.constant 10 : i32
        %add3A_783 = arith.addi %mul3A_781, %add3A_782 : i32
        %and3A_784 = arith.constant 16384 : i32
        %and3A_785 = arith.andi %squeeze3A_779, %and3A_784 : i32
        %ne3A_786 = arith.constant 0 : i32
        %ne3A_787 = arith.cmpi ne, %and3A_785, %ne3A_786 : i32
        %jit3A_788 = arith.constant 64 : i32
        %jit3A_789 = arith.constant 0 : i32
        %select_n3A_790 = arith.select %ne3A_787, %jit3A_788, %jit3A_789 : i32
        %add3A_791 = arith.constant 10 : i32
        %add3A_792 = arith.addi %mul3A_331, %add3A_791 : i32
        %get3A_793 = arith.index_cast %add3A_783 : i32 to index
        %get3A_794 = arith.index_cast %select_n3A_790 : i32 to index
        %get3A_795 = tpu.vector_load %arg20[%get3A_793, %get3A_794] {strides = array<i32>} : memref<320x128xf32, #tpu.memory_space<vmem>>, vector<16xf32>,
        %mul3A_796 = arith.mulf %get3A_795, %get3A_278 : vector<16xf32>
        %add3A_797 = arith.constant 16 : i32
        %add3A_798 = arith.addi %select_n3A_790, %add3A_797 : i32
        %get3A_799 = arith.index_cast %add3A_783 : i32 to index
        %get3A_800 = arith.index_cast %add3A_798 : i32 to index
        %get3A_801 = tpu.vector_load %arg20[%get3A_799, %get3A_800] {strides = array<i32>} : memref<320x128xf32, #tpu.memory_space<vmem>>, vector<16xf32>,
        %mul3A_802 = arith.mulf %get3A_801, %get3A_283 : vector<16xf32>
        %add3A_803 = arith.addf %mul3A_796, %mul3A_802 : vector<16xf32>
        %add3A_804 = arith.constant 32 : i32
        %add3A_805 = arith.addi %select_n3A_790, %add3A_804 : i32
        %get3A_806 = arith.index_cast %add3A_783 : i32 to index
        %get3A_807 = arith.index_cast %add3A_805 : i32 to index
        %get3A_808 = tpu.vector_load %arg20[%get3A_806, %get3A_807] {strides = array<i32>} : memref<320x128xf32, #tpu.memory_space<vmem>>, vector<16xf32>,
        %mul3A_809 = arith.mulf %get3A_808, %get3A_288 : vector<16xf32>
        %add3A_810 = arith.addf %add3A_803, %mul3A_809 : vector<16xf32>
        %add3A_811 = arith.constant 48 : i32
        %add3A_812 = arith.addi %select_n3A_790, %add3A_811 : i32
        %get3A_813 = arith.index_cast %add3A_783 : i32 to index
        %get3A_814 = arith.index_cast %add3A_812 : i32 to index
        %get3A_815 = tpu.vector_load %arg20[%get3A_813, %get3A_814] {strides = array<i32>} : memref<320x128xf32, #tpu.memory_space<vmem>>, vector<16xf32>,
        %mul3A_816 = arith.mulf %get3A_815, %get3A_293 : vector<16xf32>
        %add3A_817 = arith.addf %add3A_810, %mul3A_816 : vector<16xf32>
        %broadcast_in_dim3A_818 = arith.constant true
        %broadcast_in_dim3A_819 = vector.broadcast %broadcast_in_dim3A_818 : i1 to vector<16xi1>
        %masked_cumsum3A_820 = tpu.scan <sum>, %add3A_817 masked %broadcast_in_dim3A_819 : vector<16xf32>, vector<16xi1> -> vector<16xf32>
        %broadcast_in_dim3A_821 = vector.broadcast %add3A_792 : i32 to vector<16xi32>
        tpu.vector_store_idx %arg22[%broadcast_in_dim3A_821], %masked_cumsum3A_820 masked %eq3A_2 : memref<10240xf32, #tpu.memory_space<vmem>>[vector<16xi32>], vector<16xf32>, vector<16xi1>
        %slice3A_822 = vector.extract_strided_slice %get3A_333 {offsets = [11], sizes = [1], strides = [1]} : vector<16xi32> to vector<1xi32>
        %squeeze3A_823 = vector.extract %slice3A_822[0] : i32 from vector<1xi32>
        %mul3A_824 = arith.constant 20 : i32
        %mul3A_825 = arith.muli %scan3A_266, %mul3A_824 : i32
        %add3A_826 = arith.constant 11 : i32
        %add3A_827 = arith.addi %mul3A_825, %add3A_826 : i32
        %and3A_828 = arith.constant 16384 : i32
        %and3A_829 = arith.andi %squeeze3A_823, %and3A_828 : i32
        %ne3A_830 = arith.constant 0 : i32
        %ne3A_831 = arith.cmpi ne, %and3A_829, %ne3A_830 : i32
        %jit3A_832 = arith.constant 64 : i32
        %jit3A_833 = arith.constant 0 : i32
        %select_n3A_834 = arith.select %ne3A_831, %jit3A_832, %jit3A_833 : i32
        %add3A_835 = arith.constant 11 : i32
        %add3A_836 = arith.addi %mul3A_331, %add3A_835 : i32
        %get3A_837 = arith.index_cast %add3A_827 : i32 to index
        %get3A_838 = arith.index_cast %select_n3A_834 : i32 to index
        %get3A_839 = tpu.vector_load %arg20[%get3A_837, %get3A_838] {strides = array<i32>} : memref<320x128xf32, #tpu.memory_space<vmem>>, vector<16xf32>,
        %mul3A_840 = arith.mulf %get3A_839, %get3A_278 : vector<16xf32>
        %add3A_841 = arith.constant 16 : i32
        %add3A_842 = arith.addi %select_n3A_834, %add3A_841 : i32
        %get3A_843 = arith.index_cast %add3A_827 : i32 to index
        %get3A_844 = arith.index_cast %add3A_842 : i32 to index
        %get3A_845 = tpu.vector_load %arg20[%get3A_843, %get3A_844] {strides = array<i32>} : memref<320x128xf32, #tpu.memory_space<vmem>>, vector<16xf32>,
        %mul3A_846 = arith.mulf %get3A_845, %get3A_283 : vector<16xf32>
        %add3A_847 = arith.addf %mul3A_840, %mul3A_846 : vector<16xf32>
        %add3A_848 = arith.constant 32 : i32
        %add3A_849 = arith.addi %select_n3A_834, %add3A_848 : i32
        %get3A_850 = arith.index_cast %add3A_827 : i32 to index
        %get3A_851 = arith.index_cast %add3A_849 : i32 to index
        %get3A_852 = tpu.vector_load %arg20[%get3A_850, %get3A_851] {strides = array<i32>} : memref<320x128xf32, #tpu.memory_space<vmem>>, vector<16xf32>,
        %mul3A_853 = arith.mulf %get3A_852, %get3A_288 : vector<16xf32>
        %add3A_854 = arith.addf %add3A_847, %mul3A_853 : vector<16xf32>
        %add3A_855 = arith.constant 48 : i32
        %add3A_856 = arith.addi %select_n3A_834, %add3A_855 : i32
        %get3A_857 = arith.index_cast %add3A_827 : i32 to index
        %get3A_858 = arith.index_cast %add3A_856 : i32 to index
        %get3A_859 = tpu.vector_load %arg20[%get3A_857, %get3A_858] {strides = array<i32>} : memref<320x128xf32, #tpu.memory_space<vmem>>, vector<16xf32>,
        %mul3A_860 = arith.mulf %get3A_859, %get3A_293 : vector<16xf32>
        %add3A_861 = arith.addf %add3A_854, %mul3A_860 : vector<16xf32>
        %broadcast_in_dim3A_862 = arith.constant true
        %broadcast_in_dim3A_863 = vector.broadcast %broadcast_in_dim3A_862 : i1 to vector<16xi1>
        %masked_cumsum3A_864 = tpu.scan <sum>, %add3A_861 masked %broadcast_in_dim3A_863 : vector<16xf32>, vector<16xi1> -> vector<16xf32>
        %broadcast_in_dim3A_865 = vector.broadcast %add3A_836 : i32 to vector<16xi32>
        tpu.vector_store_idx %arg22[%broadcast_in_dim3A_865], %masked_cumsum3A_864 masked %eq3A_2 : memref<10240xf32, #tpu.memory_space<vmem>>[vector<16xi32>], vector<16xf32>, vector<16xi1>
        %slice3A_866 = vector.extract_strided_slice %get3A_333 {offsets = [12], sizes = [1], strides = [1]} : vector<16xi32> to vector<1xi32>
        %squeeze3A_867 = vector.extract %slice3A_866[0] : i32 from vector<1xi32>
        %mul3A_868 = arith.constant 20 : i32
        %mul3A_869 = arith.muli %scan3A_266, %mul3A_868 : i32
        %add3A_870 = arith.constant 12 : i32
        %add3A_871 = arith.addi %mul3A_869, %add3A_870 : i32
        %and3A_872 = arith.constant 16384 : i32
        %and3A_873 = arith.andi %squeeze3A_867, %and3A_872 : i32
        %ne3A_874 = arith.constant 0 : i32
        %ne3A_875 = arith.cmpi ne, %and3A_873, %ne3A_874 : i32
        %jit3A_876 = arith.constant 64 : i32
        %jit3A_877 = arith.constant 0 : i32
        %select_n3A_878 = arith.select %ne3A_875, %jit3A_876, %jit3A_877 : i32
        %add3A_879 = arith.constant 12 : i32
        %add3A_880 = arith.addi %mul3A_331, %add3A_879 : i32
        %get3A_881 = arith.index_cast %add3A_871 : i32 to index
        %get3A_882 = arith.index_cast %select_n3A_878 : i32 to index
        %get3A_883 = tpu.vector_load %arg20[%get3A_881, %get3A_882] {strides = array<i32>} : memref<320x128xf32, #tpu.memory_space<vmem>>, vector<16xf32>,
        %mul3A_884 = arith.mulf %get3A_883, %get3A_278 : vector<16xf32>
        %add3A_885 = arith.constant 16 : i32
        %add3A_886 = arith.addi %select_n3A_878, %add3A_885 : i32
        %get3A_887 = arith.index_cast %add3A_871 : i32 to index
        %get3A_888 = arith.index_cast %add3A_886 : i32 to index
        %get3A_889 = tpu.vector_load %arg20[%get3A_887, %get3A_888] {strides = array<i32>} : memref<320x128xf32, #tpu.memory_space<vmem>>, vector<16xf32>,
        %mul3A_890 = arith.mulf %get3A_889, %get3A_283 : vector<16xf32>
        %add3A_891 = arith.addf %mul3A_884, %mul3A_890 : vector<16xf32>
        %add3A_892 = arith.constant 32 : i32
        %add3A_893 = arith.addi %select_n3A_878, %add3A_892 : i32
        %get3A_894 = arith.index_cast %add3A_871 : i32 to index
        %get3A_895 = arith.index_cast %add3A_893 : i32 to index
        %get3A_896 = tpu.vector_load %arg20[%get3A_894, %get3A_895] {strides = array<i32>} : memref<320x128xf32, #tpu.memory_space<vmem>>, vector<16xf32>,
        %mul3A_897 = arith.mulf %get3A_896, %get3A_288 : vector<16xf32>
        %add3A_898 = arith.addf %add3A_891, %mul3A_897 : vector<16xf32>
        %add3A_899 = arith.constant 48 : i32
        %add3A_900 = arith.addi %select_n3A_878, %add3A_899 : i32
        %get3A_901 = arith.index_cast %add3A_871 : i32 to index
        %get3A_902 = arith.index_cast %add3A_900 : i32 to index
        %get3A_903 = tpu.vector_load %arg20[%get3A_901, %get3A_902] {strides = array<i32>} : memref<320x128xf32, #tpu.memory_space<vmem>>, vector<16xf32>,
        %mul3A_904 = arith.mulf %get3A_903, %get3A_293 : vector<16xf32>
        %add3A_905 = arith.addf %add3A_898, %mul3A_904 : vector<16xf32>
        %broadcast_in_dim3A_906 = arith.constant true
        %broadcast_in_dim3A_907 = vector.broadcast %broadcast_in_dim3A_906 : i1 to vector<16xi1>
        %masked_cumsum3A_908 = tpu.scan <sum>, %add3A_905 masked %broadcast_in_dim3A_907 : vector<16xf32>, vector<16xi1> -> vector<16xf32>
        %broadcast_in_dim3A_909 = vector.broadcast %add3A_880 : i32 to vector<16xi32>
        tpu.vector_store_idx %arg22[%broadcast_in_dim3A_909], %masked_cumsum3A_908 masked %eq3A_2 : memref<10240xf32, #tpu.memory_space<vmem>>[vector<16xi32>], vector<16xf32>, vector<16xi1>
        %slice3A_910 = vector.extract_strided_slice %get3A_333 {offsets = [13], sizes = [1], strides = [1]} : vector<16xi32> to vector<1xi32>
        %squeeze3A_911 = vector.extract %slice3A_910[0] : i32 from vector<1xi32>
        %mul3A_912 = arith.constant 20 : i32
        %mul3A_913 = arith.muli %scan3A_266, %mul3A_912 : i32
        %add3A_914 = arith.constant 13 : i32
        %add3A_915 = arith.addi %mul3A_913, %add3A_914 : i32
        %and3A_916 = arith.constant 16384 : i32
        %and3A_917 = arith.andi %squeeze3A_911, %and3A_916 : i32
        %ne3A_918 = arith.constant 0 : i32
        %ne3A_919 = arith.cmpi ne, %and3A_917, %ne3A_918 : i32
        %jit3A_920 = arith.constant 64 : i32
        %jit3A_921 = arith.constant 0 : i32
        %select_n3A_922 = arith.select %ne3A_919, %jit3A_920, %jit3A_921 : i32
        %add3A_923 = arith.constant 13 : i32
        %add3A_924 = arith.addi %mul3A_331, %add3A_923 : i32
        %get3A_925 = arith.index_cast %add3A_915 : i32 to index
        %get3A_926 = arith.index_cast %select_n3A_922 : i32 to index
        %get3A_927 = tpu.vector_load %arg20[%get3A_925, %get3A_926] {strides = array<i32>} : memref<320x128xf32, #tpu.memory_space<vmem>>, vector<16xf32>,
        %mul3A_928 = arith.mulf %get3A_927, %get3A_278 : vector<16xf32>
        %add3A_929 = arith.constant 16 : i32
        %add3A_930 = arith.addi %select_n3A_922, %add3A_929 : i32
        %get3A_931 = arith.index_cast %add3A_915 : i32 to index
        %get3A_932 = arith.index_cast %add3A_930 : i32 to index
        %get3A_933 = tpu.vector_load %arg20[%get3A_931, %get3A_932] {strides = array<i32>} : memref<320x128xf32, #tpu.memory_space<vmem>>, vector<16xf32>,
        %mul3A_934 = arith.mulf %get3A_933, %get3A_283 : vector<16xf32>
        %add3A_935 = arith.addf %mul3A_928, %mul3A_934 : vector<16xf32>
        %add3A_936 = arith.constant 32 : i32
        %add3A_937 = arith.addi %select_n3A_922, %add3A_936 : i32
        %get3A_938 = arith.index_cast %add3A_915 : i32 to index
        %get3A_939 = arith.index_cast %add3A_937 : i32 to index
        %get3A_940 = tpu.vector_load %arg20[%get3A_938, %get3A_939] {strides = array<i32>} : memref<320x128xf32, #tpu.memory_space<vmem>>, vector<16xf32>,
        %mul3A_941 = arith.mulf %get3A_940, %get3A_288 : vector<16xf32>
        %add3A_942 = arith.addf %add3A_935, %mul3A_941 : vector<16xf32>
        %add3A_943 = arith.constant 48 : i32
        %add3A_944 = arith.addi %select_n3A_922, %add3A_943 : i32
        %get3A_945 = arith.index_cast %add3A_915 : i32 to index
        %get3A_946 = arith.index_cast %add3A_944 : i32 to index
        %get3A_947 = tpu.vector_load %arg20[%get3A_945, %get3A_946] {strides = array<i32>} : memref<320x128xf32, #tpu.memory_space<vmem>>, vector<16xf32>,
        %mul3A_948 = arith.mulf %get3A_947, %get3A_293 : vector<16xf32>
        %add3A_949 = arith.addf %add3A_942, %mul3A_948 : vector<16xf32>
        %broadcast_in_dim3A_950 = arith.constant true
        %broadcast_in_dim3A_951 = vector.broadcast %broadcast_in_dim3A_950 : i1 to vector<16xi1>
        %masked_cumsum3A_952 = tpu.scan <sum>, %add3A_949 masked %broadcast_in_dim3A_951 : vector<16xf32>, vector<16xi1> -> vector<16xf32>
        %broadcast_in_dim3A_953 = vector.broadcast %add3A_924 : i32 to vector<16xi32>
        tpu.vector_store_idx %arg22[%broadcast_in_dim3A_953], %masked_cumsum3A_952 masked %eq3A_2 : memref<10240xf32, #tpu.memory_space<vmem>>[vector<16xi32>], vector<16xf32>, vector<16xi1>
        %slice3A_954 = vector.extract_strided_slice %get3A_333 {offsets = [14], sizes = [1], strides = [1]} : vector<16xi32> to vector<1xi32>
        %squeeze3A_955 = vector.extract %slice3A_954[0] : i32 from vector<1xi32>
        %mul3A_956 = arith.constant 20 : i32
        %mul3A_957 = arith.muli %scan3A_266, %mul3A_956 : i32
        %add3A_958 = arith.constant 14 : i32
        %add3A_959 = arith.addi %mul3A_957, %add3A_958 : i32
        %and3A_960 = arith.constant 16384 : i32
        %and3A_961 = arith.andi %squeeze3A_955, %and3A_960 : i32
        %ne3A_962 = arith.constant 0 : i32
        %ne3A_963 = arith.cmpi ne, %and3A_961, %ne3A_962 : i32
        %jit3A_964 = arith.constant 64 : i32
        %jit3A_965 = arith.constant 0 : i32
        %select_n3A_966 = arith.select %ne3A_963, %jit3A_964, %jit3A_965 : i32
        %add3A_967 = arith.constant 14 : i32
        %add3A_968 = arith.addi %mul3A_331, %add3A_967 : i32
        %get3A_969 = arith.index_cast %add3A_959 : i32 to index
        %get3A_970 = arith.index_cast %select_n3A_966 : i32 to index
        %get3A_971 = tpu.vector_load %arg20[%get3A_969, %get3A_970] {strides = array<i32>} : memref<320x128xf32, #tpu.memory_space<vmem>>, vector<16xf32>,
        %mul3A_972 = arith.mulf %get3A_971, %get3A_278 : vector<16xf32>
        %add3A_973 = arith.constant 16 : i32
        %add3A_974 = arith.addi %select_n3A_966, %add3A_973 : i32
        %get3A_975 = arith.index_cast %add3A_959 : i32 to index
        %get3A_976 = arith.index_cast %add3A_974 : i32 to index
        %get3A_977 = tpu.vector_load %arg20[%get3A_975, %get3A_976] {strides = array<i32>} : memref<320x128xf32, #tpu.memory_space<vmem>>, vector<16xf32>,
        %mul3A_978 = arith.mulf %get3A_977, %get3A_283 : vector<16xf32>
        %add3A_979 = arith.addf %mul3A_972, %mul3A_978 : vector<16xf32>
        %add3A_980 = arith.constant 32 : i32
        %add3A_981 = arith.addi %select_n3A_966, %add3A_980 : i32
        %get3A_982 = arith.index_cast %add3A_959 : i32 to index
        %get3A_983 = arith.index_cast %add3A_981 : i32 to index
        %get3A_984 = tpu.vector_load %arg20[%get3A_982, %get3A_983] {strides = array<i32>} : memref<320x128xf32, #tpu.memory_space<vmem>>, vector<16xf32>,
        %mul3A_985 = arith.mulf %get3A_984, %get3A_288 : vector<16xf32>
        %add3A_986 = arith.addf %add3A_979, %mul3A_985 : vector<16xf32>
        %add3A_987 = arith.constant 48 : i32
        %add3A_988 = arith.addi %select_n3A_966, %add3A_987 : i32
        %get3A_989 = arith.index_cast %add3A_959 : i32 to index
        %get3A_990 = arith.index_cast %add3A_988 : i32 to index
        %get3A_991 = tpu.vector_load %arg20[%get3A_989, %get3A_990] {strides = array<i32>} : memref<320x128xf32, #tpu.memory_space<vmem>>, vector<16xf32>,
        %mul3A_992 = arith.mulf %get3A_991, %get3A_293 : vector<16xf32>
        %add3A_993 = arith.addf %add3A_986, %mul3A_992 : vector<16xf32>
        %broadcast_in_dim3A_994 = arith.constant true
        %broadcast_in_dim3A_995 = vector.broadcast %broadcast_in_dim3A_994 : i1 to vector<16xi1>
        %masked_cumsum3A_996 = tpu.scan <sum>, %add3A_993 masked %broadcast_in_dim3A_995 : vector<16xf32>, vector<16xi1> -> vector<16xf32>
        %broadcast_in_dim3A_997 = vector.broadcast %add3A_968 : i32 to vector<16xi32>
        tpu.vector_store_idx %arg22[%broadcast_in_dim3A_997], %masked_cumsum3A_996 masked %eq3A_2 : memref<10240xf32, #tpu.memory_space<vmem>>[vector<16xi32>], vector<16xf32>, vector<16xi1>
        %slice3A_998 = vector.extract_strided_slice %get3A_333 {offsets = [15], sizes = [1], strides = [1]} : vector<16xi32> to vector<1xi32>
        %squeeze3A_999 = vector.extract %slice3A_998[0] : i32 from vector<1xi32>
        %mul3A_1000 = arith.constant 20 : i32
        %mul3A_1001 = arith.muli %scan3A_266, %mul3A_1000 : i32
        %add3A_1002 = arith.constant 15 : i32
        %add3A_1003 = arith.addi %mul3A_1001, %add3A_1002 : i32
        %and3A_1004 = arith.constant 16384 : i32
        %and3A_1005 = arith.andi %squeeze3A_999, %and3A_1004 : i32
        %ne3A_1006 = arith.constant 0 : i32
        %ne3A_1007 = arith.cmpi ne, %and3A_1005, %ne3A_1006 : i32
        %jit3A_1008 = arith.constant 64 : i32
        %jit3A_1009 = arith.constant 0 : i32
        %select_n3A_1010 = arith.select %ne3A_1007, %jit3A_1008, %jit3A_1009 : i32
        %add3A_1011 = arith.constant 15 : i32
        %add3A_1012 = arith.addi %mul3A_331, %add3A_1011 : i32
        %get3A_1013 = arith.index_cast %add3A_1003 : i32 to index
        %get3A_1014 = arith.index_cast %select_n3A_1010 : i32 to index
        %get3A_1015 = tpu.vector_load %arg20[%get3A_1013, %get3A_1014] {strides = array<i32>} : memref<320x128xf32, #tpu.memory_space<vmem>>, vector<16xf32>,
        %mul3A_1016 = arith.mulf %get3A_1015, %get3A_278 : vector<16xf32>
        %add3A_1017 = arith.constant 16 : i32
        %add3A_1018 = arith.addi %select_n3A_1010, %add3A_1017 : i32
        %get3A_1019 = arith.index_cast %add3A_1003 : i32 to index
        %get3A_1020 = arith.index_cast %add3A_1018 : i32 to index
        %get3A_1021 = tpu.vector_load %arg20[%get3A_1019, %get3A_1020] {strides = array<i32>} : memref<320x128xf32, #tpu.memory_space<vmem>>, vector<16xf32>,
        %mul3A_1022 = arith.mulf %get3A_1021, %get3A_283 : vector<16xf32>
        %add3A_1023 = arith.addf %mul3A_1016, %mul3A_1022 : vector<16xf32>
        %add3A_1024 = arith.constant 32 : i32
        %add3A_1025 = arith.addi %select_n3A_1010, %add3A_1024 : i32
        %get3A_1026 = arith.index_cast %add3A_1003 : i32 to index
        %get3A_1027 = arith.index_cast %add3A_1025 : i32 to index
        %get3A_1028 = tpu.vector_load %arg20[%get3A_1026, %get3A_1027] {strides = array<i32>} : memref<320x128xf32, #tpu.memory_space<vmem>>, vector<16xf32>,
        %mul3A_1029 = arith.mulf %get3A_1028, %get3A_288 : vector<16xf32>
        %add3A_1030 = arith.addf %add3A_1023, %mul3A_1029 : vector<16xf32>
        %add3A_1031 = arith.constant 48 : i32
        %add3A_1032 = arith.addi %select_n3A_1010, %add3A_1031 : i32
        %get3A_1033 = arith.index_cast %add3A_1003 : i32 to index
        %get3A_1034 = arith.index_cast %add3A_1032 : i32 to index
        %get3A_1035 = tpu.vector_load %arg20[%get3A_1033, %get3A_1034] {strides = array<i32>} : memref<320x128xf32, #tpu.memory_space<vmem>>, vector<16xf32>,
        %mul3A_1036 = arith.mulf %get3A_1035, %get3A_293 : vector<16xf32>
        %add3A_1037 = arith.addf %add3A_1030, %mul3A_1036 : vector<16xf32>
        %broadcast_in_dim3A_1038 = arith.constant true
        %broadcast_in_dim3A_1039 = vector.broadcast %broadcast_in_dim3A_1038 : i1 to vector<16xi1>
        %masked_cumsum3A_1040 = tpu.scan <sum>, %add3A_1037 masked %broadcast_in_dim3A_1039 : vector<16xf32>, vector<16xi1> -> vector<16xf32>
        %broadcast_in_dim3A_1041 = vector.broadcast %add3A_1012 : i32 to vector<16xi32>
        tpu.vector_store_idx %arg22[%broadcast_in_dim3A_1041], %masked_cumsum3A_1040 masked %eq3A_2 : memref<10240xf32, #tpu.memory_space<vmem>>[vector<16xi32>], vector<16xf32>, vector<16xi1>
        %slice3A_1042 = vector.extract_strided_slice %get3A_337 {offsets = [12], sizes = [1], strides = [1]} : vector<16xi32> to vector<1xi32>
        %squeeze3A_1043 = vector.extract %slice3A_1042[0] : i32 from vector<1xi32>
        %mul3A_1044 = arith.constant 20 : i32
        %mul3A_1045 = arith.muli %scan3A_266, %mul3A_1044 : i32
        %add3A_1046 = arith.constant 16 : i32
        %add3A_1047 = arith.addi %mul3A_1045, %add3A_1046 : i32
        %and3A_1048 = arith.constant 16384 : i32
        %and3A_1049 = arith.andi %squeeze3A_1043, %and3A_1048 : i32
        %ne3A_1050 = arith.constant 0 : i32
        %ne3A_1051 = arith.cmpi ne, %and3A_1049, %ne3A_1050 : i32
        %jit3A_1052 = arith.constant 64 : i32
        %jit3A_1053 = arith.constant 0 : i32
        %select_n3A_1054 = arith.select %ne3A_1051, %jit3A_1052, %jit3A_1053 : i32
        %add3A_1055 = arith.constant 16 : i32
        %add3A_1056 = arith.addi %mul3A_331, %add3A_1055 : i32
        %get3A_1057 = arith.index_cast %add3A_1047 : i32 to index
        %get3A_1058 = arith.index_cast %select_n3A_1054 : i32 to index
        %get3A_1059 = tpu.vector_load %arg20[%get3A_1057, %get3A_1058] {strides = array<i32>} : memref<320x128xf32, #tpu.memory_space<vmem>>, vector<16xf32>,
        %mul3A_1060 = arith.mulf %get3A_1059, %get3A_278 : vector<16xf32>
        %add3A_1061 = arith.constant 16 : i32
        %add3A_1062 = arith.addi %select_n3A_1054, %add3A_1061 : i32
        %get3A_1063 = arith.index_cast %add3A_1047 : i32 to index
        %get3A_1064 = arith.index_cast %add3A_1062 : i32 to index
        %get3A_1065 = tpu.vector_load %arg20[%get3A_1063, %get3A_1064] {strides = array<i32>} : memref<320x128xf32, #tpu.memory_space<vmem>>, vector<16xf32>,
        %mul3A_1066 = arith.mulf %get3A_1065, %get3A_283 : vector<16xf32>
        %add3A_1067 = arith.addf %mul3A_1060, %mul3A_1066 : vector<16xf32>
        %add3A_1068 = arith.constant 32 : i32
        %add3A_1069 = arith.addi %select_n3A_1054, %add3A_1068 : i32
        %get3A_1070 = arith.index_cast %add3A_1047 : i32 to index
        %get3A_1071 = arith.index_cast %add3A_1069 : i32 to index
        %get3A_1072 = tpu.vector_load %arg20[%get3A_1070, %get3A_1071] {strides = array<i32>} : memref<320x128xf32, #tpu.memory_space<vmem>>, vector<16xf32>,
        %mul3A_1073 = arith.mulf %get3A_1072, %get3A_288 : vector<16xf32>
        %add3A_1074 = arith.addf %add3A_1067, %mul3A_1073 : vector<16xf32>
        %add3A_1075 = arith.constant 48 : i32
        %add3A_1076 = arith.addi %select_n3A_1054, %add3A_1075 : i32
        %get3A_1077 = arith.index_cast %add3A_1047 : i32 to index
        %get3A_1078 = arith.index_cast %add3A_1076 : i32 to index
        %get3A_1079 = tpu.vector_load %arg20[%get3A_1077, %get3A_1078] {strides = array<i32>} : memref<320x128xf32, #tpu.memory_space<vmem>>, vector<16xf32>,
        %mul3A_1080 = arith.mulf %get3A_1079, %get3A_293 : vector<16xf32>
        %add3A_1081 = arith.addf %add3A_1074, %mul3A_1080 : vector<16xf32>
        %broadcast_in_dim3A_1082 = arith.constant true
        %broadcast_in_dim3A_1083 = vector.broadcast %broadcast_in_dim3A_1082 : i1 to vector<16xi1>
        %masked_cumsum3A_1084 = tpu.scan <sum>, %add3A_1081 masked %broadcast_in_dim3A_1083 : vector<16xf32>, vector<16xi1> -> vector<16xf32>
        %broadcast_in_dim3A_1085 = vector.broadcast %add3A_1056 : i32 to vector<16xi32>
        tpu.vector_store_idx %arg22[%broadcast_in_dim3A_1085], %masked_cumsum3A_1084 masked %eq3A_2 : memref<10240xf32, #tpu.memory_space<vmem>>[vector<16xi32>], vector<16xf32>, vector<16xi1>
        %slice3A_1086 = vector.extract_strided_slice %get3A_337 {offsets = [13], sizes = [1], strides = [1]} : vector<16xi32> to vector<1xi32>
        %squeeze3A_1087 = vector.extract %slice3A_1086[0] : i32 from vector<1xi32>
        %mul3A_1088 = arith.constant 20 : i32
        %mul3A_1089 = arith.muli %scan3A_266, %mul3A_1088 : i32
        %add3A_1090 = arith.constant 17 : i32
        %add3A_1091 = arith.addi %mul3A_1089, %add3A_1090 : i32
        %and3A_1092 = arith.constant 16384 : i32
        %and3A_1093 = arith.andi %squeeze3A_1087, %and3A_1092 : i32
        %ne3A_1094 = arith.constant 0 : i32
        %ne3A_1095 = arith.cmpi ne, %and3A_1093, %ne3A_1094 : i32
        %jit3A_1096 = arith.constant 64 : i32
        %jit3A_1097 = arith.constant 0 : i32
        %select_n3A_1098 = arith.select %ne3A_1095, %jit3A_1096, %jit3A_1097 : i32
        %add3A_1099 = arith.constant 17 : i32
        %add3A_1100 = arith.addi %mul3A_331, %add3A_1099 : i32
        %get3A_1101 = arith.index_cast %add3A_1091 : i32 to index
        %get3A_1102 = arith.index_cast %select_n3A_1098 : i32 to index
        %get3A_1103 = tpu.vector_load %arg20[%get3A_1101, %get3A_1102] {strides = array<i32>} : memref<320x128xf32, #tpu.memory_space<vmem>>, vector<16xf32>,
        %mul3A_1104 = arith.mulf %get3A_1103, %get3A_278 : vector<16xf32>
        %add3A_1105 = arith.constant 16 : i32
        %add3A_1106 = arith.addi %select_n3A_1098, %add3A_1105 : i32
        %get3A_1107 = arith.index_cast %add3A_1091 : i32 to index
        %get3A_1108 = arith.index_cast %add3A_1106 : i32 to index
        %get3A_1109 = tpu.vector_load %arg20[%get3A_1107, %get3A_1108] {strides = array<i32>} : memref<320x128xf32, #tpu.memory_space<vmem>>, vector<16xf32>,
        %mul3A_1110 = arith.mulf %get3A_1109, %get3A_283 : vector<16xf32>
        %add3A_1111 = arith.addf %mul3A_1104, %mul3A_1110 : vector<16xf32>
        %add3A_1112 = arith.constant 32 : i32
        %add3A_1113 = arith.addi %select_n3A_1098, %add3A_1112 : i32
        %get3A_1114 = arith.index_cast %add3A_1091 : i32 to index
        %get3A_1115 = arith.index_cast %add3A_1113 : i32 to index
        %get3A_1116 = tpu.vector_load %arg20[%get3A_1114, %get3A_1115] {strides = array<i32>} : memref<320x128xf32, #tpu.memory_space<vmem>>, vector<16xf32>,
        %mul3A_1117 = arith.mulf %get3A_1116, %get3A_288 : vector<16xf32>
        %add3A_1118 = arith.addf %add3A_1111, %mul3A_1117 : vector<16xf32>
        %add3A_1119 = arith.constant 48 : i32
        %add3A_1120 = arith.addi %select_n3A_1098, %add3A_1119 : i32
        %get3A_1121 = arith.index_cast %add3A_1091 : i32 to index
        %get3A_1122 = arith.index_cast %add3A_1120 : i32 to index
        %get3A_1123 = tpu.vector_load %arg20[%get3A_1121, %get3A_1122] {strides = array<i32>} : memref<320x128xf32, #tpu.memory_space<vmem>>, vector<16xf32>,
        %mul3A_1124 = arith.mulf %get3A_1123, %get3A_293 : vector<16xf32>
        %add3A_1125 = arith.addf %add3A_1118, %mul3A_1124 : vector<16xf32>
        %broadcast_in_dim3A_1126 = arith.constant true
        %broadcast_in_dim3A_1127 = vector.broadcast %broadcast_in_dim3A_1126 : i1 to vector<16xi1>
        %masked_cumsum3A_1128 = tpu.scan <sum>, %add3A_1125 masked %broadcast_in_dim3A_1127 : vector<16xf32>, vector<16xi1> -> vector<16xf32>
        %broadcast_in_dim3A_1129 = vector.broadcast %add3A_1100 : i32 to vector<16xi32>
        tpu.vector_store_idx %arg22[%broadcast_in_dim3A_1129], %masked_cumsum3A_1128 masked %eq3A_2 : memref<10240xf32, #tpu.memory_space<vmem>>[vector<16xi32>], vector<16xf32>, vector<16xi1>
        %slice3A_1130 = vector.extract_strided_slice %get3A_337 {offsets = [14], sizes = [1], strides = [1]} : vector<16xi32> to vector<1xi32>
        %squeeze3A_1131 = vector.extract %slice3A_1130[0] : i32 from vector<1xi32>
        %mul3A_1132 = arith.constant 20 : i32
        %mul3A_1133 = arith.muli %scan3A_266, %mul3A_1132 : i32
        %add3A_1134 = arith.constant 18 : i32
        %add3A_1135 = arith.addi %mul3A_1133, %add3A_1134 : i32
        %and3A_1136 = arith.constant 16384 : i32
        %and3A_1137 = arith.andi %squeeze3A_1131, %and3A_1136 : i32
        %ne3A_1138 = arith.constant 0 : i32
        %ne3A_1139 = arith.cmpi ne, %and3A_1137, %ne3A_1138 : i32
        %jit3A_1140 = arith.constant 64 : i32
        %jit3A_1141 = arith.constant 0 : i32
        %select_n3A_1142 = arith.select %ne3A_1139, %jit3A_1140, %jit3A_1141 : i32
        %add3A_1143 = arith.constant 18 : i32
        %add3A_1144 = arith.addi %mul3A_331, %add3A_1143 : i32
        %get3A_1145 = arith.index_cast %add3A_1135 : i32 to index
        %get3A_1146 = arith.index_cast %select_n3A_1142 : i32 to index
        %get3A_1147 = tpu.vector_load %arg20[%get3A_1145, %get3A_1146] {strides = array<i32>} : memref<320x128xf32, #tpu.memory_space<vmem>>, vector<16xf32>,
        %mul3A_1148 = arith.mulf %get3A_1147, %get3A_278 : vector<16xf32>
        %add3A_1149 = arith.constant 16 : i32
        %add3A_1150 = arith.addi %select_n3A_1142, %add3A_1149 : i32
        %get3A_1151 = arith.index_cast %add3A_1135 : i32 to index
        %get3A_1152 = arith.index_cast %add3A_1150 : i32 to index
        %get3A_1153 = tpu.vector_load %arg20[%get3A_1151, %get3A_1152] {strides = array<i32>} : memref<320x128xf32, #tpu.memory_space<vmem>>, vector<16xf32>,
        %mul3A_1154 = arith.mulf %get3A_1153, %get3A_283 : vector<16xf32>
        %add3A_1155 = arith.addf %mul3A_1148, %mul3A_1154 : vector<16xf32>
        %add3A_1156 = arith.constant 32 : i32
        %add3A_1157 = arith.addi %select_n3A_1142, %add3A_1156 : i32
        %get3A_1158 = arith.index_cast %add3A_1135 : i32 to index
        %get3A_1159 = arith.index_cast %add3A_1157 : i32 to index
        %get3A_1160 = tpu.vector_load %arg20[%get3A_1158, %get3A_1159] {strides = array<i32>} : memref<320x128xf32, #tpu.memory_space<vmem>>, vector<16xf32>,
        %mul3A_1161 = arith.mulf %get3A_1160, %get3A_288 : vector<16xf32>
        %add3A_1162 = arith.addf %add3A_1155, %mul3A_1161 : vector<16xf32>
        %add3A_1163 = arith.constant 48 : i32
        %add3A_1164 = arith.addi %select_n3A_1142, %add3A_1163 : i32
        %get3A_1165 = arith.index_cast %add3A_1135 : i32 to index
        %get3A_1166 = arith.index_cast %add3A_1164 : i32 to index
        %get3A_1167 = tpu.vector_load %arg20[%get3A_1165, %get3A_1166] {strides = array<i32>} : memref<320x128xf32, #tpu.memory_space<vmem>>, vector<16xf32>,
        %mul3A_1168 = arith.mulf %get3A_1167, %get3A_293 : vector<16xf32>
        %add3A_1169 = arith.addf %add3A_1162, %mul3A_1168 : vector<16xf32>
        %broadcast_in_dim3A_1170 = arith.constant true
        %broadcast_in_dim3A_1171 = vector.broadcast %broadcast_in_dim3A_1170 : i1 to vector<16xi1>
        %masked_cumsum3A_1172 = tpu.scan <sum>, %add3A_1169 masked %broadcast_in_dim3A_1171 : vector<16xf32>, vector<16xi1> -> vector<16xf32>
        %broadcast_in_dim3A_1173 = vector.broadcast %add3A_1144 : i32 to vector<16xi32>
        tpu.vector_store_idx %arg22[%broadcast_in_dim3A_1173], %masked_cumsum3A_1172 masked %eq3A_2 : memref<10240xf32, #tpu.memory_space<vmem>>[vector<16xi32>], vector<16xf32>, vector<16xi1>
        %slice3A_1174 = vector.extract_strided_slice %get3A_337 {offsets = [15], sizes = [1], strides = [1]} : vector<16xi32> to vector<1xi32>
        %squeeze3A_1175 = vector.extract %slice3A_1174[0] : i32 from vector<1xi32>
        %mul3A_1176 = arith.constant 20 : i32
        %mul3A_1177 = arith.muli %scan3A_266, %mul3A_1176 : i32
        %add3A_1178 = arith.constant 19 : i32
        %add3A_1179 = arith.addi %mul3A_1177, %add3A_1178 : i32
        %and3A_1180 = arith.constant 16384 : i32
        %and3A_1181 = arith.andi %squeeze3A_1175, %and3A_1180 : i32
        %ne3A_1182 = arith.constant 0 : i32
        %ne3A_1183 = arith.cmpi ne, %and3A_1181, %ne3A_1182 : i32
        %jit3A_1184 = arith.constant 64 : i32
        %jit3A_1185 = arith.constant 0 : i32
        %select_n3A_1186 = arith.select %ne3A_1183, %jit3A_1184, %jit3A_1185 : i32
        %add3A_1187 = arith.constant 19 : i32
        %add3A_1188 = arith.addi %mul3A_331, %add3A_1187 : i32
        %get3A_1189 = arith.index_cast %add3A_1179 : i32 to index
        %get3A_1190 = arith.index_cast %select_n3A_1186 : i32 to index
        %get3A_1191 = tpu.vector_load %arg20[%get3A_1189, %get3A_1190] {strides = array<i32>} : memref<320x128xf32, #tpu.memory_space<vmem>>, vector<16xf32>,
        %mul3A_1192 = arith.mulf %get3A_1191, %get3A_278 : vector<16xf32>
        %add3A_1193 = arith.constant 16 : i32
        %add3A_1194 = arith.addi %select_n3A_1186, %add3A_1193 : i32
        %get3A_1195 = arith.index_cast %add3A_1179 : i32 to index
        %get3A_1196 = arith.index_cast %add3A_1194 : i32 to index
        %get3A_1197 = tpu.vector_load %arg20[%get3A_1195, %get3A_1196] {strides = array<i32>} : memref<320x128xf32, #tpu.memory_space<vmem>>, vector<16xf32>,
        %mul3A_1198 = arith.mulf %get3A_1197, %get3A_283 : vector<16xf32>
        %add3A_1199 = arith.addf %mul3A_1192, %mul3A_1198 : vector<16xf32>
        %add3A_1200 = arith.constant 32 : i32
        %add3A_1201 = arith.addi %select_n3A_1186, %add3A_1200 : i32
        %get3A_1202 = arith.index_cast %add3A_1179 : i32 to index
        %get3A_1203 = arith.index_cast %add3A_1201 : i32 to index
        %get3A_1204 = tpu.vector_load %arg20[%get3A_1202, %get3A_1203] {strides = array<i32>} : memref<320x128xf32, #tpu.memory_space<vmem>>, vector<16xf32>,
        %mul3A_1205 = arith.mulf %get3A_1204, %get3A_288 : vector<16xf32>
        %add3A_1206 = arith.addf %add3A_1199, %mul3A_1205 : vector<16xf32>
        %add3A_1207 = arith.constant 48 : i32
        %add3A_1208 = arith.addi %select_n3A_1186, %add3A_1207 : i32
        %get3A_1209 = arith.index_cast %add3A_1179 : i32 to index
        %get3A_1210 = arith.index_cast %add3A_1208 : i32 to index
        %get3A_1211 = tpu.vector_load %arg20[%get3A_1209, %get3A_1210] {strides = array<i32>} : memref<320x128xf32, #tpu.memory_space<vmem>>, vector<16xf32>,
        %mul3A_1212 = arith.mulf %get3A_1211, %get3A_293 : vector<16xf32>
        %add3A_1213 = arith.addf %add3A_1206, %mul3A_1212 : vector<16xf32>
        %broadcast_in_dim3A_1214 = arith.constant true
        %broadcast_in_dim3A_1215 = vector.broadcast %broadcast_in_dim3A_1214 : i1 to vector<16xi1>
        %masked_cumsum3A_1216 = tpu.scan <sum>, %add3A_1213 masked %broadcast_in_dim3A_1215 : vector<16xf32>, vector<16xi1> -> vector<16xf32>
        %broadcast_in_dim3A_1217 = vector.broadcast %add3A_1188 : i32 to vector<16xi32>
        tpu.vector_store_idx %arg22[%broadcast_in_dim3A_1217], %masked_cumsum3A_1216 masked %eq3A_2 : memref<10240xf32, #tpu.memory_space<vmem>>[vector<16xi32>], vector<16xf32>, vector<16xi1>
      }
      %scan3A_265 = arith.constant 16 : i32
    }
    %scan3A_68 = arith.constant 16 : i32
    %scan3A_69 = arith.constant 0 : i32
    %scan3A_70 = arith.constant 0 : i32
    %scan3A_71 = arith.constant 32 : i32
    %scan3A_72 = arith.addi %scan3A_70, %scan3A_71 : i32
    %scan3A_73 = arith.constant 1 : i32
    scf.for %scan3A_81 = %scan3A_70 to %scan3A_72 step %scan3A_73  : i32 {
      %mul3A_82 = arith.constant 16 : i32
      %mul3A_83 = arith.muli %scan3A_81, %mul3A_82 : i32
      %get3A = arith.index_cast %mul3A_83 : i32 to index
      %get3A_84 = tpu.vector_load %arg21[%get3A] {strides = array<i32>} : memref<512xf32, #tpu.memory_space<vmem>>, vector<16xf32>,
      %neg3A = arith.constant 0.000000e+00 : f32
      %neg3A_85 = vector.broadcast %neg3A : f32 to vector<16xf32>
      %neg3A_86 = arith.subf %neg3A_85, %get3A_84 : vector<16xf32>
      %exp3A = math.exp %neg3A_86 : vector<16xf32>
      %add3A_87 = arith.constant 1.000000e+00 : f32
      %add3A_88 = vector.broadcast %add3A_87 : f32 to vector<16xf32>
      %add3A_89 = arith.addf %add3A_88, %exp3A : vector<16xf32>
      %div3A = arith.constant 1.000000e+00 : f32
      %div3A_90 = vector.broadcast %div3A : f32 to vector<16xf32>
      %div3A_91 = arith.divf %div3A_90, %add3A_89 : vector<16xf32>
      %mul3A_92 = arith.constant 16 : i32
      %mul3A_93 = arith.muli %scan3A_81, %mul3A_92 : i32
      %swap3A = arith.index_cast %mul3A_93 : i32 to index
      %swap3A_94 = tpu.vector_load %arg21[%swap3A] {strides = array<i32>} : memref<512xf32, #tpu.memory_space<vmem>>, vector<16xf32>,
      tpu.vector_store %arg21[%swap3A], %div3A_91 {strides = array<i32>} : memref<512xf32, #tpu.memory_space<vmem>>, vector<16xf32>,
    }
    %scan3A_74 = arith.constant 32 : i32
    %scan3A_75 = arith.constant 0 : i32
    %scan3A_76 = arith.constant 0 : i32
    %scan3A_77 = arith.constant 640 : i32
    %scan3A_78 = arith.addi %scan3A_76, %scan3A_77 : i32
    %scan3A_79 = arith.constant 1 : i32
    scf.for %scan3A_81 = %scan3A_76 to %scan3A_78 step %scan3A_79  : i32 {
      %mul3A_82 = arith.constant 16 : i32
      %mul3A_83 = arith.muli %scan3A_81, %mul3A_82 : i32
      %get3A = arith.index_cast %mul3A_83 : i32 to index
      %get3A_84 = tpu.vector_load %arg22[%get3A] {strides = array<i32>} : memref<10240xf32, #tpu.memory_space<vmem>>, vector<16xf32>,
      %exp3A = math.exp %get3A_84 : vector<16xf32>
      %add3A_85 = arith.constant 1.000000e+00 : f32
      %add3A_86 = vector.broadcast %add3A_85 : f32 to vector<16xf32>
      %add3A_87 = arith.addf %add3A_86, %exp3A : vector<16xf32>
      %div3A = arith.constant 1.000000e+00 : f32
      %div3A_88 = vector.broadcast %div3A : f32 to vector<16xf32>
      %div3A_89 = arith.divf %div3A_88, %add3A_87 : vector<16xf32>
      %mul3A_90 = arith.constant 16 : i32
      %mul3A_91 = arith.muli %scan3A_81, %mul3A_90 : i32
      %swap3A = arith.index_cast %mul3A_91 : i32 to index
      %swap3A_92 = tpu.vector_load %arg22[%swap3A] {strides = array<i32>} : memref<10240xf32, #tpu.memory_space<vmem>>, vector<16xf32>,
      tpu.vector_store %arg22[%swap3A], %div3A_89 {strides = array<i32>} : memref<10240xf32, #tpu.memory_space<vmem>>, vector<16xf32>,
    }
    %scan3A_80 = arith.constant 640 : i32
    "tpu.region"() ({
      %run_scoped3A = tpu.sem_alloc : memref<!tpu.dma_semaphore, #tpu.memory_space<semaphore_mem>>
      %dma_start3A_81 = arith.constant 0 : i32
      %dma_start3A_82 = tpu.memref_slice %arg7[%add3A, %dma_start3A_81] : memref<32x512xf32, #tpu.memory_space<hbm>> -> memref<1x512xf32, #tpu.memory_space<hbm>>
      %dma_start3A_83 = tpu.memref_squeeze %dma_start3A_82 : memref<1x512xf32, #tpu.memory_space<hbm>> -> memref<512xf32, #tpu.memory_space<hbm>>
      %dma_start3A_84 = arith.constant 0 : i32
      %dma_start3A_85 = tpu.memref_slice %arg7[%add3A, %dma_start3A_84] : memref<32x512xf32, #tpu.memory_space<hbm>> -> memref<1x512xf32, #tpu.memory_space<hbm>>
      %dma_start3A_86 = tpu.memref_squeeze %dma_start3A_85 : memref<1x512xf32, #tpu.memory_space<hbm>> -> memref<512xf32, #tpu.memory_space<hbm>>
      tpu.enqueue_dma source(%arg21 : memref<512xf32, #tpu.memory_space<vmem>>) target(%dma_start3A_86 : memref<512xf32, #tpu.memory_space<hbm>>) target_semaphore(%run_scoped3A : memref<!tpu.dma_semaphore, #tpu.memory_space<semaphore_mem>>)
      %dma_wait3A = arith.constant 0 : i32
      %dma_wait3A_87 = tpu.memref_slice %arg7[%add3A, %dma_wait3A] : memref<32x512xf32, #tpu.memory_space<hbm>> -> memref<1x512xf32, #tpu.memory_space<hbm>>
      %dma_wait3A_88 = tpu.memref_squeeze %dma_wait3A_87 : memref<1x512xf32, #tpu.memory_space<hbm>> -> memref<512xf32, #tpu.memory_space<hbm>>
      %dma_wait3A_89 = arith.constant 0 : i32
      %dma_wait3A_90 = tpu.memref_slice %arg7[%add3A, %dma_wait3A_89] : memref<32x512xf32, #tpu.memory_space<hbm>> -> memref<1x512xf32, #tpu.memory_space<hbm>>
      %dma_wait3A_91 = tpu.memref_squeeze %dma_wait3A_90 : memref<1x512xf32, #tpu.memory_space<hbm>> -> memref<512xf32, #tpu.memory_space<hbm>>
      tpu.wait_dma2 semaphore(%run_scoped3A : memref<!tpu.dma_semaphore, #tpu.memory_space<semaphore_mem>>) src(%arg21 : memref<512xf32, #tpu.memory_space<vmem>>) dst(%dma_wait3A_91 : memref<512xf32, #tpu.memory_space<hbm>>)
      tpu.yield
    }) : () -> ()
    "tpu.region"() ({
      %run_scoped3A = tpu.sem_alloc : memref<!tpu.dma_semaphore, #tpu.memory_space<semaphore_mem>>
      %dma_start3A_81 = arith.constant 0 : i32
      %dma_start3A_82 = tpu.memref_slice %arg8[%add3A, %dma_start3A_81] : memref<32x10240xf32, #tpu.memory_space<hbm>> -> memref<1x10240xf32, #tpu.memory_space<hbm>>
      %dma_start3A_83 = tpu.memref_squeeze %dma_start3A_82 : memref<1x10240xf32, #tpu.memory_space<hbm>> -> memref<10240xf32, #tpu.memory_space<hbm>>
      %dma_start3A_84 = arith.constant 0 : i32
      %dma_start3A_85 = tpu.memref_slice %arg8[%add3A, %dma_start3A_84] : memref<32x10240xf32, #tpu.memory_space<hbm>> -> memref<1x10240xf32, #tpu.memory_space<hbm>>
      %dma_start3A_86 = tpu.memref_squeeze %dma_start3A_85 : memref<1x10240xf32, #tpu.memory_space<hbm>> -> memref<10240xf32, #tpu.memory_space<hbm>>
      tpu.enqueue_dma source(%arg22 : memref<10240xf32, #tpu.memory_space<vmem>>) target(%dma_start3A_86 : memref<10240xf32, #tpu.memory_space<hbm>>) target_semaphore(%run_scoped3A : memref<!tpu.dma_semaphore, #tpu.memory_space<semaphore_mem>>)
      %dma_wait3A = arith.constant 0 : i32
      %dma_wait3A_87 = tpu.memref_slice %arg8[%add3A, %dma_wait3A] : memref<32x10240xf32, #tpu.memory_space<hbm>> -> memref<1x10240xf32, #tpu.memory_space<hbm>>
      %dma_wait3A_88 = tpu.memref_squeeze %dma_wait3A_87 : memref<1x10240xf32, #tpu.memory_space<hbm>> -> memref<10240xf32, #tpu.memory_space<hbm>>
      %dma_wait3A_89 = arith.constant 0 : i32
      %dma_wait3A_90 = tpu.memref_slice %arg8[%add3A, %dma_wait3A_89] : memref<32x10240xf32, #tpu.memory_space<hbm>> -> memref<1x10240xf32, #tpu.memory_space<hbm>>
      %dma_wait3A_91 = tpu.memref_squeeze %dma_wait3A_90 : memref<1x10240xf32, #tpu.memory_space<hbm>> -> memref<10240xf32, #tpu.memory_space<hbm>>
      tpu.wait_dma2 semaphore(%run_scoped3A : memref<!tpu.dma_semaphore, #tpu.memory_space<semaphore_mem>>) src(%arg22 : memref<10240xf32, #tpu.memory_space<vmem>>) dst(%dma_wait3A_91 : memref<10240xf32, #tpu.memory_space<hbm>>)
      tpu.yield
    }) : () -> ()
    return
  }
}

</mosaic_0001>

<sc_bundles>
// kernel: _sgns.3.cloned.1.call-start
scs
__scs_entry_jumppad:
0x0: {  	(pc) =	sbr.rel $0x88, $3  }
0x1: {  	(tag) =	ssettag $0x0;
	lr =	simm.s32 $0x1  }
0x2: {  	[smem:$0x3F9C] =	sst lr;
	_ =	strace $0xD0000000  }
0x3: {  	_ = 	snop  }
0x4: {  	_ = 	snop  }
0x5: {  	_ = 	snop  }
0x6: {  	_ = 	snop  }
0x7: {  	_ = 	snop  }
__scs_overlays_trampoline_lowered:
0x8: {  	[smem:$0x3FAB] =	sst s0  }
0x9: {  	[smem:$0x3FAC] =	sst s1  }
0xa: {  	[smem:$0x3FAD] =	sst s2  }
0xb: {  	[smem:$0x3FAE] =	sst s3  }
0xc: {  	[smem:$0x3FAF] =	sst s4  }
0xd: {  	[smem:$0x3FB0] =	sst s5  }
0xe: {  	[smem:$0x3FB1] =	sst s6  }
0xf: {  	[smem:$0x3FB2] =	sst s7  }
0x10: {  	[smem:$0x3FB3] =	sst s8  }
0x11: {  	[smem:$0x3FB4] =	sst s9;
	s0 =	simm.s32 @!p0 $0x0  }
0x12: {  	s1 =	sld [smem:$0x3F9A];
	s0 =	simm.s32 @p0 $0x1  }
0x13: {  	[smem:$0x3FB5] =	sst s0;
	s0 =	simm.s32 @!p1 $0x0  }
0x14: {  	s2 =	sld [smem:$0x3F99];
	s0 =	simm.s32 @p1 $0x1  }
0x15: {  	[smem:$0x3FB6] =	sst s0;
	s0 =	simm.s32 @!p2 $0x0  }
0x16: {  	s3 =	sld [smem:$0x3FDB];
	s0 =	simm.s32 @p2 $0x1  }
0x17: {  	s4 =	simm.s32 $0x1BF5;
	[smem:$0x3FB8] =	sst s0  }
0x18: {  	s0 =	sld [smem:$0x3F9B];
	_ =	swait.ge [sflag:s4], $0x0  }
0x19: {  	s7 =	sld [smem:$0x3F9C]  }
0x1a: {  	s8 =	sadd.s32 $0xFFFFE003, lr  }
0x1b: {  	s9 =	sadd.s32 $0xFFFFFEF7, lr;
	s5 =	simm.s32 $0xFFFFFFFF;
	p2 =	slt.u32 s8, $0xFFFFF086  }
0x1c: {  	p1 =	slt.u32 s9, $0xF7A;
	s5 =	simm.s32 @!p2 $0x0  }
0x1d: {  	s5 =	simm.s32 @p1 $0x1;
	p0 =	seq.s32 s7, s2  }
0x1e: {  	s7 =	smul.u32 @!p0 $0xF7A, s2;
	p2 =	seq.s32 @!p0 s5, $0x0  }
0x1f: {  	s9 =	smul.u32 $0xF7A, s1;
	s8 =	simm.s32 @!p0 $0x1BF5;
	p2 =	por !p2, p0  }
0x20: {  	[sflag:s8] =	ssyncset.s32 @!p0 $0xFFFFF086;
	s6 =	sadd.s32 @!p0 s3, s7;
	s7 =	simm.s32 @!p0 $0x108  }
0x21: {  	s3 =	sadd.s32 s3, s9;
	s6 =	sadd.s32 @!p0 $0x88, s6;
	s7 =	simm.s32 @p2 $0x1082  }
0x22: {  	[simem:s7], [sflag:s8] =	dma.local @!p0 [hbm:s6], $0xF7A  }
0x23: {  	s9 =	sor.u32 $0xD0000000, s2;
	s6 =	simm.s32 $0x108;
	_ =	swait.ge @!p0 [sflag:s8], $0x0  }
0x24: {  	s3 =	sadd.s32 $0x88, s3;
	s6 =	simm.s32 @!p1 $0x1082;
	[sflag:s4] =	ssyncset.s32 $0xFFFFF086  }
0x25: {  	[simem:s6], [sflag:s4] =	dma.local [hbm:s3], $0xF7A  }
0x26: {  	[smem:$0x3F9C] =	sst s1;
	(tag) =	ssettag s2;
	_ =	strace s9  }
0x27: {  	s1 =	sld [smem:$0x3FAC]  }
0x28: {  	s2 =	sld [smem:$0x3FAD]  }
0x29: {  	s4 =	sld [smem:$0x3FAF]  }
0x2a: {  	p0 =	seq.s32 s5, $0x0;
	s5 =	sld [smem:$0x3FB0]  }
0x2b: {  	s6 =	sld [smem:$0x3FB1]  }
0x2c: {  	s7 =	sld [smem:$0x3FB2]  }
0x2d: {  	s3 =	simm.s32 $0x108;
	s8 =	sld [smem:$0x3FB3]  }
0x2e: {  	s3 =	simm.s32 @!p0 $0x1082;
	s9 =	sld [smem:$0x3FB4]  }
0x2f: {  	lr =	sadd.s32 s0, s3;
	s0 =	sld [smem:$0x3FAB]  }
0x30: {  	s3 =	sld [smem:$0x3FAE]  }
0x31: {  	[smem:$0x3FB7] =	sst s10  }
0x32: {  	s10 =	sld [smem:$0x3FB5];
	_ =	sdelay $0x3  }
0x33: {  	p0 =	seq.s32 s10, $0x1;
	s10 =	sld [smem:$0x3FB7];
	_ =	sdelay $0x3  }
0x34: {  	[smem:$0x3FB7] =	sst s10  }
0x35: {  	s10 =	sld [smem:$0x3FB6];
	_ =	sdelay $0x3  }
0x36: {  	p1 =	seq.s32 s10, $0x1;
	s10 =	sld [smem:$0x3FB7];
	_ =	sdelay $0x3  }
0x37: {  	[smem:$0x3FB7] =	sst s10  }
0x38: {  	s10 =	sld [smem:$0x3FB8]  }
0x39: {  	_ = 	snop;
	(pc) =	sbr.ind lr, $3  }
0x3a: {  	_ = 	snop  }
0x3b: {  	_ = 	snop  }
0x3c: {  	p2 =	seq.s32 s10, $0x1;
	s10 =	sld [smem:$0x3FB7]  }
0x3d: {  	_ =	shalt  }
0x3e: {  	_ =	shalt  }
0x3f: {  	_ =	shalt  }
0x40: {  	_ =	shalt  }
0x41: {  	_ =	shalt  }
0x42: {  	_ =	shalt  }
0x43: {  	_ =	shalt  }
0x44: {  	_ =	shalt  }
0x45: {  	_ =	shalt  }
0x46: {  	_ =	shalt  }
0x47: {  	_ =	shalt  }
0x48: {  	_ =	shalt  }
0x49: {  	_ =	shalt  }
0x4a: {  	_ =	shalt  }
0x4b: {  	_ =	shalt  }
0x4c: {  	_ =	shalt  }
0x4d: {  	_ =	shalt  }
0x4e: {  	_ =	shalt  }
0x4f: {  	_ =	shalt  }
0x50: {  	_ =	shalt  }
0x51: {  	_ =	shalt  }
0x52: {  	_ =	shalt  }
0x53: {  	_ =	shalt  }
0x54: {  	_ =	shalt  }
0x55: {  	_ =	shalt  }
0x56: {  	_ =	shalt  }
0x57: {  	_ =	shalt  }
0x58: {  	_ =	shalt  }
0x59: {  	_ =	shalt  }
0x5a: {  	_ =	shalt  }
0x5b: {  	_ =	shalt  }
0x5c: {  	_ =	shalt  }
0x5d: {  	_ =	shalt  }
0x5e: {  	_ =	shalt  }
0x5f: {  	_ =	shalt  }
0x60: {  	_ =	shalt  }
0x61: {  	_ =	shalt  }
0x62: {  	_ =	shalt  }
0x63: {  	_ =	shalt  }
0x64: {  	_ =	shalt  }
0x65: {  	_ =	shalt  }
0x66: {  	_ =	shalt  }
0x67: {  	_ =	shalt  }
0x68: {  	_ =	shalt  }
0x69: {  	_ =	shalt  }
0x6a: {  	_ =	shalt  }
0x6b: {  	_ =	shalt  }
0x6c: {  	_ =	shalt  }
0x6d: {  	_ =	shalt  }
0x6e: {  	_ =	shalt  }
0x6f: {  	_ =	shalt  }
0x70: {  	_ =	shalt  }
0x71: {  	_ =	shalt  }
0x72: {  	_ =	shalt  }
0x73: {  	_ =	shalt  }
0x74: {  	_ =	shalt  }
0x75: {  	_ =	shalt  }
0x76: {  	_ =	shalt  }
0x77: {  	_ =	shalt  }
0x78: {  	_ =	shalt  }
0x79: {  	_ =	shalt  }
0x7a: {  	_ =	shalt  }
0x7b: {  	_ =	shalt  }
0x7c: {  	_ =	shalt  }
0x7d: {  	_ =	shalt  }
0x7e: {  	_ =	shalt  }
0x7f: {  	_ =	shalt  }
0x80: {  	_ =	shalt  }
0x81: {  	_ =	shalt  }
0x82: {  	_ =	shalt  }
0x83: {  	_ =	shalt  }
0x84: {  	_ =	shalt  }
0x85: {  	_ =	shalt  }
0x86: {  	_ =	shalt  }
0x87: {  	_ =	shalt  }
.Lfunc_end0:
.L_simem_size_0:
called_computation_lowered:
.L_overlay_start_0:
0x88: {  	s2 =	sld [smem:$0x3FD9]  }
0x89: {  	s3 =	sld [smem:$0x3FFE];
	_ =	sdelay $0x1  }
0x8a: {  	s1 =	srdreg.scid  }
0x8b: {  	s0 =	sand.u32 $0x1, s1  }
0x8c: {  	s15 =	sshll.u32 s0, $0xA;
	s2 =	sadd.s32 s3, s2  }
0x8d: {  	s2 =	sadd.s32 s2, s15  }
0x8e: {  	[smem:$0x3FC3] =	sst s2  }
0x8f: {  	_ = 	snop  }
0x90: {  	s2 =	sld [smem:$0x3FC9]  }
0x91: {  	s16 =	sld [smem:$0x3FC8]  }
0x92: {  	s4 =	sld [smem:$0x3FD0]  }
0x93: {  	s5 =	sld [smem:$0x3FC7]  }
0x94: {  	s6 =	sld [smem:$0x3FC6]  }
0x95: {  	s8 =	simm.s32 $0xA;
	s9 =	simm.s32 $0x10;
	s7 =	sld [smem:$0x3FC5]  }
0x96: {  	[smem:s9], [sflag:s8] =	dma.local [hbm:s4], $0x1  }
0x97: {  	_ =	swait.eq [sflag:s8], $0x1  }
0x98: {  	[sflag:s8] =	ssyncset.done $0x0  }
0x99: {  	s17 =	sld [smem:$0x10];
	[sflag:s8] =	ssyncadd.s32 $0xFFFFFFFF  }
0x9a: {  	s18 =	sld [smem:$0x11];
	(tm) =	ssettm $0x1  }
0x9b: {  	s19 =	sld [smem:$0x3FFB];
	_ =	sdelay $0x3  }
0x9c: {  	_ =	strace s19  }
0x9d: {  	s9 =	sld [smem:$0x3FFC];
	_ =	sdelay $0x3  }
0x9e: {  	_ =	strace s9  }
0x9f: {  	s9 =	sld [smem:$0x3FFD];
	_ =	sdelay $0x3  }
0xa0: {  	_ =	strace s9  }
0xa1: {  	_ =	strace $0x8FFFFFFF  }
0xa2: {  	s20 =	sld [smem:$0x3FDB];
	_ =	sdelay $0x1  }
0xa3: {  	s10 =	simm.s32 $_scs_section_size  }
0xa4: {  	s11 =	simm.s32 $_size__tile_overlayer_lowered;
	s12 =	simm.s32 $_tile_overlayer_lowered  }
0xa5: {  	s23 =	simm.s32 $0x1BFF;
	s22 =	sshll.u32 s12, $0x1;
	s9 =	sadd.s32 s10, s20  }
0xa6: {  	s13 =	simm.s32 $0x0;
	s21 =	sshll.u32 s11, $0x1;
	s11 =	sadd.s32 s22, s9  }
0xa7: {  	[timem:s13], [sflag:s23] =	dma.local [hbm:s11], s21  }
0xa8: {  	_ =	swait.ge [sflag:s23], s21  }
0xa9: {  	s10 =	ssub.s32 $0x0, s21;
	[sflag:s23] =	ssyncset.done $0x0  }
0xaa: {  	[sflag:s23] =	ssyncadd.s32 s10;
	_ =	sdelay $0x1  }
0xab: {  	s24 =	simm.s32 $0x1B8B  }
0xac: {  	_ =	swait.ge [sflag:s24], $0x1  }
0xad: {  	[sflag:s24] =	ssyncset.done $0x0  }
0xae: {  	s25 =	simm.s32 $0x1B8E;
	[sflag:s24] =	ssyncadd.s32 $0xFFFFFFFF  }
0xaf: {  	s26 =	simm.s32 $execute0_lowered;
	[smem:$0x3FD2] =	sst s25  }
0xb0: {  	s10 =	sshll.u32 s26, $0x1;
	_ =	strace $0x80000046;
	[dreg:$0x1] =	wrdreg $0xFFFFFFFF  }
0xb1: {  	s28 =	simm.s32 $_size_execute0_lowered;
	s9 =	sadd.s32 s9, s10;
	[dreg:$0x0] =	wrdreg $0x0  }
0xb2: {  	s10 =	sshll.u32 s28, $0x1;
	[dreg:$0x2] =	wrdreg s9  }
0xb3: {  	[dreg:$0x3] =	wrdreg s10  }
0xb4: {  	[dreg:$0x4] =	wrdreg $0xC0  }
0xb5: {  	_ =	task [dreg:s13], $0x5FFFF  }
0xb6: {  	[dreg:$0x1] =	wrdreg $0xFFFFFFFF  }
0xb7: {  	[dreg:$0x0] =	wrdreg $0x60  }
0xb8: {  	[dreg:$0x2] =	wrdreg s2  }
0xb9: {  	[dreg:$0x3] =	wrdreg s16  }
0xba: {  	[dreg:$0x4] =	wrdreg s5  }
0xbb: {  	[dreg:$0x5] =	wrdreg s6  }
0xbc: {  	[dreg:$0x6] =	wrdreg s7  }
0xbd: {  	[dreg:$0x7] =	wrdreg s17  }
0xbe: {  	[dreg:$0x8] =	wrdreg s18  }
0xbf: {  	[dreg:$0x9] =	wrdreg $0x9  }
0xc0: {  	_ =	task.clear_ibuf [dreg:s13], $0xAFFFF;
	_ =	strace $0x90000046  }
0xc1: {  	s29 =	simm.s32 $0x9;
	_ =	strace $0x80000048  }
0xc2: {  	_ =	swait.ge [sflag:s29], $0x1  }
0xc3: {  	[sflag:s29] =	ssyncadd.s32 $0xFFFFFFFF  }
0xc4: {  	_ =	strace $0x90000048  }
0xc5: {  	_ =	sfence  }
0xc6: {  	s30 =	sld [smem:$0x0];
	_ =	sdelay $0x2  }
0xc7: {  	s31 =	sshll.u32 s1, $0xD;
	s1 =	sshrl.u32 s1, $0x2  }
0xc8: {  	s3 =	sand.u32 $0x4000, s31;
	s1 =	sadd.s32 s1, s30  }
0xc9: {  	s0 =	sor.u32 s3, s0;
	s1 =	sshll.u32 s1, $0x11  }
0xca: {  	s0 =	sor.u32 s1, s0  }
0xcb: {  	s0 =	sadd.s32 $0x8F2B, s0  }
0xcc: {  	[sflag:s0] =	ssyncadd.remote.s32 $0x1  }
0xcd: {  	_ =	sfence.sel $0xFFFF  }
0xce: {  	[dreg:$0x0] =	wrdreg $0xFFFFFFFF;
	(pc) =	sbr.abs _section_cstart, $3  }
0xcf: {  	[dreg:$0x1] =	wrdreg $0xFFFFFFFF  }
0xd0: {  	_ =	task.clear_ibuf [dreg:s13], $0x2FFFF;
	_ =	strace $0x9FFFFFFF  }
0xd1: {  	(tm) =	ssettm $0x7FFFFFFF  }
tec
execute0_lowered:
.L_overlay_start_1:
0x0: {  	(tag) =	ssettag $0x1  }
0x1: {  	s0 =	rddreg [dreg:$0x0]  }
0x2: {  	s3 =	rddreg [dreg:$0x1]  }
0x3: {  	s4 =	rddreg [dreg:$0x2]  }
0x4: {  	s19 =	rddreg [dreg:$0x3]  }
0x5: {  	s2 =	rddreg [dreg:$0x4]  }
0x6: {  	s5 =	rddreg [dreg:$0x5]  }
0x7: {  	s6 =	rddreg [dreg:$0x6];
	s1 =	simm.s32 $0x0;
	s7 =	srdreg.scid  }
0x8: {  	s24 =	stileid.u32;
	s20 =	simm.s32 $0x40;
	s21 =	simm.s32 $0x1  }
0x9: {  	s22 =	simm.s32 $0x1B980;
	s23 =	simm.s32 $0x1BB80;
	s7 =	sand.u32 $0x1, s7  }
0xa: {  	s8 =	sshrl.u32 s24, $0x2;
	s9 =	sshll.u32 s24, $0x8;
	s10 =	sshll.u32 s7, $0x7  }
0xb: {  	s9 =	sand.u32 $0x300, s9;
	s11 =	smul.u32 $0x14000, s8;
	s7 =	ssub.s32 $0x2, s7  }
0xc: {  	s8 =	sshll.u32 s8, $0xC;
	s9 =	sor.u32 s10, s9;
	s25 =	sshrl.u32 s7, $0x1  }
0xd: {  	[smem:$0x7FF] =	sst s1;
	s8 =	sor.u32 s8, s9;
	s7 =	ssub.s32 s7, s25  }
0xe: {  	_ =	strace $0x80000047;
	s8 =	sshrl.u32 s8, $0x3;
	s31 =	smax.u32 s7, $0x1  }
0xf: {  	s9 =	sor.u32 s11, s9;
	s0 =	sadd.s32 s0, s8;
	[dreg:$0xd] =	wrdreg s31  }
0x10: {  	s9 =	sshrl.u32 s9, $0x3;
	s26 =	sadd.s32 s3, s8;
	[dreg:$0x8] =	wrdreg s0  }
0x11: {  	s24 =	simm.s32 $0x2;
	s28 =	sadd.s32 s4, s9;
	[dreg:$0x9] =	wrdreg s26  }
0x12: {  	s1 =	simm.s32 $0x0;
	s29 =	sadd.s32 s5, s8;
	[dreg:$0xa] =	wrdreg s28  }
0x13: {  	s30 =	sadd.s32 s6, s9;
	s3 =	simm.s32 $0x80;
	[dreg:$0xb] =	wrdreg s29  }
0x14: {  	vm0 =	vcmask $0x3F3C;
	s4 =	simm.s32 $0x400;
	s5 =	simm.s32 $0x3;
	[dreg:$0xc] =	wrdreg s30  }
.LBB2_1:
0x15: {  	[dreg:$0xe] =	wrdreg s1  }
0x16: {  	s0 =	simm.s32 $0x0;
	s26 =	rddreg [dreg:$0x8]  }
0x17: {  	[tilespmem:s0], [sflag:$0x3] =	stream.strided.gather [hbm4b:s26+s3], $0x200, s4, s3, $0x38;
	[tilespmem:$0x1E380] =	vst v63  }
0x18: {  	_ =	swait.ge [sflag:s5], $0x200  }
0x19: {  	[sflag:s5] =	ssyncset.done $0x0  }
0x1a: {  	s29 =	simm.s32 $0x280;
	s28 =	rddreg [dreg:$0x9];
	[sflag:s5] =	ssyncadd.s32 $0xFFFFFE00  }
0x1b: {  	[tilespmem:s29], [sflag:$0x3] =	stream.strided.gather [hbm4b:s28+s3], $0x200, s4, s3, $0x38;
	[tilespmem:$0x1E380] =	vst v63  }
0x1c: {  	_ =	swait.ge [sflag:s5], $0x200  }
0x1d: {  	[sflag:s5] =	ssyncset.done $0x0  }
0x1e: {  	s31 =	simm.s32 $0x500;
	s30 =	rddreg [dreg:$0xa];
	[sflag:s5] =	ssyncadd.s32 $0xFFFFFE00  }
0x1f: {  	[tilespmem:s31], [sflag:$0x3] =	stream.strided.gather [hbm4b:s30+s3], $0x2800, s4, s3, $0x38;
	[tilespmem:$0x1E380] =	vst v63  }
0x20: {  	_ =	swait.ge [sflag:s5], $0x2800  }
0x21: {  	[sflag:s5] =	ssyncset.done $0x0  }
0x22: {  	s3 =	simm.s32 $0x0;
	[sflag:s5] =	ssyncadd.s32 $0xFFFFD800  }
0x23: {  	v0 =	vld [tilespmem:s3+$0x280]  }
0x24: {  	v1 =	vld [tilespmem:s3+$0x0];
	_ =	sdelay $0x1  }
0x25: {  	s4 =	simm.s32 $0x40  }
.LBB2_2:
0x26: {  	p0 =	sne.s32 s4, $0x7C0  }
.Ltmp0:
0x27: {  	s5 =	sshra.s32 s4, $0x2;
	s4 =	sadd.s32 $0x40, s4;
	v2 =	vshrl.u32 v0, $0x1;
	(pc) =	sbr.rel @p0 .LBB2_2-.Ltmp0, $4  }
0x28: {  	v4 =	vand.u32 $0x3FFF, v0;
	v3 =	vshrl.u32 v1, $0x1;
	v2 =	vand.u32 $0x7FFFC000, v2;
	v0 =	vld [tilespmem:s5+$0x280]  }
0x29: {  	v5 =	vand.u32 $0x3FFF, v1;
	v3 =	vand.u32 $0x7FFFC000, v3;
	v1 =	vld [tilespmem:s5+$0x0];
	v2 =	vor.u32 v4, v2  }
0x2a: {  	v3 =	vor.u32 v5, v3;
	[tilespmem:s3+$0x2F80] =	vst v2  }
0x2b: {  	[tilespmem:s3+$0x2D80] =	vst v3;
	s3 =	smov.u32 s5  }
0x2c: {  	_ = 	snop  }
0x2d: {  	v2 =	vshrl.u32 v0, $0x1  }
0x2e: {  	v0 =	vand.u32 $0x3FFF, v0;
	v3 =	vshrl.u32 v1, $0x1;
	v2 =	vand.u32 $0x7FFFC000, v2  }
0x2f: {  	v1 =	vand.u32 $0x3FFF, v1;
	v3 =	vand.u32 $0x7FFFC000, v3;
	v0 =	vor.u32 v0, v2  }
0x30: {  	v1 =	vor.u32 v1, v3;
	[tilespmem:s3+$0x2F80] =	vst v0  }
0x31: {  	[tilespmem:s3+$0x2D80] =	vst v1;
	s3 =	simm.s32 $0x0  }
0x32: {  	s4 =	simm.s32 $0x40;
	v0 =	vld [tilespmem:s3+$0x500]  }
.LBB2_4:
0x33: {  	_ =	sdelay $0x1  }
0x34: {  	p0 =	sne.s32 s4, $0x9FC0  }
.Ltmp1:
0x35: {  	_ = 	snop;
	(pc) =	sbr.rel @p0 .LBB2_4-.Ltmp1, $4  }
0x36: {  	v1 =	vshrl.u32 v0, $0x1  }
0x37: {  	v2 =	vand.u32 $0x3FFF, v0;
	v1 =	vand.u32 $0x7FFFC000, v1  }
0x38: {  	s5 =	sshra.s32 s4, $0x2;
	v1 =	vor.u32 v2, v1  }
0x39: {  	s4 =	sadd.s32 $0x40, s4;
	v0 =	vld [tilespmem:s5+$0x500];
	[tilespmem:s3+$0x3180] =	vst v1;
	s3 =	smov.u32 s5  }
0x3a: {  	_ =	sdelay $0x3  }
0x3b: {  	v1 =	vshrl.u32 v0, $0x1  }
0x3c: {  	s25 =	simm.s32 $0x10;
	v63 =	vand.u32 $0x3FFF, v0;
	v1 =	vand.u32 $0x7FFFC000, v1  }
0x3d: {  	s0 =	simm.s32 $0x2D80;
	s1 =	simm.s32 $0x5980;
	s9 =	simm.s32 $0x2F80;
	v0 =	vor.u32 v63, v1  }
0x3e: {  	s10 =	simm.s32 $0x6180;
	s11 =	simm.s32 $0x3180;
	s12 =	simm.s32 $0x6980;
	[tilespmem:s3+$0x3180] =	vst v0  }
0x3f: {  	[tilespmem:s1], [sflag:$0x1] =	stream.indirect.gather [hbm4b:s19+s25], $0x80, s0, s25, $0xb8;
	[tilespmem:$0x1E380] =	vst v63  }
0x40: {  	s13 =	simm.s32 $0x31C0;
	s14 =	simm.s32 $0x8980;
	s15 =	simm.s32 $0x3200  }
0x41: {  	[tilespmem:s10], [sflag:$0x1] =	stream.indirect.gather [hbm4b:s2+s25], $0x80, s9, s25, $0xb8;
	[tilespmem:$0x1E380] =	vst v63  }
0x42: {  	s16 =	simm.s32 $0xA980;
	s17 =	simm.s32 $0x3240;
	s18 =	simm.s32 $0xC980  }
0x43: {  	[tilespmem:s12], [sflag:$0x1] =	stream.indirect.gather [hbm4b:s2+s20], $0x80, s11, s20, $0xb8;
	[tilespmem:$0x1E380] =	vst v63  }
0x44: {  	s26 =	simm.s32 $0x3280;
	s31 =	simm.s32 $0xE980;
	s4 =	simm.s32 $0x0  }
0x45: {  	[tilespmem:s14], [sflag:$0x1] =	stream.indirect.gather [hbm4b:s2+s20], $0x80, s13, s20, $0xb8;
	[tilespmem:$0x1E380] =	vst v63  }
0x46: {  	s28 =	simm.s32 $0x13;
	s29 =	simm.s32 $0x280;
	s30 =	simm.s32 $0x504  }
0x47: {  	[tilespmem:s16], [sflag:$0x1] =	stream.indirect.gather [hbm4b:s2+s20], $0x80, s15, s20, $0xb8;
	[tilespmem:$0x1E380] =	vst v63  }
0x48: {  	s8 =	simm.s32 $0x0;
	s3 =	simm.s32 $0x10;
	s9 =	simm.s32 $0x0  }
0x49: {  	[tilespmem:s18], [sflag:$0x1] =	stream.indirect.gather [hbm4b:s2+s20], $0x80, s17, s20, $0xb8;
	[tilespmem:$0x1E380] =	vst v63  }
0x4a: {  	s12 =	simm.s32 $0x153;
	s11 =	simm.s32 $0x644;
	s13 =	simm.s32 $0x290  }
0x4b: {  	[tilespmem:s31], [sflag:$0x1] =	stream.indirect.gather [hbm4b:s2+s20], $0x80, s26, s20, $0xb8;
	[tilespmem:$0x1E380] =	vst v63  }
.LBB2_6:
0x4c: {  	s5 =	sshllo.u32 s9, $0x1  }
0x4d: {  	s1 =	simm.s32 $0x10;
	s6 =	sshll.u32 s5, $0x4  }
0x4e: {  	s10 =	simm.s32 $0x10980;
	s5 =	smul.u32 $0x500, s5;
	s7 =	sadd.s32 $0x2D80, s6  }
0x4f: {  	[tilespmem:s10], [sflag:$0x2] =	stream.indirect.gather [hbm4b:s19+s1], $0x80, s7, s1, $0xb8;
	[tilespmem:$0x1E380] =	vst v63  }
0x50: {  	s26 =	simm.s32 $0x11180;
	s6 =	sadd.s32 $0x2F80, s6;
	s5 =	sshra.s32 s5, $0x2  }
0x51: {  	[tilespmem:s26], [sflag:$0x2] =	stream.indirect.gather [hbm4b:s2+s1], $0x80, s6, s1, $0xb8;
	[tilespmem:$0x1E380] =	vst v63  }
0x52: {  	s10 =	simm.s32 $0x11980;
	s7 =	sadd.s32 $0x3180, s5  }
0x53: {  	[tilespmem:s10], [sflag:$0x2] =	stream.indirect.gather [hbm4b:s2+s20], $0x80, s7, s20, $0xb8;
	[tilespmem:$0x1E380] =	vst v63  }
0x54: {  	s15 =	simm.s32 $0x13980;
	s14 =	sadd.s32 $0x31C0, s5  }
0x55: {  	[tilespmem:s15], [sflag:$0x2] =	stream.indirect.gather [hbm4b:s2+s20], $0x80, s14, s20, $0xb8;
	[tilespmem:$0x1E380] =	vst v63  }
0x56: {  	s17 =	simm.s32 $0x15980;
	s16 =	sadd.s32 $0x3200, s5  }
0x57: {  	[tilespmem:s17], [sflag:$0x2] =	stream.indirect.gather [hbm4b:s2+s20], $0x80, s16, s20, $0xb8;
	[tilespmem:$0x1E380] =	vst v63  }
0x58: {  	s0 =	smov.u32 s19;
	s19 =	simm.s32 $0x17980;
	s18 =	sadd.s32 $0x3240, s5  }
0x59: {  	[tilespmem:s19], [sflag:$0x2] =	stream.indirect.gather [hbm4b:s2+s20], $0x80, s18, s20, $0xb8;
	[tilespmem:$0x1E380] =	vst v63  }
0x5a: {  	s5 =	sadd.s32 $0x3280, s5;
	s26 =	simm.s32 $0x19980  }
0x5b: {  	[tilespmem:s26], [sflag:$0x2] =	stream.indirect.gather [hbm4b:s2+s20], $0x80, s5, s20, $0xb8;
	[tilespmem:$0x1E380] =	vst v63  }
0x5c: {  	_ =	swait.ge [sflag:s21], $0x800  }
0x5d: {  	[sflag:s21] =	ssyncset.done $0x0  }
0x5e: {  	[sflag:s21] =	ssyncadd.s32 $0xFFFFF800  }
0x5f: {  	_ =	swait.ge [sflag:s21], $0x800  }
0x60: {  	[sflag:s21] =	ssyncset.done $0x0  }
0x61: {  	[sflag:s21] =	ssyncadd.s32 $0xFFFFF800  }
0x62: {  	_ =	swait.ge [sflag:s21], $0x2000  }
0x63: {  	[sflag:s21] =	ssyncset.done $0x0  }
0x64: {  	[sflag:s21] =	ssyncadd.s32 $0xFFFFE000  }
0x65: {  	_ =	swait.ge [sflag:s21], $0x2000  }
0x66: {  	[sflag:s21] =	ssyncset.done $0x0  }
0x67: {  	[sflag:s21] =	ssyncadd.s32 $0xFFFFE000  }
0x68: {  	_ =	swait.ge [sflag:s21], $0x2000  }
0x69: {  	[sflag:s21] =	ssyncset.done $0x0  }
0x6a: {  	[sflag:s21] =	ssyncadd.s32 $0xFFFFE000  }
0x6b: {  	_ =	swait.ge [sflag:s21], $0x2000  }
0x6c: {  	[sflag:s21] =	ssyncset.done $0x0  }
0x6d: {  	s31 =	simm.s32 $0x0;
	s6 =	smov.u32 s30;
	[sflag:s21] =	ssyncadd.s32 $0xFFFFE000  }
0x6e: {  	s7 =	smov.u32 s29;
	s10 =	smov.u32 s4;
	_ =	swait.ge [sflag:s21], $0x2000  }
0x6f: {  	s14 =	smov.u32 s28;
	s15 =	simm.s32 $0x0;
	[sflag:s21] =	ssyncset.done $0x0  }
0x70: {  	s5 =	sshll.u32 s9, $0x1;
	s26 =	smov.u32 s8;
	[sflag:s21] =	ssyncadd.s32 $0xFFFFE000  }
.LBB2_7:
0x71: {  	v0 =	vld [tilespmem:s10+$0x0];
	_ =	sdelay $0x1  }
0x72: {  	v1 =	vld [tilespmem:s7+$0x0];
	_ =	sdelay $0x2  }
0x73: {  	(v2sf) =	vpush v0, $0x0;
	_ =	sdelay $0x1  }
0x74: {  	(v2sf) =	vpush v1, $0x0;
	_ =	sdelay $0xc  }
0x75: {  	s16 =	spop (v2sf)  }
0x76: {  	s16 =	sshrl.u32 s16, $0x6  }
0x77: {  	s18 =	spop (v2sf);
	s16 =	sand.u32 $0x100, s16  }
0x78: {  	s19 =	sshra.s32 s31, $0x2;
	s18 =	sshrl.u32 s18, $0x6;
	s17 =	sadd.s32 s16, s31  }
0x79: {  	s16 =	sshrl.u32 s16, $0x2;
	s18 =	sand.u32 $0x100, s18;
	s17 =	sshra.s32 s17, $0x2  }
0x7a: {  	s16 =	sadd.s32 s19, s16;
	s1 =	sadd.s32 s18, s31;
	v0 =	vld [tilespmem:s17+$0x5980]  }
0x7b: {  	s18 =	sshrl.u32 s18, $0x2;
	v1 =	vld [tilespmem:s16+$0x5990];
	s1 =	sshra.s32 s1, $0x2  }
0x7c: {  	s18 =	sadd.s32 s19, s18;
	v4 =	vld [tilespmem:s1+$0x6180]  }
0x7d: {  	v5 =	vld [tilespmem:s18+$0x6190]  }
0x7e: {  	v2 =	vld [tilespmem:s16+$0x59A0]  }
0x7f: {  	v6 =	vld [tilespmem:s18+$0x61A0]  }
0x80: {  	v3 =	vld [tilespmem:s17+$0x59B0]  }
0x81: {  	v7 =	vld [tilespmem:s1+$0x61B0]  }
0x82: {  	v4 =	vmul.f32 v4, v0;
	v5 =	vmul.f32 v5, v1;
	_ =	sdelay $0x1  }
0x83: {  	v45 =	vmul.f32 v6, v2;
	v4 =	vadd.f32 v5, v4;
	_ =	sdelay $0x1  }
0x84: {  	v46 =	vmul.f32 v7, v3;
	v4 =	vadd.f32 v45, v4;
	_ =	sdelay $0x1  }
0x85: {  	v4 =	vadd.f32 v46, v4;
	_ =	sdelay $0x1  }
0x86: {  	(xrf2) =	vadd.scan.msk.f32 $0xffff, v4;
	_ =	sdelay $0x5  }
0x87: {  	v47 =	vmov s26;
	_ =	sdelay $0x3  }
0x88: {  	v48, _, _ =	vpop (xrf2)  }
0x89: {  	[tilespmem:v47+s22+$0x0] =	vst.idx.msk vm0, v48  }
0x8a: {  	v4 =	vld [tilespmem:s6+$0xFFFFFFFC];
	_ =	sdelay $0x4  }
0x8b: {  	v5 =	vshrl.u32 v4, $0x8  }
0x8c: {  	(v2sf) =	vpush v5, $0x1  }
0x8d: {  	(v2sf) =	vpush v5, $0x0;
	_ =	sdelay $0xd  }
0x8e: {  	s1 =	spop (v2sf)  }
0x8f: {  	s17 =	spop (v2sf)  }
0x90: {  	s16 =	sshra.s32 s15, $0x2;
	s18 =	sand.u32 $0x40, s17  }
0x91: {  	s17 =	sadd.s32 s16, s18  }
0x92: {  	v49 =	vld [tilespmem:s17+$0x6980]  }
0x93: {  	v50 =	vld [tilespmem:s17+$0x6990];
	_ =	sdelay $0x1  }
0x94: {  	v51 =	vld [tilespmem:s17+$0x69A0];
	_ =	sdelay $0x1  }
0x95: {  	v8 =	vld [tilespmem:s17+$0x69B0]  }
0x96: {  	v4 =	vmul.f32 v49, v0;
	v6 =	vmul.f32 v50, v1;
	_ =	sdelay $0x1  }
0x97: {  	v52 =	vmul.f32 v51, v2;
	v4 =	vadd.f32 v6, v4;
	_ =	sdelay $0x1  }
0x98: {  	v53 =	vmul.f32 v8, v3;
	v4 =	vadd.f32 v52, v4;
	_ =	sdelay $0x1  }
0x99: {  	v4 =	vadd.f32 v53, v4;
	_ =	sdelay $0x1  }
0x9a: {  	(xrf2) =	vadd.scan.msk.f32 $0xffff, v4;
	_ =	sdelay $0x1  }
0x9b: {  	s19 =	sadd.s32 $0xFFFFFFED, s14  }
0x9c: {  	v54 =	vmov s19  }
0x9d: {  	v4 =	vand.u32 $0xFFFFFFFC, v54  }
0x9e: {  	v55 =	vbroadcast v4, $0x0;
	_ =	sdelay $0x4  }
0x9f: {  	s1 =	sand.u32 $0x40, s1;
	v56, _, _ =	vpop (xrf2)  }
0xa0: {  	s1 =	sadd.s32 s16, s1;
	v4 =	vld [tilespmem:s6+$0x0];
	[tilespmem:v55+s23+$0x0] =	vst.idx.msk vm0, v56  }
0xa1: {  	v6 =	vld [tilespmem:s1+$0x6A00]  }
0xa2: {  	v7 =	vld [tilespmem:s1+$0x6A10];
	_ =	sdelay $0x1  }
0xa3: {  	v57 =	vld [tilespmem:s1+$0x6A20];
	_ =	sdelay $0x1  }
0xa4: {  	v9 =	vld [tilespmem:s1+$0x6A30]  }
0xa5: {  	v6 =	vmul.f32 v6, v0;
	v7 =	vmul.f32 v7, v1  }
0xa6: {  	(v2sf) =	vpush v5, $0x3  }
0xa7: {  	(v2sf) =	vpush v5, $0x2;
	v58 =	vmul.f32 v57, v2;
	v6 =	vadd.f32 v7, v6;
	_ =	sdelay $0x1  }
0xa8: {  	v59 =	vmul.f32 v9, v3;
	v6 =	vadd.f32 v58, v6;
	_ =	sdelay $0x1  }
0xa9: {  	v6 =	vadd.f32 v59, v6;
	_ =	sdelay $0x1  }
0xaa: {  	(xrf2) =	vadd.scan.msk.f32 $0xffff, v6;
	_ =	sdelay $0x1  }
0xab: {  	s17 =	sadd.s32 $0xFFFFFFEE, s14  }
0xac: {  	v60 =	vmov s17  }
0xad: {  	v6 =	vand.u32 $0xFFFFFFFD, v60  }
0xae: {  	v6 =	vbroadcast v6, $0x0;
	_ =	sdelay $0x2  }
0xaf: {  	s1 =	spop (v2sf)  }
0xb0: {  	s18 =	spop (v2sf)  }
0xb1: {  	s17 =	sand.u32 $0x40, s18;
	v61, _, _ =	vpop (xrf2)  }
0xb2: {  	s17 =	sadd.s32 s16, s17;
	[tilespmem:v6+s23+$0x0] =	vst.idx.msk vm0, v61  }
0xb3: {  	v6 =	vld [tilespmem:s17+$0x6A80]  }
0xb4: {  	v7 =	vld [tilespmem:s17+$0x6A90];
	_ =	sdelay $0x1  }
0xb5: {  	v62 =	vld [tilespmem:s17+$0x6AA0];
	_ =	sdelay $0x1  }
0xb6: {  	v63 =	vld [tilespmem:s17+$0x6AB0]  }
0xb7: {  	v6 =	vmul.f32 v6, v0;
	v7 =	vmul.f32 v7, v1;
	_ =	sdelay $0x1  }
0xb8: {  	v10 =	vmul.f32 v62, v2;
	v6 =	vadd.f32 v7, v6;
	_ =	sdelay $0x1  }
0xb9: {  	v11 =	vmul.f32 v63, v3;
	v6 =	vadd.f32 v10, v6;
	_ =	sdelay $0x1  }
0xba: {  	v6 =	vadd.f32 v11, v6;
	_ =	sdelay $0x1  }
0xbb: {  	(xrf2) =	vadd.scan.msk.f32 $0xffff, v6;
	_ =	sdelay $0x1  }
0xbc: {  	s19 =	sadd.s32 $0xFFFFFFEF, s14  }
0xbd: {  	v12 =	vmov s19  }
0xbe: {  	v6 =	vand.u32 $0xFFFFFFFE, v12  }
0xbf: {  	v6 =	vbroadcast v6, $0x0;
	_ =	sdelay $0x4  }
0xc0: {  	s1 =	sand.u32 $0x40, s1;
	v13, _, _ =	vpop (xrf2)  }
0xc1: {  	s1 =	sadd.s32 s16, s1;
	[tilespmem:v6+s23+$0x0] =	vst.idx.msk vm0, v13  }
0xc2: {  	v6 =	vld [tilespmem:s1+$0x6B00]  }
0xc3: {  	v7 =	vld [tilespmem:s1+$0x6B10];
	_ =	sdelay $0x1  }
0xc4: {  	v14 =	vld [tilespmem:s1+$0x6B20];
	_ =	sdelay $0x1  }
0xc5: {  	v15 =	vld [tilespmem:s1+$0x6B30]  }
0xc6: {  	v6 =	vmul.f32 v6, v0;
	v7 =	vmul.f32 v7, v1  }
0xc7: {  	(v2sf) =	vpush v5, $0x5  }
0xc8: {  	(v2sf) =	vpush v5, $0x4;
	v16 =	vmul.f32 v14, v2;
	v6 =	vadd.f32 v7, v6;
	_ =	sdelay $0x1  }
0xc9: {  	v17 =	vmul.f32 v15, v3;
	v6 =	vadd.f32 v16, v6;
	_ =	sdelay $0x1  }
0xca: {  	v6 =	vadd.f32 v17, v6;
	_ =	sdelay $0x1  }
0xcb: {  	(xrf2) =	vadd.scan.msk.f32 $0xffff, v6;
	_ =	sdelay $0x4  }
0xcc: {  	s17 =	sadd.s32 $0xFFFFFFF0, s14  }
0xcd: {  	v18 =	vmov s17;
	_ =	sdelay $0x1  }
0xce: {  	s1 =	spop (v2sf)  }
0xcf: {  	s18 =	spop (v2sf)  }
0xd0: {  	s17 =	sand.u32 $0x40, s18;
	v19, _, _ =	vpop (xrf2)  }
0xd1: {  	s17 =	sadd.s32 s16, s17;
	[tilespmem:v18+s23+$0x0] =	vst.idx.msk vm0, v19  }
0xd2: {  	v6 =	vld [tilespmem:s17+$0x6B80]  }
0xd3: {  	v7 =	vld [tilespmem:s17+$0x6B90];
	_ =	sdelay $0x1  }
0xd4: {  	v20 =	vld [tilespmem:s17+$0x6BA0];
	_ =	sdelay $0x1  }
0xd5: {  	v21 =	vld [tilespmem:s17+$0x6BB0]  }
0xd6: {  	v6 =	vmul.f32 v6, v0;
	v7 =	vmul.f32 v7, v1;
	_ =	sdelay $0x1  }
0xd7: {  	v22 =	vmul.f32 v20, v2;
	v6 =	vadd.f32 v7, v6;
	_ =	sdelay $0x1  }
0xd8: {  	v23 =	vmul.f32 v21, v3;
	v6 =	vadd.f32 v22, v6;
	_ =	sdelay $0x1  }
0xd9: {  	v6 =	vadd.f32 v23, v6;
	_ =	sdelay $0x1  }
0xda: {  	(xrf2) =	vadd.scan.msk.f32 $0xffff, v6;
	_ =	sdelay $0x1  }
0xdb: {  	s19 =	sadd.s32 $0xFFFFFFF1, s14  }
0xdc: {  	v24 =	vmov s19  }
0xdd: {  	v6 =	vand.u32 $0xFFFFFFFC, v24  }
0xde: {  	v6 =	vbroadcast v6, $0x0;
	_ =	sdelay $0x4  }
0xdf: {  	s1 =	sand.u32 $0x40, s1;
	v25, _, _ =	vpop (xrf2)  }
0xe0: {  	s1 =	sadd.s32 s16, s1;
	[tilespmem:v6+s23+$0x0] =	vst.idx.msk vm0, v25  }
0xe1: {  	v6 =	vld [tilespmem:s1+$0x6C00]  }
0xe2: {  	v7 =	vld [tilespmem:s1+$0x6C10];
	_ =	sdelay $0x1  }
0xe3: {  	v26 =	vld [tilespmem:s1+$0x6C20];
	_ =	sdelay $0x1  }
0xe4: {  	v27 =	vld [tilespmem:s1+$0x6C30]  }
0xe5: {  	v6 =	vmul.f32 v6, v0;
	v7 =	vmul.f32 v7, v1  }
0xe6: {  	(v2sf) =	vpush v5, $0x7  }
0xe7: {  	(v2sf) =	vpush v5, $0x6;
	v28 =	vmul.f32 v26, v2;
	v6 =	vadd.f32 v7, v6;
	_ =	sdelay $0x1  }
0xe8: {  	v29 =	vmul.f32 v27, v3;
	v6 =	vadd.f32 v28, v6;
	_ =	sdelay $0x1  }
0xe9: {  	v6 =	vadd.f32 v29, v6;
	_ =	sdelay $0x1  }
0xea: {  	(xrf2) =	vadd.scan.msk.f32 $0xffff, v6;
	_ =	sdelay $0x1  }
0xeb: {  	s17 =	sadd.s32 $0xFFFFFFF2, s14  }
0xec: {  	v30 =	vmov s17  }
0xed: {  	v6 =	vand.u32 $0xFFFFFFFD, v30  }
0xee: {  	v6 =	vbroadcast v6, $0x0;
	_ =	sdelay $0x2  }
0xef: {  	s1 =	spop (v2sf)  }
0xf0: {  	s18 =	spop (v2sf)  }
0xf1: {  	s17 =	sand.u32 $0x40, s18;
	v31, _, _ =	vpop (xrf2)  }
0xf2: {  	s17 =	sadd.s32 s16, s17;
	[tilespmem:v6+s23+$0x0] =	vst.idx.msk vm0, v31  }
0xf3: {  	v6 =	vld [tilespmem:s17+$0x6C80]  }
0xf4: {  	v7 =	vld [tilespmem:s17+$0x6C90];
	_ =	sdelay $0x1  }
0xf5: {  	v32 =	vld [tilespmem:s17+$0x6CA0];
	_ =	sdelay $0x1  }
0xf6: {  	v33 =	vld [tilespmem:s17+$0x6CB0]  }
0xf7: {  	v6 =	vmul.f32 v6, v0;
	v7 =	vmul.f32 v7, v1;
	_ =	sdelay $0x1  }
0xf8: {  	v34 =	vmul.f32 v32, v2;
	v6 =	vadd.f32 v7, v6;
	_ =	sdelay $0x1  }
0xf9: {  	v35 =	vmul.f32 v33, v3;
	v6 =	vadd.f32 v34, v6;
	_ =	sdelay $0x1  }
0xfa: {  	v6 =	vadd.f32 v35, v6;
	_ =	sdelay $0x1  }
0xfb: {  	(xrf2) =	vadd.scan.msk.f32 $0xffff, v6;
	_ =	sdelay $0x1  }
0xfc: {  	s19 =	sadd.s32 $0xFFFFFFF3, s14  }
0xfd: {  	v36 =	vmov s19  }
0xfe: {  	v6 =	vand.u32 $0xFFFFFFFE, v36  }
0xff: {  	v6 =	vbroadcast v6, $0x0;
	_ =	sdelay $0x4  }
0x100: {  	s1 =	sand.u32 $0x40, s1;
	v37, _, _ =	vpop (xrf2)  }
0x101: {  	s1 =	sadd.s32 s16, s1;
	[tilespmem:v6+s23+$0x0] =	vst.idx.msk vm0, v37  }
0x102: {  	v6 =	vld [tilespmem:s1+$0x6D00]  }
0x103: {  	v7 =	vld [tilespmem:s1+$0x6D10];
	_ =	sdelay $0x1  }
0x104: {  	v38 =	vld [tilespmem:s1+$0x6D20];
	_ =	sdelay $0x1  }
0x105: {  	v39 =	vld [tilespmem:s1+$0x6D30]  }
0x106: {  	v6 =	vmul.f32 v6, v0;
	v7 =	vmul.f32 v7, v1  }
0x107: {  	(v2sf) =	vpush v5, $0x9  }
0x108: {  	(v2sf) =	vpush v5, $0x8;
	v40 =	vmul.f32 v38, v2;
	v6 =	vadd.f32 v7, v6;
	_ =	sdelay $0x1  }
0x109: {  	v41 =	vmul.f32 v39, v3;
	v6 =	vadd.f32 v40, v6;
	_ =	sdelay $0x1  }
0x10a: {  	v6 =	vadd.f32 v41, v6;
	_ =	sdelay $0x1  }
0x10b: {  	(xrf2) =	vadd.scan.msk.f32 $0xffff, v6;
	_ =	sdelay $0x4  }
0x10c: {  	s17 =	sadd.s32 $0xFFFFFFF4, s14  }
0x10d: {  	v42 =	vmov s17;
	_ =	sdelay $0x1  }
0x10e: {  	s1 =	spop (v2sf)  }
0x10f: {  	s18 =	spop (v2sf)  }
0x110: {  	s17 =	sand.u32 $0x40, s18;
	v43, _, _ =	vpop (xrf2)  }
0x111: {  	s17 =	sadd.s32 s16, s17;
	[tilespmem:v42+s23+$0x0] =	vst.idx.msk vm0, v43  }
0x112: {  	v6 =	vld [tilespmem:s17+$0x6D80]  }
0x113: {  	v7 =	vld [tilespmem:s17+$0x6D90];
	_ =	sdelay $0x1  }
0x114: {  	v44 =	vld [tilespmem:s17+$0x6DA0];
	_ =	sdelay $0x1  }
0x115: {  	v45 =	vld [tilespmem:s17+$0x6DB0]  }
0x116: {  	v6 =	vmul.f32 v6, v0;
	v7 =	vmul.f32 v7, v1;
	_ =	sdelay $0x1  }
0x117: {  	v46 =	vmul.f32 v44, v2;
	v6 =	vadd.f32 v7, v6;
	_ =	sdelay $0x1  }
0x118: {  	v47 =	vmul.f32 v45, v3;
	v6 =	vadd.f32 v46, v6;
	_ =	sdelay $0x1  }
0x119: {  	v6 =	vadd.f32 v47, v6;
	_ =	sdelay $0x1  }
0x11a: {  	(xrf2) =	vadd.scan.msk.f32 $0xffff, v6;
	_ =	sdelay $0x1  }
0x11b: {  	s19 =	sadd.s32 $0xFFFFFFF5, s14  }
0x11c: {  	v48 =	vmov s19  }
0x11d: {  	v6 =	vand.u32 $0xFFFFFFFC, v48  }
0x11e: {  	v6 =	vbroadcast v6, $0x0;
	_ =	sdelay $0x4  }
0x11f: {  	s1 =	sand.u32 $0x40, s1;
	v49, _, _ =	vpop (xrf2)  }
0x120: {  	s1 =	sadd.s32 s16, s1;
	[tilespmem:v6+s23+$0x0] =	vst.idx.msk vm0, v49  }
0x121: {  	v6 =	vld [tilespmem:s1+$0x6E00]  }
0x122: {  	v7 =	vld [tilespmem:s1+$0x6E10];
	_ =	sdelay $0x1  }
0x123: {  	v50 =	vld [tilespmem:s1+$0x6E20];
	_ =	sdelay $0x1  }
0x124: {  	v51 =	vld [tilespmem:s1+$0x6E30]  }
0x125: {  	v6 =	vmul.f32 v6, v0;
	v7 =	vmul.f32 v7, v1  }
0x126: {  	(v2sf) =	vpush v5, $0xB  }
0x127: {  	(v2sf) =	vpush v5, $0xA;
	v52 =	vmul.f32 v50, v2;
	v6 =	vadd.f32 v7, v6;
	_ =	sdelay $0x1  }
0x128: {  	v53 =	vmul.f32 v51, v3;
	v6 =	vadd.f32 v52, v6;
	_ =	sdelay $0x1  }
0x129: {  	v6 =	vadd.f32 v53, v6;
	_ =	sdelay $0x1  }
0x12a: {  	(xrf2) =	vadd.scan.msk.f32 $0xffff, v6;
	_ =	sdelay $0x1  }
0x12b: {  	s17 =	sadd.s32 $0xFFFFFFF6, s14  }
0x12c: {  	v54 =	vmov s17  }
0x12d: {  	v6 =	vand.u32 $0xFFFFFFFD, v54  }
0x12e: {  	v6 =	vbroadcast v6, $0x0;
	_ =	sdelay $0x2  }
0x12f: {  	s1 =	spop (v2sf)  }
0x130: {  	s18 =	spop (v2sf)  }
0x131: {  	s17 =	sand.u32 $0x40, s18;
	v55, _, _ =	vpop (xrf2)  }
0x132: {  	s17 =	sadd.s32 s16, s17;
	[tilespmem:v6+s23+$0x0] =	vst.idx.msk vm0, v55  }
0x133: {  	v6 =	vld [tilespmem:s17+$0x6E80]  }
0x134: {  	v7 =	vld [tilespmem:s17+$0x6E90];
	_ =	sdelay $0x1  }
0x135: {  	v56 =	vld [tilespmem:s17+$0x6EA0];
	_ =	sdelay $0x1  }
0x136: {  	v57 =	vld [tilespmem:s17+$0x6EB0]  }
0x137: {  	v6 =	vmul.f32 v6, v0;
	v7 =	vmul.f32 v7, v1;
	_ =	sdelay $0x1  }
0x138: {  	v58 =	vmul.f32 v56, v2;
	v6 =	vadd.f32 v7, v6;
	_ =	sdelay $0x1  }
0x139: {  	v59 =	vmul.f32 v57, v3;
	v6 =	vadd.f32 v58, v6;
	_ =	sdelay $0x1  }
0x13a: {  	v6 =	vadd.f32 v59, v6;
	_ =	sdelay $0x1  }
0x13b: {  	(xrf2) =	vadd.scan.msk.f32 $0xffff, v6;
	_ =	sdelay $0x1  }
0x13c: {  	s19 =	sadd.s32 $0xFFFFFFF7, s14  }
0x13d: {  	v60 =	vmov s19  }
0x13e: {  	v6 =	vand.u32 $0xFFFFFFFE, v60  }
0x13f: {  	v6 =	vbroadcast v6, $0x0;
	_ =	sdelay $0x4  }
0x140: {  	s1 =	sand.u32 $0x40, s1;
	v61, _, _ =	vpop (xrf2)  }
0x141: {  	s1 =	sadd.s32 s16, s1;
	[tilespmem:v6+s23+$0x0] =	vst.idx.msk vm0, v61  }
0x142: {  	v6 =	vld [tilespmem:s1+$0x6F00]  }
0x143: {  	v7 =	vld [tilespmem:s1+$0x6F10];
	_ =	sdelay $0x1  }
0x144: {  	v62 =	vld [tilespmem:s1+$0x6F20];
	_ =	sdelay $0x1  }
0x145: {  	v63 =	vld [tilespmem:s1+$0x6F30]  }
0x146: {  	v6 =	vmul.f32 v6, v0;
	v7 =	vmul.f32 v7, v1  }
0x147: {  	(v2sf) =	vpush v5, $0xD  }
0x148: {  	(v2sf) =	vpush v5, $0xC;
	v10 =	vmul.f32 v62, v2;
	v6 =	vadd.f32 v7, v6;
	_ =	sdelay $0x1  }
0x149: {  	v11 =	vmul.f32 v63, v3;
	v6 =	vadd.f32 v10, v6;
	_ =	sdelay $0x1  }
0x14a: {  	v6 =	vadd.f32 v11, v6;
	_ =	sdelay $0x1  }
0x14b: {  	(xrf2) =	vadd.scan.msk.f32 $0xffff, v6;
	_ =	sdelay $0x4  }
0x14c: {  	s17 =	sadd.s32 $0xFFFFFFF8, s14  }
0x14d: {  	v12 =	vmov s17;
	_ =	sdelay $0x1  }
0x14e: {  	s1 =	spop (v2sf)  }
0x14f: {  	s18 =	spop (v2sf)  }
0x150: {  	s17 =	sand.u32 $0x40, s18;
	v13, _, _ =	vpop (xrf2)  }
0x151: {  	s17 =	sadd.s32 s16, s17;
	[tilespmem:v12+s23+$0x0] =	vst.idx.msk vm0, v13  }
0x152: {  	v6 =	vld [tilespmem:s17+$0x6F80]  }
0x153: {  	v7 =	vld [tilespmem:s17+$0x6F90];
	_ =	sdelay $0x1  }
0x154: {  	v14 =	vld [tilespmem:s17+$0x6FA0];
	_ =	sdelay $0x1  }
0x155: {  	v15 =	vld [tilespmem:s17+$0x6FB0]  }
0x156: {  	v6 =	vmul.f32 v6, v0;
	v7 =	vmul.f32 v7, v1;
	_ =	sdelay $0x1  }
0x157: {  	v16 =	vmul.f32 v14, v2;
	v6 =	vadd.f32 v7, v6;
	_ =	sdelay $0x1  }
0x158: {  	v17 =	vmul.f32 v15, v3;
	v6 =	vadd.f32 v16, v6;
	_ =	sdelay $0x1  }
0x159: {  	v6 =	vadd.f32 v17, v6;
	_ =	sdelay $0x1  }
0x15a: {  	(xrf2) =	vadd.scan.msk.f32 $0xffff, v6;
	_ =	sdelay $0x1  }
0x15b: {  	s19 =	sadd.s32 $0xFFFFFFF9, s14  }
0x15c: {  	v18 =	vmov s19  }
0x15d: {  	v6 =	vand.u32 $0xFFFFFFFC, v18  }
0x15e: {  	v6 =	vbroadcast v6, $0x0;
	_ =	sdelay $0x4  }
0x15f: {  	s1 =	sand.u32 $0x40, s1;
	v19, _, _ =	vpop (xrf2)  }
0x160: {  	s1 =	sadd.s32 s16, s1;
	[tilespmem:v6+s23+$0x0] =	vst.idx.msk vm0, v19  }
0x161: {  	v6 =	vld [tilespmem:s1+$0x7000]  }
0x162: {  	v7 =	vld [tilespmem:s1+$0x7010];
	_ =	sdelay $0x1  }
0x163: {  	v20 =	vld [tilespmem:s1+$0x7020];
	_ =	sdelay $0x1  }
0x164: {  	v21 =	vld [tilespmem:s1+$0x7030]  }
0x165: {  	v6 =	vmul.f32 v6, v0;
	v7 =	vmul.f32 v7, v1  }
0x166: {  	(v2sf) =	vpush v5, $0xF  }
0x167: {  	(v2sf) =	vpush v5, $0xE;
	v22 =	vmul.f32 v20, v2;
	v6 =	vadd.f32 v7, v6;
	_ =	sdelay $0x1  }
0x168: {  	v24 =	vmul.f32 v21, v3;
	v23 =	vadd.f32 v22, v6;
	_ =	sdelay $0x1  }
0x169: {  	v5 =	vadd.f32 v24, v23;
	_ =	sdelay $0x1  }
0x16a: {  	(xrf2) =	vadd.scan.msk.f32 $0xffff, v5;
	_ =	sdelay $0x1  }
0x16b: {  	s17 =	sadd.s32 $0xFFFFFFFA, s14  }
0x16c: {  	v25 =	vmov s17  }
0x16d: {  	v5 =	vand.u32 $0xFFFFFFFD, v25  }
0x16e: {  	v5 =	vbroadcast v5, $0x0;
	_ =	sdelay $0x2  }
0x16f: {  	s1 =	spop (v2sf)  }
0x170: {  	s18 =	spop (v2sf)  }
0x171: {  	s17 =	sand.u32 $0x40, s18;
	v26, _, _ =	vpop (xrf2)  }
0x172: {  	s17 =	sadd.s32 s16, s17;
	[tilespmem:v5+s23+$0x0] =	vst.idx.msk vm0, v26  }
0x173: {  	v5 =	vld [tilespmem:s17+$0x7080]  }
0x174: {  	v6 =	vld [tilespmem:s17+$0x7090];
	_ =	sdelay $0x1  }
0x175: {  	v27 =	vld [tilespmem:s17+$0x70A0];
	_ =	sdelay $0x1  }
0x176: {  	v28 =	vld [tilespmem:s17+$0x70B0]  }
0x177: {  	v5 =	vmul.f32 v5, v0;
	v6 =	vmul.f32 v6, v1;
	_ =	sdelay $0x1  }
0x178: {  	v29 =	vmul.f32 v27, v2;
	v5 =	vadd.f32 v6, v5;
	_ =	sdelay $0x1  }
0x179: {  	v30 =	vmul.f32 v28, v3;
	v5 =	vadd.f32 v29, v5;
	_ =	sdelay $0x1  }
0x17a: {  	v5 =	vadd.f32 v30, v5;
	_ =	sdelay $0x1  }
0x17b: {  	(xrf2) =	vadd.scan.msk.f32 $0xffff, v5;
	_ =	sdelay $0x1  }
0x17c: {  	s19 =	sadd.s32 $0xFFFFFFFB, s14  }
0x17d: {  	v31 =	vmov s19  }
0x17e: {  	v5 =	vand.u32 $0xFFFFFFFE, v31  }
0x17f: {  	v5 =	vbroadcast v5, $0x0;
	_ =	sdelay $0x4  }
0x180: {  	s1 =	sand.u32 $0x40, s1;
	v32, _, _ =	vpop (xrf2)  }
0x181: {  	s1 =	sadd.s32 s16, s1;
	[tilespmem:v5+s23+$0x0] =	vst.idx.msk vm0, v32  }
0x182: {  	v5 =	vld [tilespmem:s1+$0x7100]  }
0x183: {  	v6 =	vld [tilespmem:s1+$0x7110];
	_ =	sdelay $0x1  }
0x184: {  	v33 =	vld [tilespmem:s1+$0x7120];
	_ =	sdelay $0x1  }
0x185: {  	v34 =	vld [tilespmem:s1+$0x7130]  }
0x186: {  	v4 =	vshrl.u32 v4, $0x8;
	v5 =	vmul.f32 v5, v0;
	v6 =	vmul.f32 v6, v1  }
0x187: {  	(v2sf) =	vpush v4, $0xD  }
0x188: {  	(v2sf) =	vpush v4, $0xC;
	v35 =	vmul.f32 v33, v2;
	v5 =	vadd.f32 v6, v5;
	_ =	sdelay $0x1  }
0x189: {  	v36 =	vmul.f32 v34, v3;
	v5 =	vadd.f32 v35, v5;
	_ =	sdelay $0x1  }
0x18a: {  	v5 =	vadd.f32 v36, v5;
	_ =	sdelay $0x1  }
0x18b: {  	(xrf2) =	vadd.scan.msk.f32 $0xffff, v5;
	_ =	sdelay $0x4  }
0x18c: {  	s17 =	sadd.s32 $0xFFFFFFFC, s14  }
0x18d: {  	v37 =	vmov s17;
	_ =	sdelay $0x1  }
0x18e: {  	s1 =	spop (v2sf)  }
0x18f: {  	s18 =	spop (v2sf)  }
0x190: {  	s17 =	sand.u32 $0x40, s18;
	v38, _, _ =	vpop (xrf2)  }
0x191: {  	s17 =	sadd.s32 s16, s17;
	[tilespmem:v37+s23+$0x0] =	vst.idx.msk vm0, v38  }
0x192: {  	v5 =	vld [tilespmem:s17+$0x7180]  }
0x193: {  	v6 =	vld [tilespmem:s17+$0x7190];
	_ =	sdelay $0x1  }
0x194: {  	v39 =	vld [tilespmem:s17+$0x71A0];
	_ =	sdelay $0x1  }
0x195: {  	v40 =	vld [tilespmem:s17+$0x71B0]  }
0x196: {  	v5 =	vmul.f32 v5, v0;
	v6 =	vmul.f32 v6, v1;
	_ =	sdelay $0x1  }
0x197: {  	v41 =	vmul.f32 v39, v2;
	v5 =	vadd.f32 v6, v5;
	_ =	sdelay $0x1  }
0x198: {  	v42 =	vmul.f32 v40, v3;
	v5 =	vadd.f32 v41, v5;
	_ =	sdelay $0x1  }
0x199: {  	v5 =	vadd.f32 v42, v5;
	_ =	sdelay $0x1  }
0x19a: {  	(xrf2) =	vadd.scan.msk.f32 $0xffff, v5;
	_ =	sdelay $0x1  }
0x19b: {  	s19 =	sadd.s32 $0xFFFFFFFD, s14  }
0x19c: {  	v43 =	vmov s19  }
0x19d: {  	v5 =	vand.u32 $0xFFFFFFFC, v43  }
0x19e: {  	v5 =	vbroadcast v5, $0x0;
	_ =	sdelay $0x4  }
0x19f: {  	s1 =	sand.u32 $0x40, s1;
	v44, _, _ =	vpop (xrf2)  }
0x1a0: {  	s1 =	sadd.s32 s16, s1;
	[tilespmem:v5+s23+$0x0] =	vst.idx.msk vm0, v44  }
0x1a1: {  	v5 =	vld [tilespmem:s1+$0x7200]  }
0x1a2: {  	v6 =	vld [tilespmem:s1+$0x7210];
	_ =	sdelay $0x1  }
0x1a3: {  	v45 =	vld [tilespmem:s1+$0x7220];
	_ =	sdelay $0x1  }
0x1a4: {  	v46 =	vld [tilespmem:s1+$0x7230]  }
0x1a5: {  	v5 =	vmul.f32 v5, v0;
	v6 =	vmul.f32 v6, v1  }
0x1a6: {  	(v2sf) =	vpush v4, $0xF  }
0x1a7: {  	(v2sf) =	vpush v4, $0xE;
	v47 =	vmul.f32 v45, v2;
	v5 =	vadd.f32 v6, v5;
	_ =	sdelay $0x1  }
0x1a8: {  	v49 =	vmul.f32 v46, v3;
	v48 =	vadd.f32 v47, v5;
	_ =	sdelay $0x1  }
0x1a9: {  	v4 =	vadd.f32 v49, v48;
	_ =	sdelay $0x1  }
0x1aa: {  	(xrf2) =	vadd.scan.msk.f32 $0xffff, v4;
	_ =	sdelay $0x1  }
0x1ab: {  	s17 =	sadd.s32 $0xFFFFFFFE, s14  }
0x1ac: {  	v50 =	vmov s17  }
0x1ad: {  	v4 =	vand.u32 $0xFFFFFFFD, v50  }
0x1ae: {  	v4 =	vbroadcast v4, $0x0;
	_ =	sdelay $0x2  }
0x1af: {  	s1 =	spop (v2sf)  }
0x1b0: {  	s18 =	spop (v2sf)  }
0x1b1: {  	s17 =	sand.u32 $0x40, s18;
	v51, _, _ =	vpop (xrf2)  }
0x1b2: {  	s17 =	sadd.s32 s16, s17;
	[tilespmem:v4+s23+$0x0] =	vst.idx.msk vm0, v51  }
0x1b3: {  	v4 =	vld [tilespmem:s17+$0x7280]  }
0x1b4: {  	v5 =	vld [tilespmem:s17+$0x7290];
	_ =	sdelay $0x1  }
0x1b5: {  	v52 =	vld [tilespmem:s17+$0x72A0];
	_ =	sdelay $0x1  }
0x1b6: {  	v53 =	vld [tilespmem:s17+$0x72B0]  }
0x1b7: {  	v4 =	vmul.f32 v4, v0;
	v5 =	vmul.f32 v5, v1;
	_ =	sdelay $0x1  }
0x1b8: {  	v54 =	vmul.f32 v52, v2;
	v4 =	vadd.f32 v5, v4;
	_ =	sdelay $0x1  }
0x1b9: {  	v55 =	vmul.f32 v53, v3;
	v4 =	vadd.f32 v54, v4;
	_ =	sdelay $0x1  }
0x1ba: {  	v4 =	vadd.f32 v55, v4;
	_ =	sdelay $0x1  }
0x1bb: {  	(xrf2) =	vadd.scan.msk.f32 $0xffff, v4;
	_ =	sdelay $0x1  }
0x1bc: {  	s19 =	sadd.s32 $0xFFFFFFFF, s14  }
0x1bd: {  	v56 =	vmov s19  }
0x1be: {  	v4 =	vand.u32 $0xFFFFFFFE, v56  }
0x1bf: {  	v4 =	vbroadcast v4, $0x0;
	_ =	sdelay $0x4  }
0x1c0: {  	s1 =	sand.u32 $0x40, s1;
	v57, _, _ =	vpop (xrf2)  }
0x1c1: {  	s1 =	sadd.s32 s16, s1;
	[tilespmem:v4+s23+$0x0] =	vst.idx.msk vm0, v57  }
0x1c2: {  	v4 =	vld [tilespmem:s1+$0x7300]  }
0x1c3: {  	v5 =	vld [tilespmem:s1+$0x7310];
	_ =	sdelay $0x1  }
0x1c4: {  	v58 =	vld [tilespmem:s1+$0x7320];
	_ =	sdelay $0x1  }
0x1c5: {  	v59 =	vld [tilespmem:s1+$0x7330]  }
0x1c6: {  	v0 =	vmul.f32 v4, v0;
	v1 =	vmul.f32 v5, v1;
	_ =	sdelay $0x1  }
0x1c7: {  	v60 =	vmul.f32 v58, v2;
	v0 =	vadd.f32 v1, v0;
	_ =	sdelay $0x1  }
0x1c8: {  	v61 =	vmul.f32 v59, v3;
	v0 =	vadd.f32 v60, v0;
	_ =	sdelay $0x1  }
0x1c9: {  	v0 =	vadd.f32 v61, v0;
	_ =	sdelay $0x1  }
0x1ca: {  	(xrf2) =	vadd.scan.msk.f32 $0xffff, v0;
	_ =	sdelay $0x5  }
0x1cb: {  	p0 =	sne.s32 s15, $0x25800;
	v62 =	vmov s14  }
.Ltmp2:
0x1cc: {  	_ = 	snop;
	(pc) =	sbr.rel @p0 .LBB2_7-.Ltmp2, $4  }
0x1cd: {  	_ = 	snop  }
0x1ce: {  	s26 =	sadd.s32 $0x1, s26  }
0x1cf: {  	s10 =	sadd.s32 $0x1, s10;
	s7 =	sadd.s32 $0x1, s7;
	s31 =	sadd.s32 $0x200, s31;
	v63, _, _ =	vpop (xrf2)  }
0x1d0: {  	s15 =	sadd.s32 $0x2800, s15;
	s6 =	sadd.s32 $0x14, s6;
	s14 =	sadd.s32 $0x14, s14;
	[tilespmem:v62+s23+$0x0] =	vst.idx.msk vm0, v63  }
0x1d1: {  	p0 =	seq.s32 s9, $0xF  }
0x1d2: {  	s1 =	sadd.s32 @!p0 $0x2, s5  }
0x1d3: {  	s7 =	simm.s32 @!p0 $0x10;
	s5 =	sshll.u32 @!p0 s1, $0x4  }
0x1d4: {  	s10 =	simm.s32 @!p0 $0x5980;
	s1 =	smul.u32 @!p0 $0x500, s1;
	s6 =	sadd.s32 @!p0 $0x2D80, s5  }
0x1d5: {  	[tilespmem:s10], [sflag:$0x1] =	stream.indirect.gather @!p0 [hbm4b:s0+s7], $0x80, s6, s7, $0xb8;
	[tilespmem:$0x1E380] =	vst v63  }
0x1d6: {  	s5 =	sadd.s32 @!p0 $0x2F80, s5;
	s6 =	simm.s32 @!p0 $0x6180;
	s1 =	sshra.s32 @!p0 s1, $0x2  }
0x1d7: {  	[tilespmem:s6], [sflag:$0x1] =	stream.indirect.gather @!p0 [hbm4b:s2+s7], $0x80, s5, s7, $0xb8;
	[tilespmem:$0x1E380] =	vst v63  }
0x1d8: {  	s5 =	sadd.s32 @!p0 $0x3180, s1;
	s6 =	simm.s32 @!p0 $0x40;
	s7 =	simm.s32 @!p0 $0x6980  }
0x1d9: {  	[tilespmem:s7], [sflag:$0x1] =	stream.indirect.gather @!p0 [hbm4b:s2+s6], $0x80, s5, s6, $0xb8;
	[tilespmem:$0x1E380] =	vst v63  }
0x1da: {  	s5 =	sadd.s32 @!p0 $0x31C0, s1;
	s7 =	simm.s32 @!p0 $0x8980  }
0x1db: {  	[tilespmem:s7], [sflag:$0x1] =	stream.indirect.gather @!p0 [hbm4b:s2+s6], $0x80, s5, s6, $0xb8;
	[tilespmem:$0x1E380] =	vst v63  }
0x1dc: {  	s5 =	sadd.s32 @!p0 $0x3200, s1;
	s7 =	simm.s32 @!p0 $0xA980  }
0x1dd: {  	[tilespmem:s7], [sflag:$0x1] =	stream.indirect.gather @!p0 [hbm4b:s2+s6], $0x80, s5, s6, $0xb8;
	[tilespmem:$0x1E380] =	vst v63  }
0x1de: {  	s5 =	sadd.s32 @!p0 $0x3240, s1;
	s7 =	simm.s32 @!p0 $0xC980  }
0x1df: {  	[tilespmem:s7], [sflag:$0x1] =	stream.indirect.gather @!p0 [hbm4b:s2+s6], $0x80, s5, s6, $0xb8;
	[tilespmem:$0x1E380] =	vst v63  }
0x1e0: {  	s1 =	sadd.s32 @!p0 $0x3280, s1;
	s5 =	simm.s32 @!p0 $0xE980  }
0x1e1: {  	[tilespmem:s5], [sflag:$0x1] =	stream.indirect.gather @!p0 [hbm4b:s2+s6], $0x80, s1, s6, $0xb8;
	[tilespmem:$0x1E380] =	vst v63  }
0x1e2: {  	_ =	swait.ge [sflag:s24], $0x800  }
0x1e3: {  	[sflag:s24] =	ssyncset.done $0x0  }
0x1e4: {  	[sflag:s24] =	ssyncadd.s32 $0xFFFFF800  }
0x1e5: {  	_ =	swait.ge [sflag:s24], $0x800  }
0x1e6: {  	[sflag:s24] =	ssyncset.done $0x0  }
0x1e7: {  	[sflag:s24] =	ssyncadd.s32 $0xFFFFF800  }
0x1e8: {  	_ =	swait.ge [sflag:s24], $0x2000  }
0x1e9: {  	[sflag:s24] =	ssyncset.done $0x0  }
0x1ea: {  	[sflag:s24] =	ssyncadd.s32 $0xFFFFE000  }
0x1eb: {  	_ =	swait.ge [sflag:s24], $0x2000  }
0x1ec: {  	[sflag:s24] =	ssyncset.done $0x0  }
0x1ed: {  	[sflag:s24] =	ssyncadd.s32 $0xFFFFE000  }
0x1ee: {  	_ =	swait.ge [sflag:s24], $0x2000  }
0x1ef: {  	[sflag:s24] =	ssyncset.done $0x0  }
0x1f0: {  	[sflag:s24] =	ssyncadd.s32 $0xFFFFE000  }
0x1f1: {  	_ =	swait.ge [sflag:s24], $0x2000  }
0x1f2: {  	[sflag:s24] =	ssyncset.done $0x0  }
0x1f3: {  	s19 =	smov.u32 s0;
	s26 =	smov.u32 s25;
	[sflag:s24] =	ssyncadd.s32 $0xFFFFE000  }
0x1f4: {  	s31 =	smov.u32 s13;
	s14 =	simm.s32 $0x0;
	_ =	swait.ge [sflag:s24], $0x2000  }
0x1f5: {  	s10 =	simm.s32 $0x0;
	s7 =	smov.u32 s3;
	[sflag:s24] =	ssyncset.done $0x0  }
0x1f6: {  	s6 =	smov.u32 s11;
	s5 =	smov.u32 s12;
	[sflag:s24] =	ssyncadd.s32 $0xFFFFE000  }
.LBB2_9:
0x1f7: {  	v0 =	vld [tilespmem:s7+$0x0];
	_ =	sdelay $0x1  }
0x1f8: {  	v1 =	vld [tilespmem:s31+$0x0];
	_ =	sdelay $0x2  }
0x1f9: {  	(v2sf) =	vpush v0, $0x0;
	_ =	sdelay $0x1  }
0x1fa: {  	(v2sf) =	vpush v1, $0x0;
	_ =	sdelay $0xc  }
0x1fb: {  	s1 =	spop (v2sf)  }
0x1fc: {  	s1 =	sshrl.u32 s1, $0x6  }
0x1fd: {  	s17 =	sshra.s32 s10, $0x2;
	s16 =	spop (v2sf);
	s1 =	sand.u32 $0x100, s1  }
0x1fe: {  	s16 =	sshrl.u32 s16, $0x6;
	s15 =	sadd.s32 s1, s10;
	s1 =	sshrl.u32 s1, $0x2  }
0x1ff: {  	s16 =	sand.u32 $0x100, s16;
	s15 =	sshra.s32 s15, $0x2;
	s1 =	sadd.s32 s17, s1  }
0x200: {  	s18 =	sadd.s32 s16, s10;
	s16 =	sshrl.u32 s16, $0x2;
	v0 =	vld [tilespmem:s15+$0x10980];
	s1 =	sadd.s32 $0x10980, s1  }
0x201: {  	s18 =	sshra.s32 s18, $0x2;
	s16 =	sadd.s32 s17, s16;
	v1 =	vld [tilespmem:s1+$0x10]  }
0x202: {  	v4 =	vld [tilespmem:s18+$0x11180];
	s16 =	sadd.s32 $0x11180, s16  }
0x203: {  	v5 =	vld [tilespmem:s16+$0x10]  }
0x204: {  	v2 =	vld [tilespmem:s1+$0x20]  }
0x205: {  	v6 =	vld [tilespmem:s16+$0x20]  }
0x206: {  	v3 =	vld [tilespmem:s15+$0x109B0]  }
0x207: {  	v7 =	vld [tilespmem:s18+$0x111B0]  }
0x208: {  	v4 =	vmul.f32 v4, v0;
	v5 =	vmul.f32 v5, v1;
	_ =	sdelay $0x1  }
0x209: {  	v45 =	vmul.f32 v6, v2;
	v4 =	vadd.f32 v5, v4;
	_ =	sdelay $0x1  }
0x20a: {  	v46 =	vmul.f32 v7, v3;
	v4 =	vadd.f32 v45, v4;
	_ =	sdelay $0x1  }
0x20b: {  	v4 =	vadd.f32 v46, v4;
	_ =	sdelay $0x1  }
0x20c: {  	(xrf2) =	vadd.scan.msk.f32 $0xffff, v4;
	_ =	sdelay $0x5  }
0x20d: {  	v47 =	vmov s26;
	_ =	sdelay $0x3  }
0x20e: {  	v48, _, _ =	vpop (xrf2)  }
0x20f: {  	[tilespmem:v47+s22+$0x0] =	vst.idx.msk vm0, v48  }
0x210: {  	v4 =	vld [tilespmem:s6+$0xFFFFFFFC];
	_ =	sdelay $0x4  }
0x211: {  	v5 =	vshrl.u32 v4, $0x8  }
0x212: {  	(v2sf) =	vpush v5, $0x1  }
0x213: {  	(v2sf) =	vpush v5, $0x0;
	_ =	sdelay $0xd  }
0x214: {  	s1 =	spop (v2sf)  }
0x215: {  	s16 =	spop (v2sf)  }
0x216: {  	s15 =	sshra.s32 s14, $0x2;
	s17 =	sand.u32 $0x40, s16  }
0x217: {  	s16 =	sadd.s32 s15, s17  }
0x218: {  	s18 =	sadd.s32 $0x11980, s16;
	v49 =	vld [tilespmem:s16+$0x11980]  }
0x219: {  	v50 =	vld [tilespmem:s18+$0x10];
	_ =	sdelay $0x1  }
0x21a: {  	v51 =	vld [tilespmem:s18+$0x20];
	_ =	sdelay $0x1  }
0x21b: {  	v8 =	vld [tilespmem:s18+$0x30]  }
0x21c: {  	v4 =	vmul.f32 v49, v0;
	v6 =	vmul.f32 v50, v1;
	_ =	sdelay $0x1  }
0x21d: {  	v52 =	vmul.f32 v51, v2;
	v4 =	vadd.f32 v6, v4;
	_ =	sdelay $0x1  }
0x21e: {  	v53 =	vmul.f32 v8, v3;
	v4 =	vadd.f32 v52, v4;
	_ =	sdelay $0x1  }
0x21f: {  	v4 =	vadd.f32 v53, v4;
	_ =	sdelay $0x1  }
0x220: {  	(xrf2) =	vadd.scan.msk.f32 $0xffff, v4;
	_ =	sdelay $0x1  }
0x221: {  	s0 =	sadd.s32 $0xFFFFFFED, s5  }
0x222: {  	v54 =	vmov s0  }
0x223: {  	v4 =	vand.u32 $0xFFFFFFFC, v54  }
0x224: {  	v55 =	vbroadcast v4, $0x0;
	_ =	sdelay $0x3  }
0x225: {  	s1 =	sand.u32 $0x40, s1  }
0x226: {  	s1 =	sadd.s32 s15, s1;
	v56, _, _ =	vpop (xrf2)  }
0x227: {  	s1 =	sadd.s32 $0x11980, s1;
	v4 =	vld [tilespmem:s6+$0x0];
	[tilespmem:v55+s23+$0x0] =	vst.idx.msk vm0, v56  }
0x228: {  	v6 =	vld [tilespmem:s1+$0x80]  }
0x229: {  	v7 =	vld [tilespmem:s1+$0x90];
	_ =	sdelay $0x1  }
0x22a: {  	v57 =	vld [tilespmem:s1+$0xA0];
	_ =	sdelay $0x1  }
0x22b: {  	v9 =	vld [tilespmem:s1+$0xB0]  }
0x22c: {  	(v2sf) =	vpush v5, $0x3;
	v6 =	vmul.f32 v6, v0;
	v7 =	vmul.f32 v7, v1  }
0x22d: {  	(v2sf) =	vpush v5, $0x2  }
0x22e: {  	v58 =	vmul.f32 v57, v2;
	v6 =	vadd.f32 v7, v6;
	_ =	sdelay $0x1  }
0x22f: {  	v59 =	vmul.f32 v9, v3;
	v6 =	vadd.f32 v58, v6;
	_ =	sdelay $0x1  }
0x230: {  	v6 =	vadd.f32 v59, v6;
	_ =	sdelay $0x1  }
0x231: {  	(xrf2) =	vadd.scan.msk.f32 $0xffff, v6;
	_ =	sdelay $0x1  }
0x232: {  	s16 =	sadd.s32 $0xFFFFFFEE, s5  }
0x233: {  	v60 =	vmov s16  }
0x234: {  	v6 =	vand.u32 $0xFFFFFFFD, v60  }
0x235: {  	v6 =	vbroadcast v6, $0x0;
	_ =	sdelay $0x1  }
0x236: {  	s17 =	spop (v2sf)  }
0x237: {  	s18 =	spop (v2sf)  }
0x238: {  	s16 =	sand.u32 $0x40, s18  }
0x239: {  	s16 =	sadd.s32 s15, s16;
	v61, _, _ =	vpop (xrf2)  }
0x23a: {  	s16 =	sadd.s32 $0x11980, s16;
	[tilespmem:v6+s23+$0x0] =	vst.idx.msk vm0, v61  }
0x23b: {  	v6 =	vld [tilespmem:s16+$0x100]  }
0x23c: {  	v7 =	vld [tilespmem:s16+$0x110];
	_ =	sdelay $0x1  }
0x23d: {  	v62 =	vld [tilespmem:s16+$0x120];
	_ =	sdelay $0x1  }
0x23e: {  	v63 =	vld [tilespmem:s16+$0x130]  }
0x23f: {  	v6 =	vmul.f32 v6, v0;
	v7 =	vmul.f32 v7, v1;
	_ =	sdelay $0x1  }
0x240: {  	v10 =	vmul.f32 v62, v2;
	v6 =	vadd.f32 v7, v6;
	_ =	sdelay $0x1  }
0x241: {  	v11 =	vmul.f32 v63, v3;
	v6 =	vadd.f32 v10, v6;
	_ =	sdelay $0x1  }
0x242: {  	v6 =	vadd.f32 v11, v6;
	_ =	sdelay $0x1  }
0x243: {  	(xrf2) =	vadd.scan.msk.f32 $0xffff, v6;
	_ =	sdelay $0x1  }
0x244: {  	s0 =	sadd.s32 $0xFFFFFFEF, s5  }
0x245: {  	v12 =	vmov s0  }
0x246: {  	v6 =	vand.u32 $0xFFFFFFFE, v12  }
0x247: {  	v6 =	vbroadcast v6, $0x0;
	_ =	sdelay $0x3  }
0x248: {  	s1 =	sand.u32 $0x40, s17  }
0x249: {  	s1 =	sadd.s32 s15, s1;
	v13, _, _ =	vpop (xrf2)  }
0x24a: {  	s1 =	sadd.s32 $0x11980, s1;
	[tilespmem:v6+s23+$0x0] =	vst.idx.msk vm0, v13  }
0x24b: {  	v6 =	vld [tilespmem:s1+$0x180]  }
0x24c: {  	v7 =	vld [tilespmem:s1+$0x190];
	_ =	sdelay $0x1  }
0x24d: {  	v14 =	vld [tilespmem:s1+$0x1A0];
	_ =	sdelay $0x1  }
0x24e: {  	v15 =	vld [tilespmem:s1+$0x1B0]  }
0x24f: {  	(v2sf) =	vpush v5, $0x5;
	v6 =	vmul.f32 v6, v0;
	v7 =	vmul.f32 v7, v1  }
0x250: {  	(v2sf) =	vpush v5, $0x4  }
0x251: {  	v16 =	vmul.f32 v14, v2;
	v6 =	vadd.f32 v7, v6;
	_ =	sdelay $0x1  }
0x252: {  	v17 =	vmul.f32 v15, v3;
	v6 =	vadd.f32 v16, v6;
	_ =	sdelay $0x1  }
0x253: {  	v6 =	vadd.f32 v17, v6;
	_ =	sdelay $0x1  }
0x254: {  	(xrf2) =	vadd.scan.msk.f32 $0xffff, v6;
	_ =	sdelay $0x4  }
0x255: {  	s16 =	sadd.s32 $0xFFFFFFF0, s5  }
0x256: {  	v18 =	vmov s16  }
0x257: {  	s17 =	spop (v2sf)  }
0x258: {  	s18 =	spop (v2sf)  }
0x259: {  	s16 =	sand.u32 $0x40, s18  }
0x25a: {  	s16 =	sadd.s32 s15, s16;
	v19, _, _ =	vpop (xrf2)  }
0x25b: {  	s16 =	sadd.s32 $0x11980, s16;
	[tilespmem:v18+s23+$0x0] =	vst.idx.msk vm0, v19  }
0x25c: {  	v6 =	vld [tilespmem:s16+$0x200]  }
0x25d: {  	v7 =	vld [tilespmem:s16+$0x210];
	_ =	sdelay $0x1  }
0x25e: {  	v20 =	vld [tilespmem:s16+$0x220];
	_ =	sdelay $0x1  }
0x25f: {  	v21 =	vld [tilespmem:s16+$0x230]  }
0x260: {  	v6 =	vmul.f32 v6, v0;
	v7 =	vmul.f32 v7, v1;
	_ =	sdelay $0x1  }
0x261: {  	v22 =	vmul.f32 v20, v2;
	v6 =	vadd.f32 v7, v6;
	_ =	sdelay $0x1  }
0x262: {  	v23 =	vmul.f32 v21, v3;
	v6 =	vadd.f32 v22, v6;
	_ =	sdelay $0x1  }
0x263: {  	v6 =	vadd.f32 v23, v6;
	_ =	sdelay $0x1  }
0x264: {  	(xrf2) =	vadd.scan.msk.f32 $0xffff, v6;
	_ =	sdelay $0x1  }
0x265: {  	s0 =	sadd.s32 $0xFFFFFFF1, s5  }
0x266: {  	v24 =	vmov s0  }
0x267: {  	v6 =	vand.u32 $0xFFFFFFFC, v24  }
0x268: {  	v6 =	vbroadcast v6, $0x0;
	_ =	sdelay $0x3  }
0x269: {  	s1 =	sand.u32 $0x40, s17  }
0x26a: {  	s1 =	sadd.s32 s15, s1;
	v25, _, _ =	vpop (xrf2)  }
0x26b: {  	s1 =	sadd.s32 $0x11980, s1;
	[tilespmem:v6+s23+$0x0] =	vst.idx.msk vm0, v25  }
0x26c: {  	v6 =	vld [tilespmem:s1+$0x280]  }
0x26d: {  	v7 =	vld [tilespmem:s1+$0x290];
	_ =	sdelay $0x1  }
0x26e: {  	v26 =	vld [tilespmem:s1+$0x2A0];
	_ =	sdelay $0x1  }
0x26f: {  	v27 =	vld [tilespmem:s1+$0x2B0]  }
0x270: {  	(v2sf) =	vpush v5, $0x7;
	v6 =	vmul.f32 v6, v0;
	v7 =	vmul.f32 v7, v1  }
0x271: {  	(v2sf) =	vpush v5, $0x6  }
0x272: {  	v28 =	vmul.f32 v26, v2;
	v6 =	vadd.f32 v7, v6;
	_ =	sdelay $0x1  }
0x273: {  	v29 =	vmul.f32 v27, v3;
	v6 =	vadd.f32 v28, v6;
	_ =	sdelay $0x1  }
0x274: {  	v6 =	vadd.f32 v29, v6;
	_ =	sdelay $0x1  }
0x275: {  	(xrf2) =	vadd.scan.msk.f32 $0xffff, v6;
	_ =	sdelay $0x1  }
0x276: {  	s16 =	sadd.s32 $0xFFFFFFF2, s5  }
0x277: {  	v30 =	vmov s16  }
0x278: {  	v6 =	vand.u32 $0xFFFFFFFD, v30  }
0x279: {  	v6 =	vbroadcast v6, $0x0;
	_ =	sdelay $0x1  }
0x27a: {  	s17 =	spop (v2sf)  }
0x27b: {  	s18 =	spop (v2sf)  }
0x27c: {  	s16 =	sand.u32 $0x40, s18  }
0x27d: {  	s16 =	sadd.s32 s15, s16;
	v31, _, _ =	vpop (xrf2)  }
0x27e: {  	s16 =	sadd.s32 $0x11980, s16;
	[tilespmem:v6+s23+$0x0] =	vst.idx.msk vm0, v31  }
0x27f: {  	v6 =	vld [tilespmem:s16+$0x300]  }
0x280: {  	v7 =	vld [tilespmem:s16+$0x310];
	_ =	sdelay $0x1  }
0x281: {  	v32 =	vld [tilespmem:s16+$0x320];
	_ =	sdelay $0x1  }
0x282: {  	v33 =	vld [tilespmem:s16+$0x330]  }
0x283: {  	v6 =	vmul.f32 v6, v0;
	v7 =	vmul.f32 v7, v1;
	_ =	sdelay $0x1  }
0x284: {  	v34 =	vmul.f32 v32, v2;
	v6 =	vadd.f32 v7, v6;
	_ =	sdelay $0x1  }
0x285: {  	v35 =	vmul.f32 v33, v3;
	v6 =	vadd.f32 v34, v6;
	_ =	sdelay $0x1  }
0x286: {  	v6 =	vadd.f32 v35, v6;
	_ =	sdelay $0x1  }
0x287: {  	(xrf2) =	vadd.scan.msk.f32 $0xffff, v6;
	_ =	sdelay $0x1  }
0x288: {  	s0 =	sadd.s32 $0xFFFFFFF3, s5  }
0x289: {  	v36 =	vmov s0  }
0x28a: {  	v6 =	vand.u32 $0xFFFFFFFE, v36  }
0x28b: {  	v6 =	vbroadcast v6, $0x0;
	_ =	sdelay $0x3  }
0x28c: {  	s1 =	sand.u32 $0x40, s17  }
0x28d: {  	s1 =	sadd.s32 s15, s1;
	v37, _, _ =	vpop (xrf2)  }
0x28e: {  	s1 =	sadd.s32 $0x11980, s1;
	[tilespmem:v6+s23+$0x0] =	vst.idx.msk vm0, v37  }
0x28f: {  	v6 =	vld [tilespmem:s1+$0x380]  }
0x290: {  	v7 =	vld [tilespmem:s1+$0x390];
	_ =	sdelay $0x1  }
0x291: {  	v38 =	vld [tilespmem:s1+$0x3A0];
	_ =	sdelay $0x1  }
0x292: {  	v39 =	vld [tilespmem:s1+$0x3B0]  }
0x293: {  	(v2sf) =	vpush v5, $0x9;
	v6 =	vmul.f32 v6, v0;
	v7 =	vmul.f32 v7, v1  }
0x294: {  	(v2sf) =	vpush v5, $0x8  }
0x295: {  	v40 =	vmul.f32 v38, v2;
	v6 =	vadd.f32 v7, v6;
	_ =	sdelay $0x1  }
0x296: {  	v41 =	vmul.f32 v39, v3;
	v6 =	vadd.f32 v40, v6;
	_ =	sdelay $0x1  }
0x297: {  	v6 =	vadd.f32 v41, v6;
	_ =	sdelay $0x1  }
0x298: {  	(xrf2) =	vadd.scan.msk.f32 $0xffff, v6;
	_ =	sdelay $0x4  }
0x299: {  	s16 =	sadd.s32 $0xFFFFFFF4, s5  }
0x29a: {  	v42 =	vmov s16  }
0x29b: {  	s17 =	spop (v2sf)  }
0x29c: {  	s18 =	spop (v2sf)  }
0x29d: {  	s16 =	sand.u32 $0x40, s18  }
0x29e: {  	s16 =	sadd.s32 s15, s16;
	v43, _, _ =	vpop (xrf2)  }
0x29f: {  	s16 =	sadd.s32 $0x11980, s16;
	[tilespmem:v42+s23+$0x0] =	vst.idx.msk vm0, v43  }
0x2a0: {  	v6 =	vld [tilespmem:s16+$0x400]  }
0x2a1: {  	v7 =	vld [tilespmem:s16+$0x410];
	_ =	sdelay $0x1  }
0x2a2: {  	v44 =	vld [tilespmem:s16+$0x420];
	_ =	sdelay $0x1  }
0x2a3: {  	v45 =	vld [tilespmem:s16+$0x430]  }
0x2a4: {  	v6 =	vmul.f32 v6, v0;
	v7 =	vmul.f32 v7, v1;
	_ =	sdelay $0x1  }
0x2a5: {  	v46 =	vmul.f32 v44, v2;
	v6 =	vadd.f32 v7, v6;
	_ =	sdelay $0x1  }
0x2a6: {  	v47 =	vmul.f32 v45, v3;
	v6 =	vadd.f32 v46, v6;
	_ =	sdelay $0x1  }
0x2a7: {  	v6 =	vadd.f32 v47, v6;
	_ =	sdelay $0x1  }
0x2a8: {  	(xrf2) =	vadd.scan.msk.f32 $0xffff, v6;
	_ =	sdelay $0x1  }
0x2a9: {  	s0 =	sadd.s32 $0xFFFFFFF5, s5  }
0x2aa: {  	v48 =	vmov s0  }
0x2ab: {  	v6 =	vand.u32 $0xFFFFFFFC, v48  }
0x2ac: {  	v6 =	vbroadcast v6, $0x0;
	_ =	sdelay $0x3  }
0x2ad: {  	s1 =	sand.u32 $0x40, s17  }
0x2ae: {  	s1 =	sadd.s32 s15, s1;
	v49, _, _ =	vpop (xrf2)  }
0x2af: {  	s1 =	sadd.s32 $0x11980, s1;
	[tilespmem:v6+s23+$0x0] =	vst.idx.msk vm0, v49  }
0x2b0: {  	v6 =	vld [tilespmem:s1+$0x480]  }
0x2b1: {  	v7 =	vld [tilespmem:s1+$0x490];
	_ =	sdelay $0x1  }
0x2b2: {  	v50 =	vld [tilespmem:s1+$0x4A0];
	_ =	sdelay $0x1  }
0x2b3: {  	v51 =	vld [tilespmem:s1+$0x4B0]  }
0x2b4: {  	(v2sf) =	vpush v5, $0xB;
	v6 =	vmul.f32 v6, v0;
	v7 =	vmul.f32 v7, v1  }
0x2b5: {  	(v2sf) =	vpush v5, $0xA  }
0x2b6: {  	v52 =	vmul.f32 v50, v2;
	v6 =	vadd.f32 v7, v6;
	_ =	sdelay $0x1  }
0x2b7: {  	v53 =	vmul.f32 v51, v3;
	v6 =	vadd.f32 v52, v6;
	_ =	sdelay $0x1  }
0x2b8: {  	v6 =	vadd.f32 v53, v6;
	_ =	sdelay $0x1  }
0x2b9: {  	(xrf2) =	vadd.scan.msk.f32 $0xffff, v6;
	_ =	sdelay $0x1  }
0x2ba: {  	s16 =	sadd.s32 $0xFFFFFFF6, s5  }
0x2bb: {  	v54 =	vmov s16  }
0x2bc: {  	v6 =	vand.u32 $0xFFFFFFFD, v54  }
0x2bd: {  	v6 =	vbroadcast v6, $0x0;
	_ =	sdelay $0x1  }
0x2be: {  	s17 =	spop (v2sf)  }
0x2bf: {  	s18 =	spop (v2sf)  }
0x2c0: {  	s16 =	sand.u32 $0x40, s18  }
0x2c1: {  	s16 =	sadd.s32 s15, s16;
	v55, _, _ =	vpop (xrf2)  }
0x2c2: {  	s16 =	sadd.s32 $0x11980, s16;
	[tilespmem:v6+s23+$0x0] =	vst.idx.msk vm0, v55  }
0x2c3: {  	v6 =	vld [tilespmem:s16+$0x500]  }
0x2c4: {  	v7 =	vld [tilespmem:s16+$0x510];
	_ =	sdelay $0x1  }
0x2c5: {  	v56 =	vld [tilespmem:s16+$0x520];
	_ =	sdelay $0x1  }
0x2c6: {  	v57 =	vld [tilespmem:s16+$0x530]  }
0x2c7: {  	v6 =	vmul.f32 v6, v0;
	v7 =	vmul.f32 v7, v1;
	_ =	sdelay $0x1  }
0x2c8: {  	v58 =	vmul.f32 v56, v2;
	v6 =	vadd.f32 v7, v6;
	_ =	sdelay $0x1  }
0x2c9: {  	v59 =	vmul.f32 v57, v3;
	v6 =	vadd.f32 v58, v6;
	_ =	sdelay $0x1  }
0x2ca: {  	v6 =	vadd.f32 v59, v6;
	_ =	sdelay $0x1  }
0x2cb: {  	(xrf2) =	vadd.scan.msk.f32 $0xffff, v6;
	_ =	sdelay $0x1  }
0x2cc: {  	s0 =	sadd.s32 $0xFFFFFFF7, s5  }
0x2cd: {  	v60 =	vmov s0  }
0x2ce: {  	v6 =	vand.u32 $0xFFFFFFFE, v60  }
0x2cf: {  	v6 =	vbroadcast v6, $0x0;
	_ =	sdelay $0x3  }
0x2d0: {  	s1 =	sand.u32 $0x40, s17  }
0x2d1: {  	s1 =	sadd.s32 s15, s1;
	v61, _, _ =	vpop (xrf2)  }
0x2d2: {  	s1 =	sadd.s32 $0x11980, s1;
	[tilespmem:v6+s23+$0x0] =	vst.idx.msk vm0, v61  }
0x2d3: {  	v6 =	vld [tilespmem:s1+$0x580]  }
0x2d4: {  	v7 =	vld [tilespmem:s1+$0x590];
	_ =	sdelay $0x1  }
0x2d5: {  	v62 =	vld [tilespmem:s1+$0x5A0];
	_ =	sdelay $0x1  }
0x2d6: {  	v63 =	vld [tilespmem:s1+$0x5B0]  }
0x2d7: {  	(v2sf) =	vpush v5, $0xD;
	v6 =	vmul.f32 v6, v0;
	v7 =	vmul.f32 v7, v1  }
0x2d8: {  	(v2sf) =	vpush v5, $0xC  }
0x2d9: {  	v10 =	vmul.f32 v62, v2;
	v6 =	vadd.f32 v7, v6;
	_ =	sdelay $0x1  }
0x2da: {  	v11 =	vmul.f32 v63, v3;
	v6 =	vadd.f32 v10, v6;
	_ =	sdelay $0x1  }
0x2db: {  	v6 =	vadd.f32 v11, v6;
	_ =	sdelay $0x1  }
0x2dc: {  	(xrf2) =	vadd.scan.msk.f32 $0xffff, v6;
	_ =	sdelay $0x4  }
0x2dd: {  	s16 =	sadd.s32 $0xFFFFFFF8, s5  }
0x2de: {  	v12 =	vmov s16  }
0x2df: {  	s17 =	spop (v2sf)  }
0x2e0: {  	s18 =	spop (v2sf)  }
0x2e1: {  	s16 =	sand.u32 $0x40, s18  }
0x2e2: {  	s16 =	sadd.s32 s15, s16;
	v13, _, _ =	vpop (xrf2)  }
0x2e3: {  	s16 =	sadd.s32 $0x11980, s16;
	[tilespmem:v12+s23+$0x0] =	vst.idx.msk vm0, v13  }
0x2e4: {  	v6 =	vld [tilespmem:s16+$0x600]  }
0x2e5: {  	v7 =	vld [tilespmem:s16+$0x610];
	_ =	sdelay $0x1  }
0x2e6: {  	v14 =	vld [tilespmem:s16+$0x620];
	_ =	sdelay $0x1  }
0x2e7: {  	v15 =	vld [tilespmem:s16+$0x630]  }
0x2e8: {  	v6 =	vmul.f32 v6, v0;
	v7 =	vmul.f32 v7, v1;
	_ =	sdelay $0x1  }
0x2e9: {  	v16 =	vmul.f32 v14, v2;
	v6 =	vadd.f32 v7, v6;
	_ =	sdelay $0x1  }
0x2ea: {  	v17 =	vmul.f32 v15, v3;
	v6 =	vadd.f32 v16, v6;
	_ =	sdelay $0x1  }
0x2eb: {  	v6 =	vadd.f32 v17, v6;
	_ =	sdelay $0x1  }
0x2ec: {  	(xrf2) =	vadd.scan.msk.f32 $0xffff, v6;
	_ =	sdelay $0x1  }
0x2ed: {  	s0 =	sadd.s32 $0xFFFFFFF9, s5  }
0x2ee: {  	v18 =	vmov s0  }
0x2ef: {  	v6 =	vand.u32 $0xFFFFFFFC, v18  }
0x2f0: {  	v6 =	vbroadcast v6, $0x0;
	_ =	sdelay $0x3  }
0x2f1: {  	s1 =	sand.u32 $0x40, s17  }
0x2f2: {  	s1 =	sadd.s32 s15, s1;
	v19, _, _ =	vpop (xrf2)  }
0x2f3: {  	s1 =	sadd.s32 $0x11980, s1;
	[tilespmem:v6+s23+$0x0] =	vst.idx.msk vm0, v19  }
0x2f4: {  	v6 =	vld [tilespmem:s1+$0x680]  }
0x2f5: {  	v7 =	vld [tilespmem:s1+$0x690];
	_ =	sdelay $0x1  }
0x2f6: {  	v20 =	vld [tilespmem:s1+$0x6A0];
	_ =	sdelay $0x1  }
0x2f7: {  	v21 =	vld [tilespmem:s1+$0x6B0]  }
0x2f8: {  	(v2sf) =	vpush v5, $0xF;
	v6 =	vmul.f32 v6, v0;
	v7 =	vmul.f32 v7, v1  }
0x2f9: {  	(v2sf) =	vpush v5, $0xE  }
0x2fa: {  	v23 =	vmul.f32 v20, v2;
	v22 =	vadd.f32 v7, v6;
	_ =	sdelay $0x1  }
0x2fb: {  	v24 =	vmul.f32 v21, v3;
	v5 =	vadd.f32 v23, v22;
	_ =	sdelay $0x1  }
0x2fc: {  	v5 =	vadd.f32 v24, v5;
	_ =	sdelay $0x1  }
0x2fd: {  	(xrf2) =	vadd.scan.msk.f32 $0xffff, v5;
	_ =	sdelay $0x1  }
0x2fe: {  	s16 =	sadd.s32 $0xFFFFFFFA, s5  }
0x2ff: {  	v25 =	vmov s16  }
0x300: {  	v5 =	vand.u32 $0xFFFFFFFD, v25  }
0x301: {  	v5 =	vbroadcast v5, $0x0;
	_ =	sdelay $0x1  }
0x302: {  	s17 =	spop (v2sf)  }
0x303: {  	s18 =	spop (v2sf)  }
0x304: {  	s16 =	sand.u32 $0x40, s18  }
0x305: {  	s16 =	sadd.s32 s15, s16;
	v26, _, _ =	vpop (xrf2)  }
0x306: {  	s16 =	sadd.s32 $0x11980, s16;
	[tilespmem:v5+s23+$0x0] =	vst.idx.msk vm0, v26  }
0x307: {  	v5 =	vld [tilespmem:s16+$0x700]  }
0x308: {  	v6 =	vld [tilespmem:s16+$0x710];
	_ =	sdelay $0x1  }
0x309: {  	v27 =	vld [tilespmem:s16+$0x720];
	_ =	sdelay $0x1  }
0x30a: {  	v28 =	vld [tilespmem:s16+$0x730]  }
0x30b: {  	v5 =	vmul.f32 v5, v0;
	v6 =	vmul.f32 v6, v1;
	_ =	sdelay $0x1  }
0x30c: {  	v29 =	vmul.f32 v27, v2;
	v5 =	vadd.f32 v6, v5;
	_ =	sdelay $0x1  }
0x30d: {  	v30 =	vmul.f32 v28, v3;
	v5 =	vadd.f32 v29, v5;
	_ =	sdelay $0x1  }
0x30e: {  	v5 =	vadd.f32 v30, v5;
	_ =	sdelay $0x1  }
0x30f: {  	(xrf2) =	vadd.scan.msk.f32 $0xffff, v5;
	_ =	sdelay $0x1  }
0x310: {  	s0 =	sadd.s32 $0xFFFFFFFB, s5  }
0x311: {  	v31 =	vmov s0  }
0x312: {  	v5 =	vand.u32 $0xFFFFFFFE, v31  }
0x313: {  	v5 =	vbroadcast v5, $0x0;
	_ =	sdelay $0x3  }
0x314: {  	s1 =	sand.u32 $0x40, s17  }
0x315: {  	s1 =	sadd.s32 s15, s1;
	v32, _, _ =	vpop (xrf2)  }
0x316: {  	s1 =	sadd.s32 $0x11980, s1;
	[tilespmem:v5+s23+$0x0] =	vst.idx.msk vm0, v32  }
0x317: {  	v5 =	vld [tilespmem:s1+$0x780]  }
0x318: {  	v6 =	vld [tilespmem:s1+$0x790];
	_ =	sdelay $0x1  }
0x319: {  	v33 =	vld [tilespmem:s1+$0x7A0];
	_ =	sdelay $0x1  }
0x31a: {  	v4 =	vshrl.u32 v4, $0x8;
	v34 =	vld [tilespmem:s1+$0x7B0]  }
0x31b: {  	(v2sf) =	vpush v4, $0xD;
	v5 =	vmul.f32 v5, v0;
	v6 =	vmul.f32 v6, v1  }
0x31c: {  	(v2sf) =	vpush v4, $0xC  }
0x31d: {  	v35 =	vmul.f32 v33, v2;
	v5 =	vadd.f32 v6, v5;
	_ =	sdelay $0x1  }
0x31e: {  	v36 =	vmul.f32 v34, v3;
	v5 =	vadd.f32 v35, v5;
	_ =	sdelay $0x1  }
0x31f: {  	v5 =	vadd.f32 v36, v5;
	_ =	sdelay $0x1  }
0x320: {  	(xrf2) =	vadd.scan.msk.f32 $0xffff, v5;
	_ =	sdelay $0x4  }
0x321: {  	s17 =	sadd.s32 $0xFFFFFFFC, s5  }
0x322: {  	v37 =	vmov s17  }
0x323: {  	s18 =	spop (v2sf)  }
0x324: {  	s0 =	spop (v2sf)  }
0x325: {  	s16 =	sand.u32 $0x40, s0  }
0x326: {  	s16 =	sadd.s32 s15, s16;
	v38, _, _ =	vpop (xrf2)  }
0x327: {  	s16 =	sadd.s32 $0x11980, s16;
	[tilespmem:v37+s23+$0x0] =	vst.idx.msk vm0, v38  }
0x328: {  	v5 =	vld [tilespmem:s16+$0x800]  }
0x329: {  	v6 =	vld [tilespmem:s16+$0x810];
	_ =	sdelay $0x1  }
0x32a: {  	v39 =	vld [tilespmem:s16+$0x820];
	_ =	sdelay $0x1  }
0x32b: {  	v40 =	vld [tilespmem:s16+$0x830]  }
0x32c: {  	v5 =	vmul.f32 v5, v0;
	v6 =	vmul.f32 v6, v1;
	_ =	sdelay $0x1  }
0x32d: {  	v41 =	vmul.f32 v39, v2;
	v5 =	vadd.f32 v6, v5;
	_ =	sdelay $0x1  }
0x32e: {  	v42 =	vmul.f32 v40, v3;
	v5 =	vadd.f32 v41, v5;
	_ =	sdelay $0x1  }
0x32f: {  	v5 =	vadd.f32 v42, v5;
	_ =	sdelay $0x1  }
0x330: {  	(xrf2) =	vadd.scan.msk.f32 $0xffff, v5;
	_ =	sdelay $0x1  }
0x331: {  	s17 =	sadd.s32 $0xFFFFFFFD, s5  }
0x332: {  	v43 =	vmov s17  }
0x333: {  	v5 =	vand.u32 $0xFFFFFFFC, v43  }
0x334: {  	v5 =	vbroadcast v5, $0x0;
	_ =	sdelay $0x3  }
0x335: {  	s1 =	sand.u32 $0x40, s18  }
0x336: {  	s1 =	sadd.s32 s15, s1;
	v44, _, _ =	vpop (xrf2)  }
0x337: {  	s1 =	sadd.s32 $0x11980, s1;
	[tilespmem:v5+s23+$0x0] =	vst.idx.msk vm0, v44  }
0x338: {  	v5 =	vld [tilespmem:s1+$0x880]  }
0x339: {  	v6 =	vld [tilespmem:s1+$0x890];
	_ =	sdelay $0x1  }
0x33a: {  	v45 =	vld [tilespmem:s1+$0x8A0];
	_ =	sdelay $0x1  }
0x33b: {  	v46 =	vld [tilespmem:s1+$0x8B0]  }
0x33c: {  	(v2sf) =	vpush v4, $0xF;
	v5 =	vmul.f32 v5, v0;
	v6 =	vmul.f32 v6, v1  }
0x33d: {  	(v2sf) =	vpush v4, $0xE  }
0x33e: {  	v48 =	vmul.f32 v45, v2;
	v47 =	vadd.f32 v6, v5;
	_ =	sdelay $0x1  }
0x33f: {  	v49 =	vmul.f32 v46, v3;
	v4 =	vadd.f32 v48, v47;
	_ =	sdelay $0x1  }
0x340: {  	v4 =	vadd.f32 v49, v4;
	_ =	sdelay $0x1  }
0x341: {  	(xrf2) =	vadd.scan.msk.f32 $0xffff, v4;
	_ =	sdelay $0x1  }
0x342: {  	s18 =	sadd.s32 $0xFFFFFFFE, s5  }
0x343: {  	v50 =	vmov s18  }
0x344: {  	v4 =	vand.u32 $0xFFFFFFFD, v50  }
0x345: {  	v4 =	vbroadcast v4, $0x0;
	_ =	sdelay $0x1  }
0x346: {  	s0 =	spop (v2sf)  }
0x347: {  	s17 =	spop (v2sf)  }
0x348: {  	s16 =	sand.u32 $0x40, s17  }
0x349: {  	s16 =	sadd.s32 s15, s16;
	v51, _, _ =	vpop (xrf2)  }
0x34a: {  	s16 =	sadd.s32 $0x11980, s16;
	[tilespmem:v4+s23+$0x0] =	vst.idx.msk vm0, v51  }
0x34b: {  	v4 =	vld [tilespmem:s16+$0x900]  }
0x34c: {  	v5 =	vld [tilespmem:s16+$0x910];
	_ =	sdelay $0x1  }
0x34d: {  	v52 =	vld [tilespmem:s16+$0x920];
	_ =	sdelay $0x1  }
0x34e: {  	v53 =	vld [tilespmem:s16+$0x930]  }
0x34f: {  	v4 =	vmul.f32 v4, v0;
	v5 =	vmul.f32 v5, v1;
	_ =	sdelay $0x1  }
0x350: {  	v54 =	vmul.f32 v52, v2;
	v4 =	vadd.f32 v5, v4;
	_ =	sdelay $0x1  }
0x351: {  	v55 =	vmul.f32 v53, v3;
	v4 =	vadd.f32 v54, v4;
	_ =	sdelay $0x1  }
0x352: {  	v4 =	vadd.f32 v55, v4;
	_ =	sdelay $0x1  }
0x353: {  	(xrf2) =	vadd.scan.msk.f32 $0xffff, v4;
	_ =	sdelay $0x1  }
0x354: {  	s18 =	sadd.s32 $0xFFFFFFFF, s5  }
0x355: {  	v56 =	vmov s18  }
0x356: {  	v4 =	vand.u32 $0xFFFFFFFE, v56  }
0x357: {  	v4 =	vbroadcast v4, $0x0;
	_ =	sdelay $0x3  }
0x358: {  	s1 =	sand.u32 $0x40, s0  }
0x359: {  	s1 =	sadd.s32 s15, s1;
	v57, _, _ =	vpop (xrf2)  }
0x35a: {  	s1 =	sadd.s32 $0x11980, s1;
	[tilespmem:v4+s23+$0x0] =	vst.idx.msk vm0, v57  }
0x35b: {  	v4 =	vld [tilespmem:s1+$0x980]  }
0x35c: {  	v5 =	vld [tilespmem:s1+$0x990];
	_ =	sdelay $0x1  }
0x35d: {  	v58 =	vld [tilespmem:s1+$0x9A0];
	_ =	sdelay $0x1  }
0x35e: {  	v59 =	vld [tilespmem:s1+$0x9B0]  }
0x35f: {  	v0 =	vmul.f32 v4, v0;
	v1 =	vmul.f32 v5, v1;
	_ =	sdelay $0x1  }
0x360: {  	v60 =	vmul.f32 v58, v2;
	v0 =	vadd.f32 v1, v0;
	_ =	sdelay $0x1  }
0x361: {  	v61 =	vmul.f32 v59, v3;
	v0 =	vadd.f32 v60, v0;
	_ =	sdelay $0x1  }
0x362: {  	v0 =	vadd.f32 v61, v0;
	_ =	sdelay $0x1  }
0x363: {  	(xrf2) =	vadd.scan.msk.f32 $0xffff, v0;
	_ =	sdelay $0x5  }
0x364: {  	p0 =	sne.s32 s14, $0x25800;
	v62 =	vmov s5  }
.Ltmp3:
0x365: {  	_ = 	snop;
	(pc) =	sbr.rel @p0 .LBB2_9-.Ltmp3, $4  }
0x366: {  	_ = 	snop  }
0x367: {  	s7 =	sadd.s32 $0x1, s7  }
0x368: {  	s31 =	sadd.s32 $0x1, s31;
	s26 =	sadd.s32 $0x1, s26;
	s10 =	sadd.s32 $0x200, s10;
	v63, _, _ =	vpop (xrf2)  }
0x369: {  	s14 =	sadd.s32 $0x2800, s14;
	s6 =	sadd.s32 $0x14, s6;
	s5 =	sadd.s32 $0x14, s5;
	[tilespmem:v62+s23+$0x0] =	vst.idx.msk vm0, v63  }
0x36a: {  	s9 =	sadd.s32 $0x1, s9  }
0x36b: {  	p0 =	sne.s32 s9, $0x10  }
.Ltmp4:
0x36c: {  	_ = 	snop;
	(pc) =	sbr.rel @p0 .LBB2_6-.Ltmp4, $4  }
0x36d: {  	s8 =	sadd.s32 $0x20, s8;
	s28 =	sadd.s32 $0x280, s28  }
0x36e: {  	s4 =	sadd.s32 $0x20, s4;
	s29 =	sadd.s32 $0x20, s29;
	s30 =	sadd.s32 $0x280, s30  }
0x36f: {  	s3 =	sadd.s32 $0x20, s3;
	s13 =	sadd.s32 $0x20, s13;
	s25 =	sadd.s32 $0x20, s25  }
0x370: {  	s12 =	sadd.s32 $0x280, s12;
	s11 =	sadd.s32 $0x280, s11;
	s5 =	simm.s32 $0x0  }
0x371: {  	s3 =	sshra.s32 s5, $0x2;
	s4 =	sadd.s32 $0x40, s5;
	s1 =	rddreg [dreg:$0xe]  }
.LBB2_12:
0x372: {  	p0 =	sne.s32 s4, $0x7C0;
	v0 =	vld [tilespmem:s3+$0x1B980];
	_ =	sdelay $0x4  }
0x373: {  	v0 =	vsub.f32 $0.0e+00, v0;
	_ =	sdelay $0x1  }
0x374: {  	v0 =	vmul.f32 $1.442695020e+00, v0;
	_ =	sdelay $0x1  }
0x375: {  	(erf) = vpow2.f32 v0;
	_ =	sdelay $0x8  }
0x376: {  	v0 =	vpop (erf)  }
0x377: {  	v0 =	vadd.f32 $1.000000000e+00, v0;
	_ =	sdelay $0x1  }
0x378: {  	(erf) = vrcp.f32 v0;
	_ =	sdelay $0x5  }
.Ltmp5:
0x379: {  	(pc) =	sbr.rel @p0 .LBB2_12-.Ltmp5, $3  }
0x37a: {  	_ =	sdelay $0x1  }
0x37b: {  	v0 =	vpop (erf)  }
0x37c: {  	[tilespmem:s3+$0x1B980] =	vst v0;
	s3 =	sshra.s32 s4, $0x2;
	s4 =	sadd.s32 $0x40, s4  }
0x37d: {  	v0 =	vld [tilespmem:s3+$0x1B980];
	_ =	sdelay $0x4  }
0x37e: {  	v0 =	vsub.f32 $0.0e+00, v0;
	_ =	sdelay $0x1  }
0x37f: {  	v0 =	vmul.f32 $1.442695020e+00, v0;
	_ =	sdelay $0x1  }
0x380: {  	(erf) = vpow2.f32 v0;
	_ =	sdelay $0x8  }
0x381: {  	v0 =	vpop (erf)  }
0x382: {  	v0 =	vadd.f32 $1.000000000e+00, v0;
	_ =	sdelay $0x1  }
0x383: {  	(erf) = vrcp.f32 v0;
	_ =	sdelay $0x8  }
0x384: {  	v0 =	vpop (erf)  }
0x385: {  	s4 =	simm.s32 $0x40;
	s5 =	simm.s32 $0x3;
	[tilespmem:s3+$0x1B980] =	vst v0;
	s3 =	simm.s32 $0x0  }
.LBB2_14:
0x386: {  	p0 =	sne.s32 s4, $0x9FC0;
	v0 =	vld [tilespmem:s3+$0x1BB80];
	_ =	sdelay $0x4  }
0x387: {  	v0 =	vmul.f32 $1.442695020e+00, v0;
	_ =	sdelay $0x1  }
0x388: {  	(erf) = vpow2.f32 v0;
	_ =	sdelay $0x8  }
0x389: {  	v0 =	vpop (erf)  }
0x38a: {  	v0 =	vadd.f32 $1.000000000e+00, v0;
	_ =	sdelay $0x1  }
0x38b: {  	(erf) = vrcp.f32 v0;
	_ =	sdelay $0x5  }
.Ltmp6:
0x38c: {  	(pc) =	sbr.rel @p0 .LBB2_14-.Ltmp6, $3  }
0x38d: {  	_ =	sdelay $0x1  }
0x38e: {  	v0 =	vpop (erf)  }
0x38f: {  	[tilespmem:s3+$0x1BB80] =	vst v0;
	s3 =	sshra.s32 s4, $0x2;
	s4 =	sadd.s32 $0x40, s4  }
0x390: {  	v0 =	vld [tilespmem:s3+$0x1BB80];
	_ =	sdelay $0x4  }
0x391: {  	v0 =	vmul.f32 $1.442695020e+00, v0;
	_ =	sdelay $0x1  }
0x392: {  	(erf) = vpow2.f32 v0;
	_ =	sdelay $0x8  }
0x393: {  	v0 =	vpop (erf)  }
0x394: {  	v0 =	vadd.f32 $1.000000000e+00, v0;
	_ =	sdelay $0x1  }
0x395: {  	(erf) = vrcp.f32 v0;
	_ =	sdelay $0x8  }
0x396: {  	v0 =	vpop (erf)  }
0x397: {  	s0 =	rddreg [dreg:$0xb];
	s4 =	simm.s32 $0x400;
	[tilespmem:s3+$0x1BB80] =	vst v0;
	s3 =	simm.s32 $0x80  }
0x398: {  	[hbm4b:s0+s3] =	stream.strided.scatter [tilespmem:s22], [sflag:$0x3], $0x200, s4, s3, $0x38;
	[tilespmem:$0x1E380] =	vst v63  }
0x399: {  	_ =	swait.ge [sflag:s5], $0x200  }
0x39a: {  	[sflag:s5] =	ssyncset.done $0x0  }
0x39b: {  	s30 =	rddreg [dreg:$0xc];
	[sflag:s5] =	ssyncadd.s32 $0xFFFFFE00  }
0x39c: {  	[hbm4b:s30+s3] =	stream.strided.scatter [tilespmem:s23], [sflag:$0x3], $0x2800, s4, s3, $0x38;
	[tilespmem:$0x1E380] =	vst v63  }
0x39d: {  	_ =	swait.ge [sflag:s5], $0x2800  }
0x39e: {  	s1 =	sadd.s32 $0x1, s1;
	s31 =	rddreg [dreg:$0xd]  }
0x39f: {  	p0 =	sne.s32 s1, s31  }
.Ltmp7:
0x3a0: {  	_ = 	snop;
	(pc) =	sbr.rel @p0 .LBB2_1-.Ltmp7, $3  }
0x3a1: {  	_ =	sdelay $0x1  }
0x3a2: {  	[sflag:s5] =	ssyncset.done $0x0  }
0x3a3: {  	[sflag:s5] =	ssyncadd.s32 $0xFFFFD800  }
0x3a4: {  	_ =	sfence.sel $0x180000  }
0x3a5: {  	[bflag:$0x0] =	sbarrier.arrive $0xFFFF  }
0x3a6: {  	_ =	strace $0x90000047  }
0x3a7: {  	s0 =	stileid.u32;
	[bflag:$0x2] =	sbarrier.arrive $0xFFFF  }
0x3a8: {  	p0 =	sne.s32 s0, $0x0;
	s0 =	rddreg [dreg:$0x7]  }
0x3a9: {  	s0 =	sadd.s32 @!p0 $0x100000, s0  }
0x3aa: {  	[sflag:s0] =	ssyncadd.tile.s32 @!p0 $0x1;
	_ =	shalt  }
.Lfunc_end2:
_tile_overlayer_lowered:
.L_overlay_start_2:
0x3ab: {  	(tag) =	ssettag $0x2  }
0x3ac: {  	s0 =	rddreg [dreg:$0x0];
	s2 =	stileid.u32  }
0x3ad: {  	s1 =	rddreg [dreg:$0x1];
	p0 =	sne.s32 s2, $0x0  }
0x3ae: {  	s3 =	rddreg [dreg:$0x2];
	[bflag:$0x3] =	sbarrier.arrive $0xFFFF;
	s2 =	simm.s32 @!p0 $0x1C03  }
0x3af: {  	[timem:s3], [sflag:s2] =	dma.local @!p0 [hbm:s0], s1  }
0x3b0: {  	s0 =	simm.s32 @!p0 $0x3  }
0x3b1: {  	_ =	swait.ge @!p0 [sflag:s0], s1  }
0x3b2: {  	s1 =	ssub.s32 @!p0 $0x0, s1;
	[sflag:s0] =	ssyncset.done @!p0 $0x0  }
0x3b3: {  	[sflag:s0] =	ssyncadd.s32 @!p0 s1  }
0x3b4: {  	[bflag:$0x3] =	sbarrier.arrive $0xFFFF  }
0x3b5: {  	_ =	shalt  }

</sc_bundles>
